<compile_context>
chip_gen: v7x
topology: tpu7x:2x2x1
jax: 0.10.2.dev20260603
libtpu: 0.0.44.dev20260713+nightly
codegen_flags: <defaults>
</compile_context>

<pallas_src>
import jax
import jax.numpy as jnp
from jax import lax
from jax.experimental import pallas as pl
from jax.experimental.pallas import tpu as pltpu
from jax.experimental.pallas import tpu_sc as plsc

_N = 10000
_NPAD = 10240
_E = 160000
_D = 256
_DH = 128
_CHUNK = 128
_NCHUNKS = _E // _CHUNK
_NSUB = 16
_ROWS_PER_SUB = _NPAD // _NSUB
_TRIPS = -(-_NCHUNKS // _NSUB)


_PAIRS = 39
_FULL = 2 * _PAIRS


def _make_sc_agg(width: int):
    mesh = plsc.VectorSubcoreMesh(core_axis_name="c", subcore_axis_name="s")
    out_type = (
        jax.ShapeDtypeStruct((_NPAD, width), jnp.float32),
        jax.ShapeDtypeStruct((_NPAD, width), jnp.float32),
    )
    scratch = [
        pltpu.VMEM_SHARED((_NPAD, width), jnp.float32),
        pltpu.VMEM((2, _CHUNK), jnp.int32),
        pltpu.VMEM((2, _CHUNK), jnp.int32),
        pltpu.VMEM((_CHUNK, width), jnp.float32),
        pltpu.VMEM((_CHUNK, width), jnp.float32),
        pltpu.SemaphoreType.DMA,
        pltpu.SemaphoreType.DMA,
    ]

    def body(x_lo, x_hi, ec, out_lo, out_hi, acc, idx_a, idx_b,
             rows_a, rows_b, sem_a, sem_b):
        c = lax.axis_index("c")
        t = lax.axis_index("s")
        r0 = t * _ROWS_PER_SUB
        nsplit = _ROWS_PER_SUB // _CHUNK

        zv = jnp.zeros((16,), jnp.float32)

        def zrow(i, _):
            for k in range(width // 16):
                rows_a[i, pl.ds(k * 16, 16)] = zv
            return 0

        lax.fori_loop(0, _CHUNK, zrow, 0)
        for k in range(nsplit):
            pltpu.sync_copy(rows_a, acc.at[pl.ds(r0 + k * _CHUNK, _CHUNK)])
        plsc.subcore_barrier()

        def edge_loop(x_half):
            def gather(idx_v, rows_v, sem):
                return pltpu.make_async_copy(x_half.at[idx_v.at[0]],
                                             rows_v, sem)

            pltpu.sync_copy(ec.at[t], idx_a)
            gather(idx_a, rows_a, sem_a).start()

            def pair(k, _):
                j1 = 2 * k + 1
                pltpu.sync_copy(ec.at[t + _NSUB * j1], idx_b)
                gather(idx_b, rows_b, sem_b).start()
                gather(idx_a, rows_a, sem_a).wait()
                pltpu.sync_copy(rows_a, acc.at[idx_a.at[1]], add=True)

                @pl.when(k < _PAIRS - 1)
                def _():
                    pltpu.sync_copy(ec.at[t + _NSUB * (j1 + 1)], idx_a)
                    gather(idx_a, rows_a, sem_a).start()

                gather(idx_b, rows_b, sem_b).wait()
                pltpu.sync_copy(rows_b, acc.at[idx_b.at[1]], add=True)
                return 0

            lax.fori_loop(0, _PAIRS, pair, 0)

            @pl.when(t < _NCHUNKS - _NSUB * _FULL)
            def _():
                pltpu.sync_copy(ec.at[t + _NSUB * _FULL], idx_a)
                gather(idx_a, rows_a, sem_a).start()
                gather(idx_a, rows_a, sem_a).wait()
                pltpu.sync_copy(rows_a, acc.at[idx_a.at[1]], add=True)

        @pl.when(c == 0)
        def _():
            edge_loop(x_lo)

        @pl.when(c == 1)
        def _():
            edge_loop(x_hi)

        plsc.subcore_barrier()

        def write_out(out_ref):
            for k in range(nsplit):
                sl = pl.ds(r0 + k * _CHUNK, _CHUNK)
                pltpu.sync_copy(acc.at[sl], rows_a)
                pltpu.sync_copy(rows_a, out_ref.at[sl])

        @pl.when(c == 0)
        def _():
            write_out(out_lo)

        @pl.when(c == 1)
        def _():
            write_out(out_hi)

    return pl.kernel(body, out_type=out_type, mesh=mesh,
                     scratch_types=scratch,
                     compiler_params=pltpu.CompilerParams(
                         use_tc_tiling_on_sc=False))


_sc_agg_deg = _make_sc_agg(_DH + 16)
_sc_agg = _make_sc_agg(_DH)

_RB = 1000


def _tc1_body(agg_lo, agg_hi, x, wl, wr, b, h_lo, h_hi):
    inv = 1.0 / jnp.maximum(agg_lo[:, _DH:_DH + 1], 1.0)
    ml = agg_lo[:, :_DH] * inv
    mh = agg_hi[:, :_DH] * inv
    h = (jnp.dot(ml, wl[:_DH, :], preferred_element_type=jnp.float32)
         + jnp.dot(mh, wl[_DH:, :], preferred_element_type=jnp.float32)
         + jnp.dot(x[...], wr[...], preferred_element_type=jnp.float32)
         + b[...])
    h = jnp.maximum(h, 0.0)
    h_lo[...] = h[:, :_DH]
    h_hi[...] = h[:, _DH:]


def _tc2_body(agg_lo, agg_hi, deg144, h_lo, h_hi, wl, wr, b, out):
    inv = 1.0 / jnp.maximum(deg144[:, _DH:_DH + 1], 1.0)
    z = (jnp.dot(agg_lo[...] * inv, wl[:_DH, :], preferred_element_type=jnp.float32)
         + jnp.dot(agg_hi[...] * inv, wl[_DH:, :], preferred_element_type=jnp.float32)
         + jnp.dot(h_lo[...], wr[:_DH, :], preferred_element_type=jnp.float32)
         + jnp.dot(h_hi[...], wr[_DH:, :], preferred_element_type=jnp.float32)
         + b[...])
    zc = z - jnp.max(z, axis=-1, keepdims=True)
    out[...] = zc - jnp.log(jnp.sum(jnp.exp(zc), axis=-1, keepdims=True))


def _row_block(cols):
    return pl.BlockSpec((_RB, cols), lambda i: (i, 0))


def _full_block(rows, cols):
    return pl.BlockSpec((rows, cols), lambda i: (0, 0))


_tc1 = pl.pallas_call(
    _tc1_body,
    grid=(_N // _RB,),
    in_specs=[_row_block(_DH + 16), _row_block(_DH + 16), _row_block(_D),
              _full_block(_D, _D), _full_block(_D, _D), _full_block(1, _D)],
    out_specs=[_row_block(_DH), _row_block(_DH)],
    out_shape=[jax.ShapeDtypeStruct((_N, _DH), jnp.float32),
               jax.ShapeDtypeStruct((_N, _DH), jnp.float32)],
)

_tc2 = pl.pallas_call(
    _tc2_body,
    grid=(_N // _RB,),
    in_specs=[_row_block(_DH), _row_block(_DH), _row_block(_DH + 16),
              _row_block(_DH), _row_block(_DH),
              _full_block(_D, _D), _full_block(_D, _D), _full_block(1, _D)],
    out_specs=_row_block(_D),
    out_shape=jax.ShapeDtypeStruct((_N, _D), jnp.float32),
)


def kernel(x, edge_index, W_l1, b_l1, W_r1, W_l2, b_l2, W_r2):
    ec = edge_index.reshape(2, _NCHUNKS, _CHUNK).transpose(1, 0, 2)
    ones16 = jnp.ones((_N, 16), jnp.float32)
    x_lo = jnp.concatenate([x[:, :_DH], ones16], axis=1)
    x_hi = jnp.concatenate([x[:, _DH:], ones16], axis=1)

    agg_lo_a, agg_hi_a = _sc_agg_deg(x_lo, x_hi, ec)
    h_lo, h_hi = _tc1(agg_lo_a, agg_hi_a, x, W_l1, W_r1, b_l1.reshape(1, _D))
    agg2_lo, agg2_hi = _sc_agg(h_lo, h_hi, ec)
    return _tc2(agg2_lo, agg2_hi, agg_lo_a, h_lo, h_hi, W_l2, W_r2,
                b_l2.reshape(1, _D))

# --- scband reference (transcript-rebuilt; emitter-appended) ---
"""Pipeline reference for scband-sage-69389491634487 (READ-ONLY COPY).

The authoritative reference and input builder live on the scoring server;
editing this copy changes nothing except your own understanding.
"""

import jax, jax.numpy as jnp
import numpy as np

N = 10000
E = 160000
D_IN = 256
D_HID = 256
D_OUT = 256


def setup_inputs(seed: int = 0) -> dict:
    key = jax.random.key(seed)
    ks = jax.random.split(key, 9)
    x = jax.random.normal(ks[0], (N, D_IN), dtype=jnp.float32)
    edge_index = jax.random.randint(ks[1], (2, E), 0, N, dtype=jnp.int32)
    s1 = 1.0 / np.sqrt(D_IN)
    s2 = 1.0 / np.sqrt(D_HID)
    W_l1 = jax.random.uniform(ks[2], (D_IN, D_HID), jnp.float32, -s1, s1)
    b_l1 = jax.random.uniform(ks[3], (D_HID,), jnp.float32, -s1, s1)
    W_r1 = jax.random.uniform(ks[4], (D_IN, D_HID), jnp.float32, -s1, s1)
    W_l2 = jax.random.uniform(ks[5], (D_HID, D_OUT), jnp.float32, -s2, s2)
    b_l2 = jax.random.uniform(ks[6], (D_OUT,), jnp.float32, -s2, s2)
    W_r2 = jax.random.uniform(ks[7], (D_HID, D_OUT), jnp.float32, -s2, s2)
    return {"x": x, "edge_index": edge_index, "W_l1": W_l1, "b_l1": b_l1,
            "W_r1": W_r1, "W_l2": W_l2, "b_l2": b_l2, "W_r2": W_r2}


def _sage_conv(x, edge_index, W_l, b_l, W_r):
    # SAGEConv with mean aggregation: lin_l(mean_{j in N(i)} x_j) + lin_r(x_i)
    src = edge_index[0]
    dst = edge_index[1]
    msg = jnp.take(x, src, axis=0)
    agg = jax.ops.segment_sum(msg, dst, num_segments=N)
    deg = jax.ops.segment_sum(jnp.ones((msg.shape[0],), dtype=x.dtype), dst, num_segments=N)
    agg = agg / jnp.clip(deg, 1.0, None)[:, None]
    return agg @ W_l + b_l + x @ W_r


def reference(x, edge_index, W_l1, b_l1, W_r1, W_l2, b_l2, W_r2):
    # layer 1 + ReLU (dropout is a no-op in eval mode)
    h = _sage_conv(x, edge_index, W_l1, b_l1, W_r1)
    h = jax.nn.relu(h)
    # layer 2
    h = _sage_conv(h, edge_index, W_l2, b_l2, W_r2)
    return jax.nn.log_softmax(h, axis=-1)

if __name__ == "__main__":
    import jax
    _d = setup_inputs()
    print(jax.jit(kernel)(*tuple(_d.values())))

</pallas_src>

<mosaic_0001>
#map = affine_map<(d0, d1) -> (0, 0)>
#map1 = affine_map<(d0, d1) -> (0, 0, 0)>
module attributes {stable_mosaic.version = 14 : i64} {
  func.func @body(%arg0: i32, %arg1: i32, %arg2: memref<10000x144xf32, #tpu.memory_space<hbm>>, %arg3: memref<10000x144xf32, #tpu.memory_space<hbm>>, %arg4: memref<1250x2x128xi32, #tpu.memory_space<hbm>>, %arg5: memref<10240x144xf32, #tpu.memory_space<hbm>>, %arg6: memref<10240x144xf32, #tpu.memory_space<hbm>>, %arg7: memref<10240x144xf32, #tpu.memory_space<vmem_shared>>, %arg8: memref<2x128xi32, #tpu.memory_space<vmem>>, %arg9: memref<2x128xi32, #tpu.memory_space<vmem>>, %arg10: memref<128x144xf32, #tpu.memory_space<vmem>>, %arg11: memref<128x144xf32, #tpu.memory_space<vmem>>, %arg12: memref<!tpu.dma_semaphore, #tpu.memory_space<semaphore_mem>>, %arg13: memref<!tpu.dma_semaphore, #tpu.memory_space<semaphore_mem>>) attributes {dimension_semantics = [#tpu.dimension_semantics<core_parallel>, #tpu.dimension_semantics<subcore_parallel>], iteration_bounds = array<i64: 2, 16>, scalar_prefetch = 0 : i64, scratch_operands = 7 : i64, tpu.core_type = #tpu.core_type<sc_vector_subcore>, window_params = [{transform_indices = #map}, {transform_indices = #map}, {transform_indices = #map1}, {transform_indices = #map}, {transform_indices = #map}]} {
    %mul3A = arith.constant 640 : i32
    %mul3A_0 = arith.muli %arg1, %mul3A : i32
    %broadcast_in_dim3A = arith.constant 0.000000e+00 : f32
    %broadcast_in_dim3A_1 = vector.broadcast %broadcast_in_dim3A : f32 to vector<16xf32>
    %scan3A = arith.constant 0 : i32
    %scan3A_2 = arith.constant 0 : i32
    %scan3A_3 = arith.constant 128 : i32
    %scan3A_4 = arith.addi %scan3A_2, %scan3A_3 : i32
    %scan3A_5 = arith.constant 1 : i32
    %scan3A_6 = scf.for %scan3A_35 = %scan3A_2 to %scan3A_4 step %scan3A_5 iter_args(%scan3A_36 = %scan3A) -> (i32)  : i32 {
      %swap3A = arith.index_cast %scan3A_35 : i32 to index
      %swap3A_37 = arith.constant 0 : index
      %swap3A_38 = tpu.vector_load %arg10[%swap3A, %swap3A_37] {strides = array<i32>} : memref<128x144xf32, #tpu.memory_space<vmem>>, vector<1x16xf32>,
      %swap3A_39 = vector.shape_cast %swap3A_38 : vector<1x16xf32> to vector<16xf32>
      %swap3A_40 = vector.shape_cast %broadcast_in_dim3A_1 : vector<16xf32> to vector<1x16xf32>
      tpu.vector_store %arg10[%swap3A, %swap3A_37], %swap3A_40 {strides = array<i32>} : memref<128x144xf32, #tpu.memory_space<vmem>>, vector<1x16xf32>,
      %swap3A_41 = arith.index_cast %scan3A_35 : i32 to index
      %swap3A_42 = arith.constant 16 : index
      %swap3A_43 = tpu.vector_load %arg10[%swap3A_41, %swap3A_42] {strides = array<i32>} : memref<128x144xf32, #tpu.memory_space<vmem>>, vector<1x16xf32>,
      %swap3A_44 = vector.shape_cast %swap3A_43 : vector<1x16xf32> to vector<16xf32>
      %swap3A_45 = vector.shape_cast %broadcast_in_dim3A_1 : vector<16xf32> to vector<1x16xf32>
      tpu.vector_store %arg10[%swap3A_41, %swap3A_42], %swap3A_45 {strides = array<i32>} : memref<128x144xf32, #tpu.memory_space<vmem>>, vector<1x16xf32>,
      %swap3A_46 = arith.index_cast %scan3A_35 : i32 to index
      %swap3A_47 = arith.constant 32 : index
      %swap3A_48 = tpu.vector_load %arg10[%swap3A_46, %swap3A_47] {strides = array<i32>} : memref<128x144xf32, #tpu.memory_space<vmem>>, vector<1x16xf32>,
      %swap3A_49 = vector.shape_cast %swap3A_48 : vector<1x16xf32> to vector<16xf32>
      %swap3A_50 = vector.shape_cast %broadcast_in_dim3A_1 : vector<16xf32> to vector<1x16xf32>
      tpu.vector_store %arg10[%swap3A_46, %swap3A_47], %swap3A_50 {strides = array<i32>} : memref<128x144xf32, #tpu.memory_space<vmem>>, vector<1x16xf32>,
      %swap3A_51 = arith.index_cast %scan3A_35 : i32 to index
      %swap3A_52 = arith.constant 48 : index
      %swap3A_53 = tpu.vector_load %arg10[%swap3A_51, %swap3A_52] {strides = array<i32>} : memref<128x144xf32, #tpu.memory_space<vmem>>, vector<1x16xf32>,
      %swap3A_54 = vector.shape_cast %swap3A_53 : vector<1x16xf32> to vector<16xf32>
      %swap3A_55 = vector.shape_cast %broadcast_in_dim3A_1 : vector<16xf32> to vector<1x16xf32>
      tpu.vector_store %arg10[%swap3A_51, %swap3A_52], %swap3A_55 {strides = array<i32>} : memref<128x144xf32, #tpu.memory_space<vmem>>, vector<1x16xf32>,
      %swap3A_56 = arith.index_cast %scan3A_35 : i32 to index
      %swap3A_57 = arith.constant 64 : index
      %swap3A_58 = tpu.vector_load %arg10[%swap3A_56, %swap3A_57] {strides = array<i32>} : memref<128x144xf32, #tpu.memory_space<vmem>>, vector<1x16xf32>,
      %swap3A_59 = vector.shape_cast %swap3A_58 : vector<1x16xf32> to vector<16xf32>
      %swap3A_60 = vector.shape_cast %broadcast_in_dim3A_1 : vector<16xf32> to vector<1x16xf32>
      tpu.vector_store %arg10[%swap3A_56, %swap3A_57], %swap3A_60 {strides = array<i32>} : memref<128x144xf32, #tpu.memory_space<vmem>>, vector<1x16xf32>,
      %swap3A_61 = arith.index_cast %scan3A_35 : i32 to index
      %swap3A_62 = arith.constant 80 : index
      %swap3A_63 = tpu.vector_load %arg10[%swap3A_61, %swap3A_62] {strides = array<i32>} : memref<128x144xf32, #tpu.memory_space<vmem>>, vector<1x16xf32>,
      %swap3A_64 = vector.shape_cast %swap3A_63 : vector<1x16xf32> to vector<16xf32>
      %swap3A_65 = vector.shape_cast %broadcast_in_dim3A_1 : vector<16xf32> to vector<1x16xf32>
      tpu.vector_store %arg10[%swap3A_61, %swap3A_62], %swap3A_65 {strides = array<i32>} : memref<128x144xf32, #tpu.memory_space<vmem>>, vector<1x16xf32>,
      %swap3A_66 = arith.index_cast %scan3A_35 : i32 to index
      %swap3A_67 = arith.constant 96 : index
      %swap3A_68 = tpu.vector_load %arg10[%swap3A_66, %swap3A_67] {strides = array<i32>} : memref<128x144xf32, #tpu.memory_space<vmem>>, vector<1x16xf32>,
      %swap3A_69 = vector.shape_cast %swap3A_68 : vector<1x16xf32> to vector<16xf32>
      %swap3A_70 = vector.shape_cast %broadcast_in_dim3A_1 : vector<16xf32> to vector<1x16xf32>
      tpu.vector_store %arg10[%swap3A_66, %swap3A_67], %swap3A_70 {strides = array<i32>} : memref<128x144xf32, #tpu.memory_space<vmem>>, vector<1x16xf32>,
      %swap3A_71 = arith.index_cast %scan3A_35 : i32 to index
      %swap3A_72 = arith.constant 112 : index
      %swap3A_73 = tpu.vector_load %arg10[%swap3A_71, %swap3A_72] {strides = array<i32>} : memref<128x144xf32, #tpu.memory_space<vmem>>, vector<1x16xf32>,
      %swap3A_74 = vector.shape_cast %swap3A_73 : vector<1x16xf32> to vector<16xf32>
      %swap3A_75 = vector.shape_cast %broadcast_in_dim3A_1 : vector<16xf32> to vector<1x16xf32>
      tpu.vector_store %arg10[%swap3A_71, %swap3A_72], %swap3A_75 {strides = array<i32>} : memref<128x144xf32, #tpu.memory_space<vmem>>, vector<1x16xf32>,
      %swap3A_76 = arith.index_cast %scan3A_35 : i32 to index
      %swap3A_77 = arith.constant 128 : index
      %swap3A_78 = tpu.vector_load %arg10[%swap3A_76, %swap3A_77] {strides = array<i32>} : memref<128x144xf32, #tpu.memory_space<vmem>>, vector<1x16xf32>,
      %swap3A_79 = vector.shape_cast %swap3A_78 : vector<1x16xf32> to vector<16xf32>
      %swap3A_80 = vector.shape_cast %broadcast_in_dim3A_1 : vector<16xf32> to vector<1x16xf32>
      tpu.vector_store %arg10[%swap3A_76, %swap3A_77], %swap3A_80 {strides = array<i32>} : memref<128x144xf32, #tpu.memory_space<vmem>>, vector<1x16xf32>,
      %scan3A_81 = arith.constant 0 : i32
      scf.yield %scan3A_81 : i32
    }
    %scan3A_7 = arith.constant 128 : i32
    %add3A = arith.constant 0 : i32
    %add3A_8 = arith.addi %mul3A_0, %add3A : i32
    "tpu.region"() ({
      %run_scoped3A = tpu.sem_alloc : memref<!tpu.dma_semaphore, #tpu.memory_space<semaphore_mem>>
      %dma_start3A = arith.constant 0 : i32
      %dma_start3A_35 = tpu.memref_slice %arg7[%add3A_8, %dma_start3A] : memref<10240x144xf32, #tpu.memory_space<vmem_shared>> -> memref<128x144xf32, #tpu.memory_space<vmem_shared>>
      %dma_start3A_36 = arith.constant 0 : i32
      %dma_start3A_37 = tpu.memref_slice %arg7[%add3A_8, %dma_start3A_36] : memref<10240x144xf32, #tpu.memory_space<vmem_shared>> -> memref<128x144xf32, #tpu.memory_space<vmem_shared>>
      tpu.enqueue_dma source(%arg10 : memref<128x144xf32, #tpu.memory_space<vmem>>) target(%dma_start3A_37 : memref<128x144xf32, #tpu.memory_space<vmem_shared>>) target_semaphore(%run_scoped3A : memref<!tpu.dma_semaphore, #tpu.memory_space<semaphore_mem>>)
      %dma_wait3A = arith.constant 0 : i32
      %dma_wait3A_38 = tpu.memref_slice %arg7[%add3A_8, %dma_wait3A] : memref<10240x144xf32, #tpu.memory_space<vmem_shared>> -> memref<128x144xf32, #tpu.memory_space<vmem_shared>>
      %dma_wait3A_39 = arith.constant 0 : i32
      %dma_wait3A_40 = tpu.memref_slice %arg7[%add3A_8, %dma_wait3A_39] : memref<10240x144xf32, #tpu.memory_space<vmem_shared>> -> memref<128x144xf32, #tpu.memory_space<vmem_shared>>
      tpu.wait_dma2 semaphore(%run_scoped3A : memref<!tpu.dma_semaphore, #tpu.memory_space<semaphore_mem>>) src(%arg10 : memref<128x144xf32, #tpu.memory_space<vmem>>) dst(%dma_wait3A_40 : memref<128x144xf32, #tpu.memory_space<vmem_shared>>)
      tpu.yield
    }) : () -> ()
    %add3A_9 = arith.constant 128 : i32
    %add3A_10 = arith.addi %mul3A_0, %add3A_9 : i32
    "tpu.region"() ({
      %run_scoped3A = tpu.sem_alloc : memref<!tpu.dma_semaphore, #tpu.memory_space<semaphore_mem>>
      %dma_start3A = arith.constant 0 : i32
      %dma_start3A_35 = tpu.memref_slice %arg7[%add3A_10, %dma_start3A] : memref<10240x144xf32, #tpu.memory_space<vmem_shared>> -> memref<128x144xf32, #tpu.memory_space<vmem_shared>>
      %dma_start3A_36 = arith.constant 0 : i32
      %dma_start3A_37 = tpu.memref_slice %arg7[%add3A_10, %dma_start3A_36] : memref<10240x144xf32, #tpu.memory_space<vmem_shared>> -> memref<128x144xf32, #tpu.memory_space<vmem_shared>>
      tpu.enqueue_dma source(%arg10 : memref<128x144xf32, #tpu.memory_space<vmem>>) target(%dma_start3A_37 : memref<128x144xf32, #tpu.memory_space<vmem_shared>>) target_semaphore(%run_scoped3A : memref<!tpu.dma_semaphore, #tpu.memory_space<semaphore_mem>>)
      %dma_wait3A = arith.constant 0 : i32
      %dma_wait3A_38 = tpu.memref_slice %arg7[%add3A_10, %dma_wait3A] : memref<10240x144xf32, #tpu.memory_space<vmem_shared>> -> memref<128x144xf32, #tpu.memory_space<vmem_shared>>
      %dma_wait3A_39 = arith.constant 0 : i32
      %dma_wait3A_40 = tpu.memref_slice %arg7[%add3A_10, %dma_wait3A_39] : memref<10240x144xf32, #tpu.memory_space<vmem_shared>> -> memref<128x144xf32, #tpu.memory_space<vmem_shared>>
      tpu.wait_dma2 semaphore(%run_scoped3A : memref<!tpu.dma_semaphore, #tpu.memory_space<semaphore_mem>>) src(%arg10 : memref<128x144xf32, #tpu.memory_space<vmem>>) dst(%dma_wait3A_40 : memref<128x144xf32, #tpu.memory_space<vmem_shared>>)
      tpu.yield
    }) : () -> ()
    %add3A_11 = arith.constant 256 : i32
    %add3A_12 = arith.addi %mul3A_0, %add3A_11 : i32
    "tpu.region"() ({
      %run_scoped3A = tpu.sem_alloc : memref<!tpu.dma_semaphore, #tpu.memory_space<semaphore_mem>>
      %dma_start3A = arith.constant 0 : i32
      %dma_start3A_35 = tpu.memref_slice %arg7[%add3A_12, %dma_start3A] : memref<10240x144xf32, #tpu.memory_space<vmem_shared>> -> memref<128x144xf32, #tpu.memory_space<vmem_shared>>
      %dma_start3A_36 = arith.constant 0 : i32
      %dma_start3A_37 = tpu.memref_slice %arg7[%add3A_12, %dma_start3A_36] : memref<10240x144xf32, #tpu.memory_space<vmem_shared>> -> memref<128x144xf32, #tpu.memory_space<vmem_shared>>
      tpu.enqueue_dma source(%arg10 : memref<128x144xf32, #tpu.memory_space<vmem>>) target(%dma_start3A_37 : memref<128x144xf32, #tpu.memory_space<vmem_shared>>) target_semaphore(%run_scoped3A : memref<!tpu.dma_semaphore, #tpu.memory_space<semaphore_mem>>)
      %dma_wait3A = arith.constant 0 : i32
      %dma_wait3A_38 = tpu.memref_slice %arg7[%add3A_12, %dma_wait3A] : memref<10240x144xf32, #tpu.memory_space<vmem_shared>> -> memref<128x144xf32, #tpu.memory_space<vmem_shared>>
      %dma_wait3A_39 = arith.constant 0 : i32
      %dma_wait3A_40 = tpu.memref_slice %arg7[%add3A_12, %dma_wait3A_39] : memref<10240x144xf32, #tpu.memory_space<vmem_shared>> -> memref<128x144xf32, #tpu.memory_space<vmem_shared>>
      tpu.wait_dma2 semaphore(%run_scoped3A : memref<!tpu.dma_semaphore, #tpu.memory_space<semaphore_mem>>) src(%arg10 : memref<128x144xf32, #tpu.memory_space<vmem>>) dst(%dma_wait3A_40 : memref<128x144xf32, #tpu.memory_space<vmem_shared>>)
      tpu.yield
    }) : () -> ()
    %add3A_13 = arith.constant 384 : i32
    %add3A_14 = arith.addi %mul3A_0, %add3A_13 : i32
    "tpu.region"() ({
      %run_scoped3A = tpu.sem_alloc : memref<!tpu.dma_semaphore, #tpu.memory_space<semaphore_mem>>
      %dma_start3A = arith.constant 0 : i32
      %dma_start3A_35 = tpu.memref_slice %arg7[%add3A_14, %dma_start3A] : memref<10240x144xf32, #tpu.memory_space<vmem_shared>> -> memref<128x144xf32, #tpu.memory_space<vmem_shared>>
      %dma_start3A_36 = arith.constant 0 : i32
      %dma_start3A_37 = tpu.memref_slice %arg7[%add3A_14, %dma_start3A_36] : memref<10240x144xf32, #tpu.memory_space<vmem_shared>> -> memref<128x144xf32, #tpu.memory_space<vmem_shared>>
      tpu.enqueue_dma source(%arg10 : memref<128x144xf32, #tpu.memory_space<vmem>>) target(%dma_start3A_37 : memref<128x144xf32, #tpu.memory_space<vmem_shared>>) target_semaphore(%run_scoped3A : memref<!tpu.dma_semaphore, #tpu.memory_space<semaphore_mem>>)
      %dma_wait3A = arith.constant 0 : i32
      %dma_wait3A_38 = tpu.memref_slice %arg7[%add3A_14, %dma_wait3A] : memref<10240x144xf32, #tpu.memory_space<vmem_shared>> -> memref<128x144xf32, #tpu.memory_space<vmem_shared>>
      %dma_wait3A_39 = arith.constant 0 : i32
      %dma_wait3A_40 = tpu.memref_slice %arg7[%add3A_14, %dma_wait3A_39] : memref<10240x144xf32, #tpu.memory_space<vmem_shared>> -> memref<128x144xf32, #tpu.memory_space<vmem_shared>>
      tpu.wait_dma2 semaphore(%run_scoped3A : memref<!tpu.dma_semaphore, #tpu.memory_space<semaphore_mem>>) src(%arg10 : memref<128x144xf32, #tpu.memory_space<vmem>>) dst(%dma_wait3A_40 : memref<128x144xf32, #tpu.memory_space<vmem_shared>>)
      tpu.yield
    }) : () -> ()
    %add3A_15 = arith.constant 512 : i32
    %add3A_16 = arith.addi %mul3A_0, %add3A_15 : i32
    "tpu.region"() ({
      %run_scoped3A = tpu.sem_alloc : memref<!tpu.dma_semaphore, #tpu.memory_space<semaphore_mem>>
      %dma_start3A = arith.constant 0 : i32
      %dma_start3A_35 = tpu.memref_slice %arg7[%add3A_16, %dma_start3A] : memref<10240x144xf32, #tpu.memory_space<vmem_shared>> -> memref<128x144xf32, #tpu.memory_space<vmem_shared>>
      %dma_start3A_36 = arith.constant 0 : i32
      %dma_start3A_37 = tpu.memref_slice %arg7[%add3A_16, %dma_start3A_36] : memref<10240x144xf32, #tpu.memory_space<vmem_shared>> -> memref<128x144xf32, #tpu.memory_space<vmem_shared>>
      tpu.enqueue_dma source(%arg10 : memref<128x144xf32, #tpu.memory_space<vmem>>) target(%dma_start3A_37 : memref<128x144xf32, #tpu.memory_space<vmem_shared>>) target_semaphore(%run_scoped3A : memref<!tpu.dma_semaphore, #tpu.memory_space<semaphore_mem>>)
      %dma_wait3A = arith.constant 0 : i32
      %dma_wait3A_38 = tpu.memref_slice %arg7[%add3A_16, %dma_wait3A] : memref<10240x144xf32, #tpu.memory_space<vmem_shared>> -> memref<128x144xf32, #tpu.memory_space<vmem_shared>>
      %dma_wait3A_39 = arith.constant 0 : i32
      %dma_wait3A_40 = tpu.memref_slice %arg7[%add3A_16, %dma_wait3A_39] : memref<10240x144xf32, #tpu.memory_space<vmem_shared>> -> memref<128x144xf32, #tpu.memory_space<vmem_shared>>
      tpu.wait_dma2 semaphore(%run_scoped3A : memref<!tpu.dma_semaphore, #tpu.memory_space<semaphore_mem>>) src(%arg10 : memref<128x144xf32, #tpu.memory_space<vmem>>) dst(%dma_wait3A_40 : memref<128x144xf32, #tpu.memory_space<vmem_shared>>)
      tpu.yield
    }) : () -> ()
    %barrier3A = arith.constant 0 : index
    tpu.barrier barrier_id(%barrier3A)
    %eq3A = arith.constant 0 : i32
    %eq3A_17 = arith.cmpi eq, %arg0, %eq3A : i32
    %convert_element_type3A = arith.extui %eq3A_17 : i1 to i32
    %cond3A = arith.constant 0 : i32
    %cond3A_18 = arith.cmpi ne, %convert_element_type3A, %cond3A : i32
    scf.if %cond3A_18 {
      "tpu.region"() ({
        %run_scoped3A = tpu.sem_alloc : memref<!tpu.dma_semaphore, #tpu.memory_space<semaphore_mem>>
        %dma_start3A_52 = arith.constant 0 : i32
        %dma_start3A_53 = arith.constant 0 : i32
        %dma_start3A_54 = tpu.memref_slice %arg4[%arg1, %dma_start3A_52, %dma_start3A_53] : memref<1250x2x128xi32, #tpu.memory_space<hbm>> -> memref<1x2x128xi32, #tpu.memory_space<hbm>>
        %dma_start3A_55 = tpu.memref_squeeze %dma_start3A_54 : memref<1x2x128xi32, #tpu.memory_space<hbm>> -> memref<2x128xi32, #tpu.memory_space<hbm>>
        %dma_start3A_56 = arith.constant 0 : i32
        %dma_start3A_57 = arith.constant 0 : i32
        %dma_start3A_58 = tpu.memref_slice %arg4[%arg1, %dma_start3A_56, %dma_start3A_57] : memref<1250x2x128xi32, #tpu.memory_space<hbm>> -> memref<1x2x128xi32, #tpu.memory_space<hbm>>
        %dma_start3A_59 = tpu.memref_squeeze %dma_start3A_58 : memref<1x2x128xi32, #tpu.memory_space<hbm>> -> memref<2x128xi32, #tpu.memory_space<hbm>>
        tpu.enqueue_dma source(%dma_start3A_59 : memref<2x128xi32, #tpu.memory_space<hbm>>) target(%arg8 : memref<2x128xi32, #tpu.memory_space<vmem>>) target_semaphore(%run_scoped3A : memref<!tpu.dma_semaphore, #tpu.memory_space<semaphore_mem>>)
        %dma_wait3A = arith.constant 0 : i32
        %dma_wait3A_60 = arith.constant 0 : i32
        %dma_wait3A_61 = tpu.memref_slice %arg4[%arg1, %dma_wait3A, %dma_wait3A_60] : memref<1250x2x128xi32, #tpu.memory_space<hbm>> -> memref<1x2x128xi32, #tpu.memory_space<hbm>>
        %dma_wait3A_62 = tpu.memref_squeeze %dma_wait3A_61 : memref<1x2x128xi32, #tpu.memory_space<hbm>> -> memref<2x128xi32, #tpu.memory_space<hbm>>
        %dma_wait3A_63 = arith.constant 0 : i32
        %dma_wait3A_64 = arith.constant 0 : i32
        %dma_wait3A_65 = tpu.memref_slice %arg4[%arg1, %dma_wait3A_63, %dma_wait3A_64] : memref<1250x2x128xi32, #tpu.memory_space<hbm>> -> memref<1x2x128xi32, #tpu.memory_space<hbm>>
        %dma_wait3A_66 = tpu.memref_squeeze %dma_wait3A_65 : memref<1x2x128xi32, #tpu.memory_space<hbm>> -> memref<2x128xi32, #tpu.memory_space<hbm>>
        tpu.wait_dma2 semaphore(%run_scoped3A : memref<!tpu.dma_semaphore, #tpu.memory_space<semaphore_mem>>) src(%dma_wait3A_66 : memref<2x128xi32, #tpu.memory_space<hbm>>) dst(%arg8 : memref<2x128xi32, #tpu.memory_space<vmem>>)
        tpu.yield
      }) : () -> ()
      %dma_start3A = arith.constant 0 : i32
      %dma_start3A_35 = arith.constant 0 : i32
      %dma_start3A_36 = tpu.memref_slice %arg8[%dma_start3A, %dma_start3A_35] : memref<2x128xi32, #tpu.memory_space<vmem>> -> memref<1x128xi32, #tpu.memory_space<vmem>>
      %dma_start3A_37 = tpu.memref_squeeze %dma_start3A_36 : memref<1x128xi32, #tpu.memory_space<vmem>> -> memref<128xi32, #tpu.memory_space<vmem>>
      %dma_start3A_38 = arith.constant 0 : i32
      %dma_start3A_39 = arith.constant 0 : i32
      %dma_start3A_40 = tpu.memref_slice %arg2[%dma_start3A_38, %dma_start3A_39] : memref<10000x144xf32, #tpu.memory_space<hbm>> -> memref<10000x144xf32, #tpu.memory_space<hbm>>
      tpu.enqueue_indirect_dma source(%dma_start3A_40 : memref<10000x144xf32, #tpu.memory_space<hbm>>) target(%arg10 : memref<128x144xf32, #tpu.memory_space<vmem>>) offsets(%dma_start3A_37 : memref<128xi32, #tpu.memory_space<vmem>>) semaphore(%arg12 : memref<!tpu.dma_semaphore, #tpu.memory_space<semaphore_mem>>)
      %scan3A_41 = arith.constant 0 : i32
      %scan3A_42 = arith.constant 0 : i32
      %scan3A_43 = arith.constant 39 : i32
      %scan3A_44 = arith.addi %scan3A_42, %scan3A_43 : i32
      %scan3A_45 = arith.constant 1 : i32
      %scan3A_46 = scf.for %scan3A_52 = %scan3A_42 to %scan3A_44 step %scan3A_45 iter_args(%scan3A_53 = %scan3A_41) -> (i32)  : i32 {
        %mul3A_54 = arith.constant 2 : i32
        %mul3A_55 = arith.muli %mul3A_54, %scan3A_52 : i32
        %add3A_56 = arith.constant 1 : i32
        %add3A_57 = arith.addi %mul3A_55, %add3A_56 : i32
        %mul3A_58 = arith.constant 16 : i32
        %mul3A_59 = arith.muli %mul3A_58, %add3A_57 : i32
        %add3A_60 = arith.addi %arg1, %mul3A_59 : i32
        "tpu.region"() ({
          %run_scoped3A_88 = tpu.sem_alloc : memref<!tpu.dma_semaphore, #tpu.memory_space<semaphore_mem>>
          %dma_start3A_89 = arith.constant 0 : i32
          %dma_start3A_90 = arith.constant 0 : i32
          %dma_start3A_91 = tpu.memref_slice %arg4[%add3A_60, %dma_start3A_89, %dma_start3A_90] : memref<1250x2x128xi32, #tpu.memory_space<hbm>> -> memref<1x2x128xi32, #tpu.memory_space<hbm>>
          %dma_start3A_92 = tpu.memref_squeeze %dma_start3A_91 : memref<1x2x128xi32, #tpu.memory_space<hbm>> -> memref<2x128xi32, #tpu.memory_space<hbm>>
          %dma_start3A_93 = arith.constant 0 : i32
          %dma_start3A_94 = arith.constant 0 : i32
          %dma_start3A_95 = tpu.memref_slice %arg4[%add3A_60, %dma_start3A_93, %dma_start3A_94] : memref<1250x2x128xi32, #tpu.memory_space<hbm>> -> memref<1x2x128xi32, #tpu.memory_space<hbm>>
          %dma_start3A_96 = tpu.memref_squeeze %dma_start3A_95 : memref<1x2x128xi32, #tpu.memory_space<hbm>> -> memref<2x128xi32, #tpu.memory_space<hbm>>
          tpu.enqueue_dma source(%dma_start3A_96 : memref<2x128xi32, #tpu.memory_space<hbm>>) target(%arg9 : memref<2x128xi32, #tpu.memory_space<vmem>>) target_semaphore(%run_scoped3A_88 : memref<!tpu.dma_semaphore, #tpu.memory_space<semaphore_mem>>)
          %dma_wait3A_97 = arith.constant 0 : i32
          %dma_wait3A_98 = arith.constant 0 : i32
          %dma_wait3A_99 = tpu.memref_slice %arg4[%add3A_60, %dma_wait3A_97, %dma_wait3A_98] : memref<1250x2x128xi32, #tpu.memory_space<hbm>> -> memref<1x2x128xi32, #tpu.memory_space<hbm>>
          %dma_wait3A_100 = tpu.memref_squeeze %dma_wait3A_99 : memref<1x2x128xi32, #tpu.memory_space<hbm>> -> memref<2x128xi32, #tpu.memory_space<hbm>>
          %dma_wait3A_101 = arith.constant 0 : i32
          %dma_wait3A_102 = arith.constant 0 : i32
          %dma_wait3A_103 = tpu.memref_slice %arg4[%add3A_60, %dma_wait3A_101, %dma_wait3A_102] : memref<1250x2x128xi32, #tpu.memory_space<hbm>> -> memref<1x2x128xi32, #tpu.memory_space<hbm>>
          %dma_wait3A_104 = tpu.memref_squeeze %dma_wait3A_103 : memref<1x2x128xi32, #tpu.memory_space<hbm>> -> memref<2x128xi32, #tpu.memory_space<hbm>>
          tpu.wait_dma2 semaphore(%run_scoped3A_88 : memref<!tpu.dma_semaphore, #tpu.memory_space<semaphore_mem>>) src(%dma_wait3A_104 : memref<2x128xi32, #tpu.memory_space<hbm>>) dst(%arg9 : memref<2x128xi32, #tpu.memory_space<vmem>>)
          tpu.yield
        }) : () -> ()
        %dma_start3A_61 = arith.constant 0 : i32
        %dma_start3A_62 = arith.constant 0 : i32
        %dma_start3A_63 = tpu.memref_slice %arg9[%dma_start3A_61, %dma_start3A_62] : memref<2x128xi32, #tpu.memory_space<vmem>> -> memref<1x128xi32, #tpu.memory_space<vmem>>
        %dma_start3A_64 = tpu.memref_squeeze %dma_start3A_63 : memref<1x128xi32, #tpu.memory_space<vmem>> -> memref<128xi32, #tpu.memory_space<vmem>>
        %dma_start3A_65 = arith.constant 0 : i32
        %dma_start3A_66 = arith.constant 0 : i32
        %dma_start3A_67 = tpu.memref_slice %arg2[%dma_start3A_65, %dma_start3A_66] : memref<10000x144xf32, #tpu.memory_space<hbm>> -> memref<10000x144xf32, #tpu.memory_space<hbm>>
        tpu.enqueue_indirect_dma source(%dma_start3A_67 : memref<10000x144xf32, #tpu.memory_space<hbm>>) target(%arg11 : memref<128x144xf32, #tpu.memory_space<vmem>>) offsets(%dma_start3A_64 : memref<128xi32, #tpu.memory_space<vmem>>) semaphore(%arg13 : memref<!tpu.dma_semaphore, #tpu.memory_space<semaphore_mem>>)
        %dma_wait3A = arith.constant 0 : i32
        %dma_wait3A_68 = arith.constant 0 : i32
        %dma_wait3A_69 = tpu.memref_slice %arg8[%dma_wait3A, %dma_wait3A_68] : memref<2x128xi32, #tpu.memory_space<vmem>> -> memref<1x128xi32, #tpu.memory_space<vmem>>
        %dma_wait3A_70 = tpu.memref_squeeze %dma_wait3A_69 : memref<1x128xi32, #tpu.memory_space<vmem>> -> memref<128xi32, #tpu.memory_space<vmem>>
        %dma_wait3A_71 = arith.constant 0 : i32
        %dma_wait3A_72 = arith.constant 0 : i32
        %dma_wait3A_73 = tpu.memref_slice %arg2[%dma_wait3A_71, %dma_wait3A_72] : memref<10000x144xf32, #tpu.memory_space<hbm>> -> memref<10000x144xf32, #tpu.memory_space<hbm>>
        tpu.wait_indirect_dma semaphore(%arg12 : memref<!tpu.dma_semaphore, #tpu.memory_space<semaphore_mem>>) src(%dma_wait3A_73 : memref<10000x144xf32, #tpu.memory_space<hbm>>) dst(%arg10 : memref<128x144xf32, #tpu.memory_space<vmem>>)
        %run_scoped3A = arith.constant 1 : i32
        "tpu.region"() ({
          %run_scoped3A_88 = tpu.sem_alloc : memref<!tpu.dma_semaphore, #tpu.memory_space<semaphore_mem>>
          %dma_start3A_89 = arith.constant 0 : i32
          %dma_start3A_90 = tpu.memref_slice %arg8[%run_scoped3A, %dma_start3A_89] : memref<2x128xi32, #tpu.memory_space<vmem>> -> memref<1x128xi32, #tpu.memory_space<vmem>>
          %dma_start3A_91 = tpu.memref_squeeze %dma_start3A_90 : memref<1x128xi32, #tpu.memory_space<vmem>> -> memref<128xi32, #tpu.memory_space<vmem>>
          %dma_start3A_92 = arith.constant 0 : i32
          %dma_start3A_93 = arith.constant 0 : i32
          %dma_start3A_94 = tpu.memref_slice %arg7[%dma_start3A_92, %dma_start3A_93] : memref<10240x144xf32, #tpu.memory_space<vmem_shared>> -> memref<10240x144xf32, #tpu.memory_space<vmem_shared>>
          tpu.enqueue_indirect_dma source(%arg10 : memref<128x144xf32, #tpu.memory_space<vmem>>) target(%dma_start3A_94 : memref<10240x144xf32, #tpu.memory_space<vmem_shared>>) offsets(%dma_start3A_91 : memref<128xi32, #tpu.memory_space<vmem>>) semaphore(%run_scoped3A_88 : memref<!tpu.dma_semaphore, #tpu.memory_space<semaphore_mem>>) {add = true}
          %dma_wait3A_95 = arith.constant 0 : i32
          %dma_wait3A_96 = tpu.memref_slice %arg8[%run_scoped3A, %dma_wait3A_95] : memref<2x128xi32, #tpu.memory_space<vmem>> -> memref<1x128xi32, #tpu.memory_space<vmem>>
          %dma_wait3A_97 = tpu.memref_squeeze %dma_wait3A_96 : memref<1x128xi32, #tpu.memory_space<vmem>> -> memref<128xi32, #tpu.memory_space<vmem>>
          %dma_wait3A_98 = arith.constant 0 : i32
          %dma_wait3A_99 = arith.constant 0 : i32
          %dma_wait3A_100 = tpu.memref_slice %arg7[%dma_wait3A_98, %dma_wait3A_99] : memref<10240x144xf32, #tpu.memory_space<vmem_shared>> -> memref<10240x144xf32, #tpu.memory_space<vmem_shared>>
          tpu.wait_indirect_dma semaphore(%run_scoped3A_88 : memref<!tpu.dma_semaphore, #tpu.memory_space<semaphore_mem>>) src(%arg10 : memref<128x144xf32, #tpu.memory_space<vmem>>) dst(%dma_wait3A_100 : memref<10240x144xf32, #tpu.memory_space<vmem_shared>>)
          tpu.yield
        }) : () -> ()
        %lt3A_74 = arith.constant 38 : i32
        %lt3A_75 = arith.cmpi slt, %scan3A_52, %lt3A_74 : i32
        %convert_element_type3A_76 = arith.extui %lt3A_75 : i1 to i32
        %cond3A_77 = arith.constant 0 : i32
        %cond3A_78 = arith.cmpi ne, %convert_element_type3A_76, %cond3A_77 : i32
        scf.if %cond3A_78 {
          %add3A_88 = arith.constant 1 : i32
          %add3A_89 = arith.addi %add3A_57, %add3A_88 : i32
          %mul3A_90 = arith.constant 16 : i32
          %mul3A_91 = arith.muli %mul3A_90, %add3A_89 : i32
          %add3A_92 = arith.addi %arg1, %mul3A_91 : i32
          "tpu.region"() ({
            %run_scoped3A_100 = tpu.sem_alloc : memref<!tpu.dma_semaphore, #tpu.memory_space<semaphore_mem>>
            %dma_start3A_101 = arith.constant 0 : i32
            %dma_start3A_102 = arith.constant 0 : i32
            %dma_start3A_103 = tpu.memref_slice %arg4[%add3A_92, %dma_start3A_101, %dma_start3A_102] : memref<1250x2x128xi32, #tpu.memory_space<hbm>> -> memref<1x2x128xi32, #tpu.memory_space<hbm>>
            %dma_start3A_104 = tpu.memref_squeeze %dma_start3A_103 : memref<1x2x128xi32, #tpu.memory_space<hbm>> -> memref<2x128xi32, #tpu.memory_space<hbm>>
            %dma_start3A_105 = arith.constant 0 : i32
            %dma_start3A_106 = arith.constant 0 : i32
            %dma_start3A_107 = tpu.memref_slice %arg4[%add3A_92, %dma_start3A_105, %dma_start3A_106] : memref<1250x2x128xi32, #tpu.memory_space<hbm>> -> memref<1x2x128xi32, #tpu.memory_space<hbm>>
            %dma_start3A_108 = tpu.memref_squeeze %dma_start3A_107 : memref<1x2x128xi32, #tpu.memory_space<hbm>> -> memref<2x128xi32, #tpu.memory_space<hbm>>
            tpu.enqueue_dma source(%dma_start3A_108 : memref<2x128xi32, #tpu.memory_space<hbm>>) target(%arg8 : memref<2x128xi32, #tpu.memory_space<vmem>>) target_semaphore(%run_scoped3A_100 : memref<!tpu.dma_semaphore, #tpu.memory_space<semaphore_mem>>)
            %dma_wait3A_109 = arith.constant 0 : i32
            %dma_wait3A_110 = arith.constant 0 : i32
            %dma_wait3A_111 = tpu.memref_slice %arg4[%add3A_92, %dma_wait3A_109, %dma_wait3A_110] : memref<1250x2x128xi32, #tpu.memory_space<hbm>> -> memref<1x2x128xi32, #tpu.memory_space<hbm>>
            %dma_wait3A_112 = tpu.memref_squeeze %dma_wait3A_111 : memref<1x2x128xi32, #tpu.memory_space<hbm>> -> memref<2x128xi32, #tpu.memory_space<hbm>>
            %dma_wait3A_113 = arith.constant 0 : i32
            %dma_wait3A_114 = arith.constant 0 : i32
            %dma_wait3A_115 = tpu.memref_slice %arg4[%add3A_92, %dma_wait3A_113, %dma_wait3A_114] : memref<1250x2x128xi32, #tpu.memory_space<hbm>> -> memref<1x2x128xi32, #tpu.memory_space<hbm>>
            %dma_wait3A_116 = tpu.memref_squeeze %dma_wait3A_115 : memref<1x2x128xi32, #tpu.memory_space<hbm>> -> memref<2x128xi32, #tpu.memory_space<hbm>>
            tpu.wait_dma2 semaphore(%run_scoped3A_100 : memref<!tpu.dma_semaphore, #tpu.memory_space<semaphore_mem>>) src(%dma_wait3A_116 : memref<2x128xi32, #tpu.memory_space<hbm>>) dst(%arg8 : memref<2x128xi32, #tpu.memory_space<vmem>>)
            tpu.yield
          }) : () -> ()
          %dma_start3A_93 = arith.constant 0 : i32
          %dma_start3A_94 = arith.constant 0 : i32
          %dma_start3A_95 = tpu.memref_slice %arg8[%dma_start3A_93, %dma_start3A_94] : memref<2x128xi32, #tpu.memory_space<vmem>> -> memref<1x128xi32, #tpu.memory_space<vmem>>
          %dma_start3A_96 = tpu.memref_squeeze %dma_start3A_95 : memref<1x128xi32, #tpu.memory_space<vmem>> -> memref<128xi32, #tpu.memory_space<vmem>>
          %dma_start3A_97 = arith.constant 0 : i32
          %dma_start3A_98 = arith.constant 0 : i32
          %dma_start3A_99 = tpu.memref_slice %arg2[%dma_start3A_97, %dma_start3A_98] : memref<10000x144xf32, #tpu.memory_space<hbm>> -> memref<10000x144xf32, #tpu.memory_space<hbm>>
          tpu.enqueue_indirect_dma source(%dma_start3A_99 : memref<10000x144xf32, #tpu.memory_space<hbm>>) target(%arg10 : memref<128x144xf32, #tpu.memory_space<vmem>>) offsets(%dma_start3A_96 : memref<128xi32, #tpu.memory_space<vmem>>) semaphore(%arg12 : memref<!tpu.dma_semaphore, #tpu.memory_space<semaphore_mem>>)
        } else {
        }
        %dma_wait3A_79 = arith.constant 0 : i32
        %dma_wait3A_80 = arith.constant 0 : i32
        %dma_wait3A_81 = tpu.memref_slice %arg9[%dma_wait3A_79, %dma_wait3A_80] : memref<2x128xi32, #tpu.memory_space<vmem>> -> memref<1x128xi32, #tpu.memory_space<vmem>>
        %dma_wait3A_82 = tpu.memref_squeeze %dma_wait3A_81 : memref<1x128xi32, #tpu.memory_space<vmem>> -> memref<128xi32, #tpu.memory_space<vmem>>
        %dma_wait3A_83 = arith.constant 0 : i32
        %dma_wait3A_84 = arith.constant 0 : i32
        %dma_wait3A_85 = tpu.memref_slice %arg2[%dma_wait3A_83, %dma_wait3A_84] : memref<10000x144xf32, #tpu.memory_space<hbm>> -> memref<10000x144xf32, #tpu.memory_space<hbm>>
        tpu.wait_indirect_dma semaphore(%arg13 : memref<!tpu.dma_semaphore, #tpu.memory_space<semaphore_mem>>) src(%dma_wait3A_85 : memref<10000x144xf32, #tpu.memory_space<hbm>>) dst(%arg11 : memref<128x144xf32, #tpu.memory_space<vmem>>)
        %run_scoped3A_86 = arith.constant 1 : i32
        "tpu.region"() ({
          %run_scoped3A_88 = tpu.sem_alloc : memref<!tpu.dma_semaphore, #tpu.memory_space<semaphore_mem>>
          %dma_start3A_89 = arith.constant 0 : i32
          %dma_start3A_90 = tpu.memref_slice %arg9[%run_scoped3A_86, %dma_start3A_89] : memref<2x128xi32, #tpu.memory_space<vmem>> -> memref<1x128xi32, #tpu.memory_space<vmem>>
          %dma_start3A_91 = tpu.memref_squeeze %dma_start3A_90 : memref<1x128xi32, #tpu.memory_space<vmem>> -> memref<128xi32, #tpu.memory_space<vmem>>
          %dma_start3A_92 = arith.constant 0 : i32
          %dma_start3A_93 = arith.constant 0 : i32
          %dma_start3A_94 = tpu.memref_slice %arg7[%dma_start3A_92, %dma_start3A_93] : memref<10240x144xf32, #tpu.memory_space<vmem_shared>> -> memref<10240x144xf32, #tpu.memory_space<vmem_shared>>
          tpu.enqueue_indirect_dma source(%arg11 : memref<128x144xf32, #tpu.memory_space<vmem>>) target(%dma_start3A_94 : memref<10240x144xf32, #tpu.memory_space<vmem_shared>>) offsets(%dma_start3A_91 : memref<128xi32, #tpu.memory_space<vmem>>) semaphore(%run_scoped3A_88 : memref<!tpu.dma_semaphore, #tpu.memory_space<semaphore_mem>>) {add = true}
          %dma_wait3A_95 = arith.constant 0 : i32
          %dma_wait3A_96 = tpu.memref_slice %arg9[%run_scoped3A_86, %dma_wait3A_95] : memref<2x128xi32, #tpu.memory_space<vmem>> -> memref<1x128xi32, #tpu.memory_space<vmem>>
          %dma_wait3A_97 = tpu.memref_squeeze %dma_wait3A_96 : memref<1x128xi32, #tpu.memory_space<vmem>> -> memref<128xi32, #tpu.memory_space<vmem>>
          %dma_wait3A_98 = arith.constant 0 : i32
          %dma_wait3A_99 = arith.constant 0 : i32
          %dma_wait3A_100 = tpu.memref_slice %arg7[%dma_wait3A_98, %dma_wait3A_99] : memref<10240x144xf32, #tpu.memory_space<vmem_shared>> -> memref<10240x144xf32, #tpu.memory_space<vmem_shared>>
          tpu.wait_indirect_dma semaphore(%run_scoped3A_88 : memref<!tpu.dma_semaphore, #tpu.memory_space<semaphore_mem>>) src(%arg11 : memref<128x144xf32, #tpu.memory_space<vmem>>) dst(%dma_wait3A_100 : memref<10240x144xf32, #tpu.memory_space<vmem_shared>>)
          tpu.yield
        }) : () -> ()
        %scan3A_87 = arith.constant 0 : i32
        scf.yield %scan3A_87 : i32
      }
      %scan3A_47 = arith.constant 39 : i32
      %lt3A = arith.constant 2 : i32
      %lt3A_48 = arith.cmpi slt, %arg1, %lt3A : i32
      %convert_element_type3A_49 = arith.extui %lt3A_48 : i1 to i32
      %cond3A_50 = arith.constant 0 : i32
      %cond3A_51 = arith.cmpi ne, %convert_element_type3A_49, %cond3A_50 : i32
      scf.if %cond3A_51 {
        %add3A_52 = arith.constant 1248 : i32
        %add3A_53 = arith.addi %arg1, %add3A_52 : i32
        "tpu.region"() ({
          %run_scoped3A_67 = tpu.sem_alloc : memref<!tpu.dma_semaphore, #tpu.memory_space<semaphore_mem>>
          %dma_start3A_68 = arith.constant 0 : i32
          %dma_start3A_69 = arith.constant 0 : i32
          %dma_start3A_70 = tpu.memref_slice %arg4[%add3A_53, %dma_start3A_68, %dma_start3A_69] : memref<1250x2x128xi32, #tpu.memory_space<hbm>> -> memref<1x2x128xi32, #tpu.memory_space<hbm>>
          %dma_start3A_71 = tpu.memref_squeeze %dma_start3A_70 : memref<1x2x128xi32, #tpu.memory_space<hbm>> -> memref<2x128xi32, #tpu.memory_space<hbm>>
          %dma_start3A_72 = arith.constant 0 : i32
          %dma_start3A_73 = arith.constant 0 : i32
          %dma_start3A_74 = tpu.memref_slice %arg4[%add3A_53, %dma_start3A_72, %dma_start3A_73] : memref<1250x2x128xi32, #tpu.memory_space<hbm>> -> memref<1x2x128xi32, #tpu.memory_space<hbm>>
          %dma_start3A_75 = tpu.memref_squeeze %dma_start3A_74 : memref<1x2x128xi32, #tpu.memory_space<hbm>> -> memref<2x128xi32, #tpu.memory_space<hbm>>
          tpu.enqueue_dma source(%dma_start3A_75 : memref<2x128xi32, #tpu.memory_space<hbm>>) target(%arg8 : memref<2x128xi32, #tpu.memory_space<vmem>>) target_semaphore(%run_scoped3A_67 : memref<!tpu.dma_semaphore, #tpu.memory_space<semaphore_mem>>)
          %dma_wait3A_76 = arith.constant 0 : i32
          %dma_wait3A_77 = arith.constant 0 : i32
          %dma_wait3A_78 = tpu.memref_slice %arg4[%add3A_53, %dma_wait3A_76, %dma_wait3A_77] : memref<1250x2x128xi32, #tpu.memory_space<hbm>> -> memref<1x2x128xi32, #tpu.memory_space<hbm>>
          %dma_wait3A_79 = tpu.memref_squeeze %dma_wait3A_78 : memref<1x2x128xi32, #tpu.memory_space<hbm>> -> memref<2x128xi32, #tpu.memory_space<hbm>>
          %dma_wait3A_80 = arith.constant 0 : i32
          %dma_wait3A_81 = arith.constant 0 : i32
          %dma_wait3A_82 = tpu.memref_slice %arg4[%add3A_53, %dma_wait3A_80, %dma_wait3A_81] : memref<1250x2x128xi32, #tpu.memory_space<hbm>> -> memref<1x2x128xi32, #tpu.memory_space<hbm>>
          %dma_wait3A_83 = tpu.memref_squeeze %dma_wait3A_82 : memref<1x2x128xi32, #tpu.memory_space<hbm>> -> memref<2x128xi32, #tpu.memory_space<hbm>>
          tpu.wait_dma2 semaphore(%run_scoped3A_67 : memref<!tpu.dma_semaphore, #tpu.memory_space<semaphore_mem>>) src(%dma_wait3A_83 : memref<2x128xi32, #tpu.memory_space<hbm>>) dst(%arg8 : memref<2x128xi32, #tpu.memory_space<vmem>>)
          tpu.yield
        }) : () -> ()
        %dma_start3A_54 = arith.constant 0 : i32
        %dma_start3A_55 = arith.constant 0 : i32
        %dma_start3A_56 = tpu.memref_slice %arg8[%dma_start3A_54, %dma_start3A_55] : memref<2x128xi32, #tpu.memory_space<vmem>> -> memref<1x128xi32, #tpu.memory_space<vmem>>
        %dma_start3A_57 = tpu.memref_squeeze %dma_start3A_56 : memref<1x128xi32, #tpu.memory_space<vmem>> -> memref<128xi32, #tpu.memory_space<vmem>>
        %dma_start3A_58 = arith.constant 0 : i32
        %dma_start3A_59 = arith.constant 0 : i32
        %dma_start3A_60 = tpu.memref_slice %arg2[%dma_start3A_58, %dma_start3A_59] : memref<10000x144xf32, #tpu.memory_space<hbm>> -> memref<10000x144xf32, #tpu.memory_space<hbm>>
        tpu.enqueue_indirect_dma source(%dma_start3A_60 : memref<10000x144xf32, #tpu.memory_space<hbm>>) target(%arg10 : memref<128x144xf32, #tpu.memory_space<vmem>>) offsets(%dma_start3A_57 : memref<128xi32, #tpu.memory_space<vmem>>) semaphore(%arg12 : memref<!tpu.dma_semaphore, #tpu.memory_space<semaphore_mem>>)
        %dma_wait3A = arith.constant 0 : i32
        %dma_wait3A_61 = arith.constant 0 : i32
        %dma_wait3A_62 = tpu.memref_slice %arg8[%dma_wait3A, %dma_wait3A_61] : memref<2x128xi32, #tpu.memory_space<vmem>> -> memref<1x128xi32, #tpu.memory_space<vmem>>
        %dma_wait3A_63 = tpu.memref_squeeze %dma_wait3A_62 : memref<1x128xi32, #tpu.memory_space<vmem>> -> memref<128xi32, #tpu.memory_space<vmem>>
        %dma_wait3A_64 = arith.constant 0 : i32
        %dma_wait3A_65 = arith.constant 0 : i32
        %dma_wait3A_66 = tpu.memref_slice %arg2[%dma_wait3A_64, %dma_wait3A_65] : memref<10000x144xf32, #tpu.memory_space<hbm>> -> memref<10000x144xf32, #tpu.memory_space<hbm>>
        tpu.wait_indirect_dma semaphore(%arg12 : memref<!tpu.dma_semaphore, #tpu.memory_space<semaphore_mem>>) src(%dma_wait3A_66 : memref<10000x144xf32, #tpu.memory_space<hbm>>) dst(%arg10 : memref<128x144xf32, #tpu.memory_space<vmem>>)
        %run_scoped3A = arith.constant 1 : i32
        "tpu.region"() ({
          %run_scoped3A_67 = tpu.sem_alloc : memref<!tpu.dma_semaphore, #tpu.memory_space<semaphore_mem>>
          %dma_start3A_68 = arith.constant 0 : i32
          %dma_start3A_69 = tpu.memref_slice %arg8[%run_scoped3A, %dma_start3A_68] : memref<2x128xi32, #tpu.memory_space<vmem>> -> memref<1x128xi32, #tpu.memory_space<vmem>>
          %dma_start3A_70 = tpu.memref_squeeze %dma_start3A_69 : memref<1x128xi32, #tpu.memory_space<vmem>> -> memref<128xi32, #tpu.memory_space<vmem>>
          %dma_start3A_71 = arith.constant 0 : i32
          %dma_start3A_72 = arith.constant 0 : i32
          %dma_start3A_73 = tpu.memref_slice %arg7[%dma_start3A_71, %dma_start3A_72] : memref<10240x144xf32, #tpu.memory_space<vmem_shared>> -> memref<10240x144xf32, #tpu.memory_space<vmem_shared>>
          tpu.enqueue_indirect_dma source(%arg10 : memref<128x144xf32, #tpu.memory_space<vmem>>) target(%dma_start3A_73 : memref<10240x144xf32, #tpu.memory_space<vmem_shared>>) offsets(%dma_start3A_70 : memref<128xi32, #tpu.memory_space<vmem>>) semaphore(%run_scoped3A_67 : memref<!tpu.dma_semaphore, #tpu.memory_space<semaphore_mem>>) {add = true}
          %dma_wait3A_74 = arith.constant 0 : i32
          %dma_wait3A_75 = tpu.memref_slice %arg8[%run_scoped3A, %dma_wait3A_74] : memref<2x128xi32, #tpu.memory_space<vmem>> -> memref<1x128xi32, #tpu.memory_space<vmem>>
          %dma_wait3A_76 = tpu.memref_squeeze %dma_wait3A_75 : memref<1x128xi32, #tpu.memory_space<vmem>> -> memref<128xi32, #tpu.memory_space<vmem>>
          %dma_wait3A_77 = arith.constant 0 : i32
          %dma_wait3A_78 = arith.constant 0 : i32
          %dma_wait3A_79 = tpu.memref_slice %arg7[%dma_wait3A_77, %dma_wait3A_78] : memref<10240x144xf32, #tpu.memory_space<vmem_shared>> -> memref<10240x144xf32, #tpu.memory_space<vmem_shared>>
          tpu.wait_indirect_dma semaphore(%run_scoped3A_67 : memref<!tpu.dma_semaphore, #tpu.memory_space<semaphore_mem>>) src(%arg10 : memref<128x144xf32, #tpu.memory_space<vmem>>) dst(%dma_wait3A_79 : memref<10240x144xf32, #tpu.memory_space<vmem_shared>>)
          tpu.yield
        }) : () -> ()
      } else {
      }
    } else {
    }
    %eq3A_19 = arith.constant 1 : i32
    %eq3A_20 = arith.cmpi eq, %arg0, %eq3A_19 : i32
    %convert_element_type3A_21 = arith.extui %eq3A_20 : i1 to i32
    %cond3A_22 = arith.constant 0 : i32
    %cond3A_23 = arith.cmpi ne, %convert_element_type3A_21, %cond3A_22 : i32
    scf.if %cond3A_23 {
      "tpu.region"() ({
        %run_scoped3A = tpu.sem_alloc : memref<!tpu.dma_semaphore, #tpu.memory_space<semaphore_mem>>
        %dma_start3A_52 = arith.constant 0 : i32
        %dma_start3A_53 = arith.constant 0 : i32
        %dma_start3A_54 = tpu.memref_slice %arg4[%arg1, %dma_start3A_52, %dma_start3A_53] : memref<1250x2x128xi32, #tpu.memory_space<hbm>> -> memref<1x2x128xi32, #tpu.memory_space<hbm>>
        %dma_start3A_55 = tpu.memref_squeeze %dma_start3A_54 : memref<1x2x128xi32, #tpu.memory_space<hbm>> -> memref<2x128xi32, #tpu.memory_space<hbm>>
        %dma_start3A_56 = arith.constant 0 : i32
        %dma_start3A_57 = arith.constant 0 : i32
        %dma_start3A_58 = tpu.memref_slice %arg4[%arg1, %dma_start3A_56, %dma_start3A_57] : memref<1250x2x128xi32, #tpu.memory_space<hbm>> -> memref<1x2x128xi32, #tpu.memory_space<hbm>>
        %dma_start3A_59 = tpu.memref_squeeze %dma_start3A_58 : memref<1x2x128xi32, #tpu.memory_space<hbm>> -> memref<2x128xi32, #tpu.memory_space<hbm>>
        tpu.enqueue_dma source(%dma_start3A_59 : memref<2x128xi32, #tpu.memory_space<hbm>>) target(%arg8 : memref<2x128xi32, #tpu.memory_space<vmem>>) target_semaphore(%run_scoped3A : memref<!tpu.dma_semaphore, #tpu.memory_space<semaphore_mem>>)
        %dma_wait3A = arith.constant 0 : i32
        %dma_wait3A_60 = arith.constant 0 : i32
        %dma_wait3A_61 = tpu.memref_slice %arg4[%arg1, %dma_wait3A, %dma_wait3A_60] : memref<1250x2x128xi32, #tpu.memory_space<hbm>> -> memref<1x2x128xi32, #tpu.memory_space<hbm>>
        %dma_wait3A_62 = tpu.memref_squeeze %dma_wait3A_61 : memref<1x2x128xi32, #tpu.memory_space<hbm>> -> memref<2x128xi32, #tpu.memory_space<hbm>>
        %dma_wait3A_63 = arith.constant 0 : i32
        %dma_wait3A_64 = arith.constant 0 : i32
        %dma_wait3A_65 = tpu.memref_slice %arg4[%arg1, %dma_wait3A_63, %dma_wait3A_64] : memref<1250x2x128xi32, #tpu.memory_space<hbm>> -> memref<1x2x128xi32, #tpu.memory_space<hbm>>
        %dma_wait3A_66 = tpu.memref_squeeze %dma_wait3A_65 : memref<1x2x128xi32, #tpu.memory_space<hbm>> -> memref<2x128xi32, #tpu.memory_space<hbm>>
        tpu.wait_dma2 semaphore(%run_scoped3A : memref<!tpu.dma_semaphore, #tpu.memory_space<semaphore_mem>>) src(%dma_wait3A_66 : memref<2x128xi32, #tpu.memory_space<hbm>>) dst(%arg8 : memref<2x128xi32, #tpu.memory_space<vmem>>)
        tpu.yield
      }) : () -> ()
      %dma_start3A = arith.constant 0 : i32
      %dma_start3A_35 = arith.constant 0 : i32
      %dma_start3A_36 = tpu.memref_slice %arg8[%dma_start3A, %dma_start3A_35] : memref<2x128xi32, #tpu.memory_space<vmem>> -> memref<1x128xi32, #tpu.memory_space<vmem>>
      %dma_start3A_37 = tpu.memref_squeeze %dma_start3A_36 : memref<1x128xi32, #tpu.memory_space<vmem>> -> memref<128xi32, #tpu.memory_space<vmem>>
      %dma_start3A_38 = arith.constant 0 : i32
      %dma_start3A_39 = arith.constant 0 : i32
      %dma_start3A_40 = tpu.memref_slice %arg3[%dma_start3A_38, %dma_start3A_39] : memref<10000x144xf32, #tpu.memory_space<hbm>> -> memref<10000x144xf32, #tpu.memory_space<hbm>>
      tpu.enqueue_indirect_dma source(%dma_start3A_40 : memref<10000x144xf32, #tpu.memory_space<hbm>>) target(%arg10 : memref<128x144xf32, #tpu.memory_space<vmem>>) offsets(%dma_start3A_37 : memref<128xi32, #tpu.memory_space<vmem>>) semaphore(%arg12 : memref<!tpu.dma_semaphore, #tpu.memory_space<semaphore_mem>>)
      %scan3A_41 = arith.constant 0 : i32
      %scan3A_42 = arith.constant 0 : i32
      %scan3A_43 = arith.constant 39 : i32
      %scan3A_44 = arith.addi %scan3A_42, %scan3A_43 : i32
      %scan3A_45 = arith.constant 1 : i32
      %scan3A_46 = scf.for %scan3A_52 = %scan3A_42 to %scan3A_44 step %scan3A_45 iter_args(%scan3A_53 = %scan3A_41) -> (i32)  : i32 {
        %mul3A_54 = arith.constant 2 : i32
        %mul3A_55 = arith.muli %mul3A_54, %scan3A_52 : i32
        %add3A_56 = arith.constant 1 : i32
        %add3A_57 = arith.addi %mul3A_55, %add3A_56 : i32
        %mul3A_58 = arith.constant 16 : i32
        %mul3A_59 = arith.muli %mul3A_58, %add3A_57 : i32
        %add3A_60 = arith.addi %arg1, %mul3A_59 : i32
        "tpu.region"() ({
          %run_scoped3A_88 = tpu.sem_alloc : memref<!tpu.dma_semaphore, #tpu.memory_space<semaphore_mem>>
          %dma_start3A_89 = arith.constant 0 : i32
          %dma_start3A_90 = arith.constant 0 : i32
          %dma_start3A_91 = tpu.memref_slice %arg4[%add3A_60, %dma_start3A_89, %dma_start3A_90] : memref<1250x2x128xi32, #tpu.memory_space<hbm>> -> memref<1x2x128xi32, #tpu.memory_space<hbm>>
          %dma_start3A_92 = tpu.memref_squeeze %dma_start3A_91 : memref<1x2x128xi32, #tpu.memory_space<hbm>> -> memref<2x128xi32, #tpu.memory_space<hbm>>
          %dma_start3A_93 = arith.constant 0 : i32
          %dma_start3A_94 = arith.constant 0 : i32
          %dma_start3A_95 = tpu.memref_slice %arg4[%add3A_60, %dma_start3A_93, %dma_start3A_94] : memref<1250x2x128xi32, #tpu.memory_space<hbm>> -> memref<1x2x128xi32, #tpu.memory_space<hbm>>
          %dma_start3A_96 = tpu.memref_squeeze %dma_start3A_95 : memref<1x2x128xi32, #tpu.memory_space<hbm>> -> memref<2x128xi32, #tpu.memory_space<hbm>>
          tpu.enqueue_dma source(%dma_start3A_96 : memref<2x128xi32, #tpu.memory_space<hbm>>) target(%arg9 : memref<2x128xi32, #tpu.memory_space<vmem>>) target_semaphore(%run_scoped3A_88 : memref<!tpu.dma_semaphore, #tpu.memory_space<semaphore_mem>>)
          %dma_wait3A_97 = arith.constant 0 : i32
          %dma_wait3A_98 = arith.constant 0 : i32
          %dma_wait3A_99 = tpu.memref_slice %arg4[%add3A_60, %dma_wait3A_97, %dma_wait3A_98] : memref<1250x2x128xi32, #tpu.memory_space<hbm>> -> memref<1x2x128xi32, #tpu.memory_space<hbm>>
          %dma_wait3A_100 = tpu.memref_squeeze %dma_wait3A_99 : memref<1x2x128xi32, #tpu.memory_space<hbm>> -> memref<2x128xi32, #tpu.memory_space<hbm>>
          %dma_wait3A_101 = arith.constant 0 : i32
          %dma_wait3A_102 = arith.constant 0 : i32
          %dma_wait3A_103 = tpu.memref_slice %arg4[%add3A_60, %dma_wait3A_101, %dma_wait3A_102] : memref<1250x2x128xi32, #tpu.memory_space<hbm>> -> memref<1x2x128xi32, #tpu.memory_space<hbm>>
          %dma_wait3A_104 = tpu.memref_squeeze %dma_wait3A_103 : memref<1x2x128xi32, #tpu.memory_space<hbm>> -> memref<2x128xi32, #tpu.memory_space<hbm>>
          tpu.wait_dma2 semaphore(%run_scoped3A_88 : memref<!tpu.dma_semaphore, #tpu.memory_space<semaphore_mem>>) src(%dma_wait3A_104 : memref<2x128xi32, #tpu.memory_space<hbm>>) dst(%arg9 : memref<2x128xi32, #tpu.memory_space<vmem>>)
          tpu.yield
        }) : () -> ()
        %dma_start3A_61 = arith.constant 0 : i32
        %dma_start3A_62 = arith.constant 0 : i32
        %dma_start3A_63 = tpu.memref_slice %arg9[%dma_start3A_61, %dma_start3A_62] : memref<2x128xi32, #tpu.memory_space<vmem>> -> memref<1x128xi32, #tpu.memory_space<vmem>>
        %dma_start3A_64 = tpu.memref_squeeze %dma_start3A_63 : memref<1x128xi32, #tpu.memory_space<vmem>> -> memref<128xi32, #tpu.memory_space<vmem>>
        %dma_start3A_65 = arith.constant 0 : i32
        %dma_start3A_66 = arith.constant 0 : i32
        %dma_start3A_67 = tpu.memref_slice %arg3[%dma_start3A_65, %dma_start3A_66] : memref<10000x144xf32, #tpu.memory_space<hbm>> -> memref<10000x144xf32, #tpu.memory_space<hbm>>
        tpu.enqueue_indirect_dma source(%dma_start3A_67 : memref<10000x144xf32, #tpu.memory_space<hbm>>) target(%arg11 : memref<128x144xf32, #tpu.memory_space<vmem>>) offsets(%dma_start3A_64 : memref<128xi32, #tpu.memory_space<vmem>>) semaphore(%arg13 : memref<!tpu.dma_semaphore, #tpu.memory_space<semaphore_mem>>)
        %dma_wait3A = arith.constant 0 : i32
        %dma_wait3A_68 = arith.constant 0 : i32
        %dma_wait3A_69 = tpu.memref_slice %arg8[%dma_wait3A, %dma_wait3A_68] : memref<2x128xi32, #tpu.memory_space<vmem>> -> memref<1x128xi32, #tpu.memory_space<vmem>>
        %dma_wait3A_70 = tpu.memref_squeeze %dma_wait3A_69 : memref<1x128xi32, #tpu.memory_space<vmem>> -> memref<128xi32, #tpu.memory_space<vmem>>
        %dma_wait3A_71 = arith.constant 0 : i32
        %dma_wait3A_72 = arith.constant 0 : i32
        %dma_wait3A_73 = tpu.memref_slice %arg3[%dma_wait3A_71, %dma_wait3A_72] : memref<10000x144xf32, #tpu.memory_space<hbm>> -> memref<10000x144xf32, #tpu.memory_space<hbm>>
        tpu.wait_indirect_dma semaphore(%arg12 : memref<!tpu.dma_semaphore, #tpu.memory_space<semaphore_mem>>) src(%dma_wait3A_73 : memref<10000x144xf32, #tpu.memory_space<hbm>>) dst(%arg10 : memref<128x144xf32, #tpu.memory_space<vmem>>)
        %run_scoped3A = arith.constant 1 : i32
        "tpu.region"() ({
          %run_scoped3A_88 = tpu.sem_alloc : memref<!tpu.dma_semaphore, #tpu.memory_space<semaphore_mem>>
          %dma_start3A_89 = arith.constant 0 : i32
          %dma_start3A_90 = tpu.memref_slice %arg8[%run_scoped3A, %dma_start3A_89] : memref<2x128xi32, #tpu.memory_space<vmem>> -> memref<1x128xi32, #tpu.memory_space<vmem>>
          %dma_start3A_91 = tpu.memref_squeeze %dma_start3A_90 : memref<1x128xi32, #tpu.memory_space<vmem>> -> memref<128xi32, #tpu.memory_space<vmem>>
          %dma_start3A_92 = arith.constant 0 : i32
          %dma_start3A_93 = arith.constant 0 : i32
          %dma_start3A_94 = tpu.memref_slice %arg7[%dma_start3A_92, %dma_start3A_93] : memref<10240x144xf32, #tpu.memory_space<vmem_shared>> -> memref<10240x144xf32, #tpu.memory_space<vmem_shared>>
          tpu.enqueue_indirect_dma source(%arg10 : memref<128x144xf32, #tpu.memory_space<vmem>>) target(%dma_start3A_94 : memref<10240x144xf32, #tpu.memory_space<vmem_shared>>) offsets(%dma_start3A_91 : memref<128xi32, #tpu.memory_space<vmem>>) semaphore(%run_scoped3A_88 : memref<!tpu.dma_semaphore, #tpu.memory_space<semaphore_mem>>) {add = true}
          %dma_wait3A_95 = arith.constant 0 : i32
          %dma_wait3A_96 = tpu.memref_slice %arg8[%run_scoped3A, %dma_wait3A_95] : memref<2x128xi32, #tpu.memory_space<vmem>> -> memref<1x128xi32, #tpu.memory_space<vmem>>
          %dma_wait3A_97 = tpu.memref_squeeze %dma_wait3A_96 : memref<1x128xi32, #tpu.memory_space<vmem>> -> memref<128xi32, #tpu.memory_space<vmem>>
          %dma_wait3A_98 = arith.constant 0 : i32
          %dma_wait3A_99 = arith.constant 0 : i32
          %dma_wait3A_100 = tpu.memref_slice %arg7[%dma_wait3A_98, %dma_wait3A_99] : memref<10240x144xf32, #tpu.memory_space<vmem_shared>> -> memref<10240x144xf32, #tpu.memory_space<vmem_shared>>
          tpu.wait_indirect_dma semaphore(%run_scoped3A_88 : memref<!tpu.dma_semaphore, #tpu.memory_space<semaphore_mem>>) src(%arg10 : memref<128x144xf32, #tpu.memory_space<vmem>>) dst(%dma_wait3A_100 : memref<10240x144xf32, #tpu.memory_space<vmem_shared>>)
          tpu.yield
        }) : () -> ()
        %lt3A_74 = arith.constant 38 : i32
        %lt3A_75 = arith.cmpi slt, %scan3A_52, %lt3A_74 : i32
        %convert_element_type3A_76 = arith.extui %lt3A_75 : i1 to i32
        %cond3A_77 = arith.constant 0 : i32
        %cond3A_78 = arith.cmpi ne, %convert_element_type3A_76, %cond3A_77 : i32
        scf.if %cond3A_78 {
          %add3A_88 = arith.constant 1 : i32
          %add3A_89 = arith.addi %add3A_57, %add3A_88 : i32
          %mul3A_90 = arith.constant 16 : i32
          %mul3A_91 = arith.muli %mul3A_90, %add3A_89 : i32
          %add3A_92 = arith.addi %arg1, %mul3A_91 : i32
          "tpu.region"() ({
            %run_scoped3A_100 = tpu.sem_alloc : memref<!tpu.dma_semaphore, #tpu.memory_space<semaphore_mem>>
            %dma_start3A_101 = arith.constant 0 : i32
            %dma_start3A_102 = arith.constant 0 : i32
            %dma_start3A_103 = tpu.memref_slice %arg4[%add3A_92, %dma_start3A_101, %dma_start3A_102] : memref<1250x2x128xi32, #tpu.memory_space<hbm>> -> memref<1x2x128xi32, #tpu.memory_space<hbm>>
            %dma_start3A_104 = tpu.memref_squeeze %dma_start3A_103 : memref<1x2x128xi32, #tpu.memory_space<hbm>> -> memref<2x128xi32, #tpu.memory_space<hbm>>
            %dma_start3A_105 = arith.constant 0 : i32
            %dma_start3A_106 = arith.constant 0 : i32
            %dma_start3A_107 = tpu.memref_slice %arg4[%add3A_92, %dma_start3A_105, %dma_start3A_106] : memref<1250x2x128xi32, #tpu.memory_space<hbm>> -> memref<1x2x128xi32, #tpu.memory_space<hbm>>
            %dma_start3A_108 = tpu.memref_squeeze %dma_start3A_107 : memref<1x2x128xi32, #tpu.memory_space<hbm>> -> memref<2x128xi32, #tpu.memory_space<hbm>>
            tpu.enqueue_dma source(%dma_start3A_108 : memref<2x128xi32, #tpu.memory_space<hbm>>) target(%arg8 : memref<2x128xi32, #tpu.memory_space<vmem>>) target_semaphore(%run_scoped3A_100 : memref<!tpu.dma_semaphore, #tpu.memory_space<semaphore_mem>>)
            %dma_wait3A_109 = arith.constant 0 : i32
            %dma_wait3A_110 = arith.constant 0 : i32
            %dma_wait3A_111 = tpu.memref_slice %arg4[%add3A_92, %dma_wait3A_109, %dma_wait3A_110] : memref<1250x2x128xi32, #tpu.memory_space<hbm>> -> memref<1x2x128xi32, #tpu.memory_space<hbm>>
            %dma_wait3A_112 = tpu.memref_squeeze %dma_wait3A_111 : memref<1x2x128xi32, #tpu.memory_space<hbm>> -> memref<2x128xi32, #tpu.memory_space<hbm>>
            %dma_wait3A_113 = arith.constant 0 : i32
            %dma_wait3A_114 = arith.constant 0 : i32
            %dma_wait3A_115 = tpu.memref_slice %arg4[%add3A_92, %dma_wait3A_113, %dma_wait3A_114] : memref<1250x2x128xi32, #tpu.memory_space<hbm>> -> memref<1x2x128xi32, #tpu.memory_space<hbm>>
            %dma_wait3A_116 = tpu.memref_squeeze %dma_wait3A_115 : memref<1x2x128xi32, #tpu.memory_space<hbm>> -> memref<2x128xi32, #tpu.memory_space<hbm>>
            tpu.wait_dma2 semaphore(%run_scoped3A_100 : memref<!tpu.dma_semaphore, #tpu.memory_space<semaphore_mem>>) src(%dma_wait3A_116 : memref<2x128xi32, #tpu.memory_space<hbm>>) dst(%arg8 : memref<2x128xi32, #tpu.memory_space<vmem>>)
            tpu.yield
          }) : () -> ()
          %dma_start3A_93 = arith.constant 0 : i32
          %dma_start3A_94 = arith.constant 0 : i32
          %dma_start3A_95 = tpu.memref_slice %arg8[%dma_start3A_93, %dma_start3A_94] : memref<2x128xi32, #tpu.memory_space<vmem>> -> memref<1x128xi32, #tpu.memory_space<vmem>>
          %dma_start3A_96 = tpu.memref_squeeze %dma_start3A_95 : memref<1x128xi32, #tpu.memory_space<vmem>> -> memref<128xi32, #tpu.memory_space<vmem>>
          %dma_start3A_97 = arith.constant 0 : i32
          %dma_start3A_98 = arith.constant 0 : i32
          %dma_start3A_99 = tpu.memref_slice %arg3[%dma_start3A_97, %dma_start3A_98] : memref<10000x144xf32, #tpu.memory_space<hbm>> -> memref<10000x144xf32, #tpu.memory_space<hbm>>
          tpu.enqueue_indirect_dma source(%dma_start3A_99 : memref<10000x144xf32, #tpu.memory_space<hbm>>) target(%arg10 : memref<128x144xf32, #tpu.memory_space<vmem>>) offsets(%dma_start3A_96 : memref<128xi32, #tpu.memory_space<vmem>>) semaphore(%arg12 : memref<!tpu.dma_semaphore, #tpu.memory_space<semaphore_mem>>)
        } else {
        }
        %dma_wait3A_79 = arith.constant 0 : i32
        %dma_wait3A_80 = arith.constant 0 : i32
        %dma_wait3A_81 = tpu.memref_slice %arg9[%dma_wait3A_79, %dma_wait3A_80] : memref<2x128xi32, #tpu.memory_space<vmem>> -> memref<1x128xi32, #tpu.memory_space<vmem>>
        %dma_wait3A_82 = tpu.memref_squeeze %dma_wait3A_81 : memref<1x128xi32, #tpu.memory_space<vmem>> -> memref<128xi32, #tpu.memory_space<vmem>>
        %dma_wait3A_83 = arith.constant 0 : i32
        %dma_wait3A_84 = arith.constant 0 : i32
        %dma_wait3A_85 = tpu.memref_slice %arg3[%dma_wait3A_83, %dma_wait3A_84] : memref<10000x144xf32, #tpu.memory_space<hbm>> -> memref<10000x144xf32, #tpu.memory_space<hbm>>
        tpu.wait_indirect_dma semaphore(%arg13 : memref<!tpu.dma_semaphore, #tpu.memory_space<semaphore_mem>>) src(%dma_wait3A_85 : memref<10000x144xf32, #tpu.memory_space<hbm>>) dst(%arg11 : memref<128x144xf32, #tpu.memory_space<vmem>>)
        %run_scoped3A_86 = arith.constant 1 : i32
        "tpu.region"() ({
          %run_scoped3A_88 = tpu.sem_alloc : memref<!tpu.dma_semaphore, #tpu.memory_space<semaphore_mem>>
          %dma_start3A_89 = arith.constant 0 : i32
          %dma_start3A_90 = tpu.memref_slice %arg9[%run_scoped3A_86, %dma_start3A_89] : memref<2x128xi32, #tpu.memory_space<vmem>> -> memref<1x128xi32, #tpu.memory_space<vmem>>
          %dma_start3A_91 = tpu.memref_squeeze %dma_start3A_90 : memref<1x128xi32, #tpu.memory_space<vmem>> -> memref<128xi32, #tpu.memory_space<vmem>>
          %dma_start3A_92 = arith.constant 0 : i32
          %dma_start3A_93 = arith.constant 0 : i32
          %dma_start3A_94 = tpu.memref_slice %arg7[%dma_start3A_92, %dma_start3A_93] : memref<10240x144xf32, #tpu.memory_space<vmem_shared>> -> memref<10240x144xf32, #tpu.memory_space<vmem_shared>>
          tpu.enqueue_indirect_dma source(%arg11 : memref<128x144xf32, #tpu.memory_space<vmem>>) target(%dma_start3A_94 : memref<10240x144xf32, #tpu.memory_space<vmem_shared>>) offsets(%dma_start3A_91 : memref<128xi32, #tpu.memory_space<vmem>>) semaphore(%run_scoped3A_88 : memref<!tpu.dma_semaphore, #tpu.memory_space<semaphore_mem>>) {add = true}
          %dma_wait3A_95 = arith.constant 0 : i32
          %dma_wait3A_96 = tpu.memref_slice %arg9[%run_scoped3A_86, %dma_wait3A_95] : memref<2x128xi32, #tpu.memory_space<vmem>> -> memref<1x128xi32, #tpu.memory_space<vmem>>
          %dma_wait3A_97 = tpu.memref_squeeze %dma_wait3A_96 : memref<1x128xi32, #tpu.memory_space<vmem>> -> memref<128xi32, #tpu.memory_space<vmem>>
          %dma_wait3A_98 = arith.constant 0 : i32
          %dma_wait3A_99 = arith.constant 0 : i32
          %dma_wait3A_100 = tpu.memref_slice %arg7[%dma_wait3A_98, %dma_wait3A_99] : memref<10240x144xf32, #tpu.memory_space<vmem_shared>> -> memref<10240x144xf32, #tpu.memory_space<vmem_shared>>
          tpu.wait_indirect_dma semaphore(%run_scoped3A_88 : memref<!tpu.dma_semaphore, #tpu.memory_space<semaphore_mem>>) src(%arg11 : memref<128x144xf32, #tpu.memory_space<vmem>>) dst(%dma_wait3A_100 : memref<10240x144xf32, #tpu.memory_space<vmem_shared>>)
          tpu.yield
        }) : () -> ()
        %scan3A_87 = arith.constant 0 : i32
        scf.yield %scan3A_87 : i32
      }
      %scan3A_47 = arith.constant 39 : i32
      %lt3A = arith.constant 2 : i32
      %lt3A_48 = arith.cmpi slt, %arg1, %lt3A : i32
      %convert_element_type3A_49 = arith.extui %lt3A_48 : i1 to i32
      %cond3A_50 = arith.constant 0 : i32
      %cond3A_51 = arith.cmpi ne, %convert_element_type3A_49, %cond3A_50 : i32
      scf.if %cond3A_51 {
        %add3A_52 = arith.constant 1248 : i32
        %add3A_53 = arith.addi %arg1, %add3A_52 : i32
        "tpu.region"() ({
          %run_scoped3A_67 = tpu.sem_alloc : memref<!tpu.dma_semaphore, #tpu.memory_space<semaphore_mem>>
          %dma_start3A_68 = arith.constant 0 : i32
          %dma_start3A_69 = arith.constant 0 : i32
          %dma_start3A_70 = tpu.memref_slice %arg4[%add3A_53, %dma_start3A_68, %dma_start3A_69] : memref<1250x2x128xi32, #tpu.memory_space<hbm>> -> memref<1x2x128xi32, #tpu.memory_space<hbm>>
          %dma_start3A_71 = tpu.memref_squeeze %dma_start3A_70 : memref<1x2x128xi32, #tpu.memory_space<hbm>> -> memref<2x128xi32, #tpu.memory_space<hbm>>
          %dma_start3A_72 = arith.constant 0 : i32
          %dma_start3A_73 = arith.constant 0 : i32
          %dma_start3A_74 = tpu.memref_slice %arg4[%add3A_53, %dma_start3A_72, %dma_start3A_73] : memref<1250x2x128xi32, #tpu.memory_space<hbm>> -> memref<1x2x128xi32, #tpu.memory_space<hbm>>
          %dma_start3A_75 = tpu.memref_squeeze %dma_start3A_74 : memref<1x2x128xi32, #tpu.memory_space<hbm>> -> memref<2x128xi32, #tpu.memory_space<hbm>>
          tpu.enqueue_dma source(%dma_start3A_75 : memref<2x128xi32, #tpu.memory_space<hbm>>) target(%arg8 : memref<2x128xi32, #tpu.memory_space<vmem>>) target_semaphore(%run_scoped3A_67 : memref<!tpu.dma_semaphore, #tpu.memory_space<semaphore_mem>>)
          %dma_wait3A_76 = arith.constant 0 : i32
          %dma_wait3A_77 = arith.constant 0 : i32
          %dma_wait3A_78 = tpu.memref_slice %arg4[%add3A_53, %dma_wait3A_76, %dma_wait3A_77] : memref<1250x2x128xi32, #tpu.memory_space<hbm>> -> memref<1x2x128xi32, #tpu.memory_space<hbm>>
          %dma_wait3A_79 = tpu.memref_squeeze %dma_wait3A_78 : memref<1x2x128xi32, #tpu.memory_space<hbm>> -> memref<2x128xi32, #tpu.memory_space<hbm>>
          %dma_wait3A_80 = arith.constant 0 : i32
          %dma_wait3A_81 = arith.constant 0 : i32
          %dma_wait3A_82 = tpu.memref_slice %arg4[%add3A_53, %dma_wait3A_80, %dma_wait3A_81] : memref<1250x2x128xi32, #tpu.memory_space<hbm>> -> memref<1x2x128xi32, #tpu.memory_space<hbm>>
          %dma_wait3A_83 = tpu.memref_squeeze %dma_wait3A_82 : memref<1x2x128xi32, #tpu.memory_space<hbm>> -> memref<2x128xi32, #tpu.memory_space<hbm>>
          tpu.wait_dma2 semaphore(%run_scoped3A_67 : memref<!tpu.dma_semaphore, #tpu.memory_space<semaphore_mem>>) src(%dma_wait3A_83 : memref<2x128xi32, #tpu.memory_space<hbm>>) dst(%arg8 : memref<2x128xi32, #tpu.memory_space<vmem>>)
          tpu.yield
        }) : () -> ()
        %dma_start3A_54 = arith.constant 0 : i32
        %dma_start3A_55 = arith.constant 0 : i32
        %dma_start3A_56 = tpu.memref_slice %arg8[%dma_start3A_54, %dma_start3A_55] : memref<2x128xi32, #tpu.memory_space<vmem>> -> memref<1x128xi32, #tpu.memory_space<vmem>>
        %dma_start3A_57 = tpu.memref_squeeze %dma_start3A_56 : memref<1x128xi32, #tpu.memory_space<vmem>> -> memref<128xi32, #tpu.memory_space<vmem>>
        %dma_start3A_58 = arith.constant 0 : i32
        %dma_start3A_59 = arith.constant 0 : i32
        %dma_start3A_60 = tpu.memref_slice %arg3[%dma_start3A_58, %dma_start3A_59] : memref<10000x144xf32, #tpu.memory_space<hbm>> -> memref<10000x144xf32, #tpu.memory_space<hbm>>
        tpu.enqueue_indirect_dma source(%dma_start3A_60 : memref<10000x144xf32, #tpu.memory_space<hbm>>) target(%arg10 : memref<128x144xf32, #tpu.memory_space<vmem>>) offsets(%dma_start3A_57 : memref<128xi32, #tpu.memory_space<vmem>>) semaphore(%arg12 : memref<!tpu.dma_semaphore, #tpu.memory_space<semaphore_mem>>)
        %dma_wait3A = arith.constant 0 : i32
        %dma_wait3A_61 = arith.constant 0 : i32
        %dma_wait3A_62 = tpu.memref_slice %arg8[%dma_wait3A, %dma_wait3A_61] : memref<2x128xi32, #tpu.memory_space<vmem>> -> memref<1x128xi32, #tpu.memory_space<vmem>>
        %dma_wait3A_63 = tpu.memref_squeeze %dma_wait3A_62 : memref<1x128xi32, #tpu.memory_space<vmem>> -> memref<128xi32, #tpu.memory_space<vmem>>
        %dma_wait3A_64 = arith.constant 0 : i32
        %dma_wait3A_65 = arith.constant 0 : i32
        %dma_wait3A_66 = tpu.memref_slice %arg3[%dma_wait3A_64, %dma_wait3A_65] : memref<10000x144xf32, #tpu.memory_space<hbm>> -> memref<10000x144xf32, #tpu.memory_space<hbm>>
        tpu.wait_indirect_dma semaphore(%arg12 : memref<!tpu.dma_semaphore, #tpu.memory_space<semaphore_mem>>) src(%dma_wait3A_66 : memref<10000x144xf32, #tpu.memory_space<hbm>>) dst(%arg10 : memref<128x144xf32, #tpu.memory_space<vmem>>)
        %run_scoped3A = arith.constant 1 : i32
        "tpu.region"() ({
          %run_scoped3A_67 = tpu.sem_alloc : memref<!tpu.dma_semaphore, #tpu.memory_space<semaphore_mem>>
          %dma_start3A_68 = arith.constant 0 : i32
          %dma_start3A_69 = tpu.memref_slice %arg8[%run_scoped3A, %dma_start3A_68] : memref<2x128xi32, #tpu.memory_space<vmem>> -> memref<1x128xi32, #tpu.memory_space<vmem>>
          %dma_start3A_70 = tpu.memref_squeeze %dma_start3A_69 : memref<1x128xi32, #tpu.memory_space<vmem>> -> memref<128xi32, #tpu.memory_space<vmem>>
          %dma_start3A_71 = arith.constant 0 : i32
          %dma_start3A_72 = arith.constant 0 : i32
          %dma_start3A_73 = tpu.memref_slice %arg7[%dma_start3A_71, %dma_start3A_72] : memref<10240x144xf32, #tpu.memory_space<vmem_shared>> -> memref<10240x144xf32, #tpu.memory_space<vmem_shared>>
          tpu.enqueue_indirect_dma source(%arg10 : memref<128x144xf32, #tpu.memory_space<vmem>>) target(%dma_start3A_73 : memref<10240x144xf32, #tpu.memory_space<vmem_shared>>) offsets(%dma_start3A_70 : memref<128xi32, #tpu.memory_space<vmem>>) semaphore(%run_scoped3A_67 : memref<!tpu.dma_semaphore, #tpu.memory_space<semaphore_mem>>) {add = true}
          %dma_wait3A_74 = arith.constant 0 : i32
          %dma_wait3A_75 = tpu.memref_slice %arg8[%run_scoped3A, %dma_wait3A_74] : memref<2x128xi32, #tpu.memory_space<vmem>> -> memref<1x128xi32, #tpu.memory_space<vmem>>
          %dma_wait3A_76 = tpu.memref_squeeze %dma_wait3A_75 : memref<1x128xi32, #tpu.memory_space<vmem>> -> memref<128xi32, #tpu.memory_space<vmem>>
          %dma_wait3A_77 = arith.constant 0 : i32
          %dma_wait3A_78 = arith.constant 0 : i32
          %dma_wait3A_79 = tpu.memref_slice %arg7[%dma_wait3A_77, %dma_wait3A_78] : memref<10240x144xf32, #tpu.memory_space<vmem_shared>> -> memref<10240x144xf32, #tpu.memory_space<vmem_shared>>
          tpu.wait_indirect_dma semaphore(%run_scoped3A_67 : memref<!tpu.dma_semaphore, #tpu.memory_space<semaphore_mem>>) src(%arg10 : memref<128x144xf32, #tpu.memory_space<vmem>>) dst(%dma_wait3A_79 : memref<10240x144xf32, #tpu.memory_space<vmem_shared>>)
          tpu.yield
        }) : () -> ()
      } else {
      }
    } else {
    }
    %barrier3A_24 = arith.constant 0 : index
    tpu.barrier barrier_id(%barrier3A_24)
    %eq3A_25 = arith.constant 0 : i32
    %eq3A_26 = arith.cmpi eq, %arg0, %eq3A_25 : i32
    %convert_element_type3A_27 = arith.extui %eq3A_26 : i1 to i32
    %cond3A_28 = arith.constant 0 : i32
    %cond3A_29 = arith.cmpi ne, %convert_element_type3A_27, %cond3A_28 : i32
    scf.if %cond3A_29 {
      %add3A_35 = arith.constant 0 : i32
      %add3A_36 = arith.addi %mul3A_0, %add3A_35 : i32
      "tpu.region"() ({
        %run_scoped3A = tpu.sem_alloc : memref<!tpu.dma_semaphore, #tpu.memory_space<semaphore_mem>>
        %dma_start3A = arith.constant 0 : i32
        %dma_start3A_45 = tpu.memref_slice %arg7[%add3A_36, %dma_start3A] : memref<10240x144xf32, #tpu.memory_space<vmem_shared>> -> memref<128x144xf32, #tpu.memory_space<vmem_shared>>
        %dma_start3A_46 = arith.constant 0 : i32
        %dma_start3A_47 = tpu.memref_slice %arg7[%add3A_36, %dma_start3A_46] : memref<10240x144xf32, #tpu.memory_space<vmem_shared>> -> memref<128x144xf32, #tpu.memory_space<vmem_shared>>
        tpu.enqueue_dma source(%dma_start3A_47 : memref<128x144xf32, #tpu.memory_space<vmem_shared>>) target(%arg10 : memref<128x144xf32, #tpu.memory_space<vmem>>) target_semaphore(%run_scoped3A : memref<!tpu.dma_semaphore, #tpu.memory_space<semaphore_mem>>)
        %dma_wait3A = arith.constant 0 : i32
        %dma_wait3A_48 = tpu.memref_slice %arg7[%add3A_36, %dma_wait3A] : memref<10240x144xf32, #tpu.memory_space<vmem_shared>> -> memref<128x144xf32, #tpu.memory_space<vmem_shared>>
        %dma_wait3A_49 = arith.constant 0 : i32
        %dma_wait3A_50 = tpu.memref_slice %arg7[%add3A_36, %dma_wait3A_49] : memref<10240x144xf32, #tpu.memory_space<vmem_shared>> -> memref<128x144xf32, #tpu.memory_space<vmem_shared>>
        tpu.wait_dma2 semaphore(%run_scoped3A : memref<!tpu.dma_semaphore, #tpu.memory_space<semaphore_mem>>) src(%dma_wait3A_50 : memref<128x144xf32, #tpu.memory_space<vmem_shared>>) dst(%arg10 : memref<128x144xf32, #tpu.memory_space<vmem>>)
        tpu.yield
      }) : () -> ()
      "tpu.region"() ({
        %run_scoped3A = tpu.sem_alloc : memref<!tpu.dma_semaphore, #tpu.memory_space<semaphore_mem>>
        %dma_start3A = arith.constant 0 : i32
        %dma_start3A_45 = tpu.memref_slice %arg5[%add3A_36, %dma_start3A] : memref<10240x144xf32, #tpu.memory_space<hbm>> -> memref<128x144xf32, #tpu.memory_space<hbm>>
        %dma_start3A_46 = arith.constant 0 : i32
        %dma_start3A_47 = tpu.memref_slice %arg5[%add3A_36, %dma_start3A_46] : memref<10240x144xf32, #tpu.memory_space<hbm>> -> memref<128x144xf32, #tpu.memory_space<hbm>>
        tpu.enqueue_dma source(%arg10 : memref<128x144xf32, #tpu.memory_space<vmem>>) target(%dma_start3A_47 : memref<128x144xf32, #tpu.memory_space<hbm>>) target_semaphore(%run_scoped3A : memref<!tpu.dma_semaphore, #tpu.memory_space<semaphore_mem>>)
        %dma_wait3A = arith.constant 0 : i32
        %dma_wait3A_48 = tpu.memref_slice %arg5[%add3A_36, %dma_wait3A] : memref<10240x144xf32, #tpu.memory_space<hbm>> -> memref<128x144xf32, #tpu.memory_space<hbm>>
        %dma_wait3A_49 = arith.constant 0 : i32
        %dma_wait3A_50 = tpu.memref_slice %arg5[%add3A_36, %dma_wait3A_49] : memref<10240x144xf32, #tpu.memory_space<hbm>> -> memref<128x144xf32, #tpu.memory_space<hbm>>
        tpu.wait_dma2 semaphore(%run_scoped3A : memref<!tpu.dma_semaphore, #tpu.memory_space<semaphore_mem>>) src(%arg10 : memref<128x144xf32, #tpu.memory_space<vmem>>) dst(%dma_wait3A_50 : memref<128x144xf32, #tpu.memory_space<hbm>>)
        tpu.yield
      }) : () -> ()
      %add3A_37 = arith.constant 128 : i32
      %add3A_38 = arith.addi %mul3A_0, %add3A_37 : i32
      "tpu.region"() ({
        %run_scoped3A = tpu.sem_alloc : memref<!tpu.dma_semaphore, #tpu.memory_space<semaphore_mem>>
        %dma_start3A = arith.constant 0 : i32
        %dma_start3A_45 = tpu.memref_slice %arg7[%add3A_38, %dma_start3A] : memref<10240x144xf32, #tpu.memory_space<vmem_shared>> -> memref<128x144xf32, #tpu.memory_space<vmem_shared>>
        %dma_start3A_46 = arith.constant 0 : i32
        %dma_start3A_47 = tpu.memref_slice %arg7[%add3A_38, %dma_start3A_46] : memref<10240x144xf32, #tpu.memory_space<vmem_shared>> -> memref<128x144xf32, #tpu.memory_space<vmem_shared>>
        tpu.enqueue_dma source(%dma_start3A_47 : memref<128x144xf32, #tpu.memory_space<vmem_shared>>) target(%arg10 : memref<128x144xf32, #tpu.memory_space<vmem>>) target_semaphore(%run_scoped3A : memref<!tpu.dma_semaphore, #tpu.memory_space<semaphore_mem>>)
        %dma_wait3A = arith.constant 0 : i32
        %dma_wait3A_48 = tpu.memref_slice %arg7[%add3A_38, %dma_wait3A] : memref<10240x144xf32, #tpu.memory_space<vmem_shared>> -> memref<128x144xf32, #tpu.memory_space<vmem_shared>>
        %dma_wait3A_49 = arith.constant 0 : i32
        %dma_wait3A_50 = tpu.memref_slice %arg7[%add3A_38, %dma_wait3A_49] : memref<10240x144xf32, #tpu.memory_space<vmem_shared>> -> memref<128x144xf32, #tpu.memory_space<vmem_shared>>
        tpu.wait_dma2 semaphore(%run_scoped3A : memref<!tpu.dma_semaphore, #tpu.memory_space<semaphore_mem>>) src(%dma_wait3A_50 : memref<128x144xf32, #tpu.memory_space<vmem_shared>>) dst(%arg10 : memref<128x144xf32, #tpu.memory_space<vmem>>)
        tpu.yield
      }) : () -> ()
      "tpu.region"() ({
        %run_scoped3A = tpu.sem_alloc : memref<!tpu.dma_semaphore, #tpu.memory_space<semaphore_mem>>
        %dma_start3A = arith.constant 0 : i32
        %dma_start3A_45 = tpu.memref_slice %arg5[%add3A_38, %dma_start3A] : memref<10240x144xf32, #tpu.memory_space<hbm>> -> memref<128x144xf32, #tpu.memory_space<hbm>>
        %dma_start3A_46 = arith.constant 0 : i32
        %dma_start3A_47 = tpu.memref_slice %arg5[%add3A_38, %dma_start3A_46] : memref<10240x144xf32, #tpu.memory_space<hbm>> -> memref<128x144xf32, #tpu.memory_space<hbm>>
        tpu.enqueue_dma source(%arg10 : memref<128x144xf32, #tpu.memory_space<vmem>>) target(%dma_start3A_47 : memref<128x144xf32, #tpu.memory_space<hbm>>) target_semaphore(%run_scoped3A : memref<!tpu.dma_semaphore, #tpu.memory_space<semaphore_mem>>)
        %dma_wait3A = arith.constant 0 : i32
        %dma_wait3A_48 = tpu.memref_slice %arg5[%add3A_38, %dma_wait3A] : memref<10240x144xf32, #tpu.memory_space<hbm>> -> memref<128x144xf32, #tpu.memory_space<hbm>>
        %dma_wait3A_49 = arith.constant 0 : i32
        %dma_wait3A_50 = tpu.memref_slice %arg5[%add3A_38, %dma_wait3A_49] : memref<10240x144xf32, #tpu.memory_space<hbm>> -> memref<128x144xf32, #tpu.memory_space<hbm>>
        tpu.wait_dma2 semaphore(%run_scoped3A : memref<!tpu.dma_semaphore, #tpu.memory_space<semaphore_mem>>) src(%arg10 : memref<128x144xf32, #tpu.memory_space<vmem>>) dst(%dma_wait3A_50 : memref<128x144xf32, #tpu.memory_space<hbm>>)
        tpu.yield
      }) : () -> ()
      %add3A_39 = arith.constant 256 : i32
      %add3A_40 = arith.addi %mul3A_0, %add3A_39 : i32
      "tpu.region"() ({
        %run_scoped3A = tpu.sem_alloc : memref<!tpu.dma_semaphore, #tpu.memory_space<semaphore_mem>>
        %dma_start3A = arith.constant 0 : i32
        %dma_start3A_45 = tpu.memref_slice %arg7[%add3A_40, %dma_start3A] : memref<10240x144xf32, #tpu.memory_space<vmem_shared>> -> memref<128x144xf32, #tpu.memory_space<vmem_shared>>
        %dma_start3A_46 = arith.constant 0 : i32
        %dma_start3A_47 = tpu.memref_slice %arg7[%add3A_40, %dma_start3A_46] : memref<10240x144xf32, #tpu.memory_space<vmem_shared>> -> memref<128x144xf32, #tpu.memory_space<vmem_shared>>
        tpu.enqueue_dma source(%dma_start3A_47 : memref<128x144xf32, #tpu.memory_space<vmem_shared>>) target(%arg10 : memref<128x144xf32, #tpu.memory_space<vmem>>) target_semaphore(%run_scoped3A : memref<!tpu.dma_semaphore, #tpu.memory_space<semaphore_mem>>)
        %dma_wait3A = arith.constant 0 : i32
        %dma_wait3A_48 = tpu.memref_slice %arg7[%add3A_40, %dma_wait3A] : memref<10240x144xf32, #tpu.memory_space<vmem_shared>> -> memref<128x144xf32, #tpu.memory_space<vmem_shared>>
        %dma_wait3A_49 = arith.constant 0 : i32
        %dma_wait3A_50 = tpu.memref_slice %arg7[%add3A_40, %dma_wait3A_49] : memref<10240x144xf32, #tpu.memory_space<vmem_shared>> -> memref<128x144xf32, #tpu.memory_space<vmem_shared>>
        tpu.wait_dma2 semaphore(%run_scoped3A : memref<!tpu.dma_semaphore, #tpu.memory_space<semaphore_mem>>) src(%dma_wait3A_50 : memref<128x144xf32, #tpu.memory_space<vmem_shared>>) dst(%arg10 : memref<128x144xf32, #tpu.memory_space<vmem>>)
        tpu.yield
      }) : () -> ()
      "tpu.region"() ({
        %run_scoped3A = tpu.sem_alloc : memref<!tpu.dma_semaphore, #tpu.memory_space<semaphore_mem>>
        %dma_start3A = arith.constant 0 : i32
        %dma_start3A_45 = tpu.memref_slice %arg5[%add3A_40, %dma_start3A] : memref<10240x144xf32, #tpu.memory_space<hbm>> -> memref<128x144xf32, #tpu.memory_space<hbm>>
        %dma_start3A_46 = arith.constant 0 : i32
        %dma_start3A_47 = tpu.memref_slice %arg5[%add3A_40, %dma_start3A_46] : memref<10240x144xf32, #tpu.memory_space<hbm>> -> memref<128x144xf32, #tpu.memory_space<hbm>>
        tpu.enqueue_dma source(%arg10 : memref<128x144xf32, #tpu.memory_space<vmem>>) target(%dma_start3A_47 : memref<128x144xf32, #tpu.memory_space<hbm>>) target_semaphore(%run_scoped3A : memref<!tpu.dma_semaphore, #tpu.memory_space<semaphore_mem>>)
        %dma_wait3A = arith.constant 0 : i32
        %dma_wait3A_48 = tpu.memref_slice %arg5[%add3A_40, %dma_wait3A] : memref<10240x144xf32, #tpu.memory_space<hbm>> -> memref<128x144xf32, #tpu.memory_space<hbm>>
        %dma_wait3A_49 = arith.constant 0 : i32
        %dma_wait3A_50 = tpu.memref_slice %arg5[%add3A_40, %dma_wait3A_49] : memref<10240x144xf32, #tpu.memory_space<hbm>> -> memref<128x144xf32, #tpu.memory_space<hbm>>
        tpu.wait_dma2 semaphore(%run_scoped3A : memref<!tpu.dma_semaphore, #tpu.memory_space<semaphore_mem>>) src(%arg10 : memref<128x144xf32, #tpu.memory_space<vmem>>) dst(%dma_wait3A_50 : memref<128x144xf32, #tpu.memory_space<hbm>>)
        tpu.yield
      }) : () -> ()
      %add3A_41 = arith.constant 384 : i32
      %add3A_42 = arith.addi %mul3A_0, %add3A_41 : i32
      "tpu.region"() ({
        %run_scoped3A = tpu.sem_alloc : memref<!tpu.dma_semaphore, #tpu.memory_space<semaphore_mem>>
        %dma_start3A = arith.constant 0 : i32
        %dma_start3A_45 = tpu.memref_slice %arg7[%add3A_42, %dma_start3A] : memref<10240x144xf32, #tpu.memory_space<vmem_shared>> -> memref<128x144xf32, #tpu.memory_space<vmem_shared>>
        %dma_start3A_46 = arith.constant 0 : i32
        %dma_start3A_47 = tpu.memref_slice %arg7[%add3A_42, %dma_start3A_46] : memref<10240x144xf32, #tpu.memory_space<vmem_shared>> -> memref<128x144xf32, #tpu.memory_space<vmem_shared>>
        tpu.enqueue_dma source(%dma_start3A_47 : memref<128x144xf32, #tpu.memory_space<vmem_shared>>) target(%arg10 : memref<128x144xf32, #tpu.memory_space<vmem>>) target_semaphore(%run_scoped3A : memref<!tpu.dma_semaphore, #tpu.memory_space<semaphore_mem>>)
        %dma_wait3A = arith.constant 0 : i32
        %dma_wait3A_48 = tpu.memref_slice %arg7[%add3A_42, %dma_wait3A] : memref<10240x144xf32, #tpu.memory_space<vmem_shared>> -> memref<128x144xf32, #tpu.memory_space<vmem_shared>>
        %dma_wait3A_49 = arith.constant 0 : i32
        %dma_wait3A_50 = tpu.memref_slice %arg7[%add3A_42, %dma_wait3A_49] : memref<10240x144xf32, #tpu.memory_space<vmem_shared>> -> memref<128x144xf32, #tpu.memory_space<vmem_shared>>
        tpu.wait_dma2 semaphore(%run_scoped3A : memref<!tpu.dma_semaphore, #tpu.memory_space<semaphore_mem>>) src(%dma_wait3A_50 : memref<128x144xf32, #tpu.memory_space<vmem_shared>>) dst(%arg10 : memref<128x144xf32, #tpu.memory_space<vmem>>)
        tpu.yield
      }) : () -> ()
      "tpu.region"() ({
        %run_scoped3A = tpu.sem_alloc : memref<!tpu.dma_semaphore, #tpu.memory_space<semaphore_mem>>
        %dma_start3A = arith.constant 0 : i32
        %dma_start3A_45 = tpu.memref_slice %arg5[%add3A_42, %dma_start3A] : memref<10240x144xf32, #tpu.memory_space<hbm>> -> memref<128x144xf32, #tpu.memory_space<hbm>>
        %dma_start3A_46 = arith.constant 0 : i32
        %dma_start3A_47 = tpu.memref_slice %arg5[%add3A_42, %dma_start3A_46] : memref<10240x144xf32, #tpu.memory_space<hbm>> -> memref<128x144xf32, #tpu.memory_space<hbm>>
        tpu.enqueue_dma source(%arg10 : memref<128x144xf32, #tpu.memory_space<vmem>>) target(%dma_start3A_47 : memref<128x144xf32, #tpu.memory_space<hbm>>) target_semaphore(%run_scoped3A : memref<!tpu.dma_semaphore, #tpu.memory_space<semaphore_mem>>)
        %dma_wait3A = arith.constant 0 : i32
        %dma_wait3A_48 = tpu.memref_slice %arg5[%add3A_42, %dma_wait3A] : memref<10240x144xf32, #tpu.memory_space<hbm>> -> memref<128x144xf32, #tpu.memory_space<hbm>>
        %dma_wait3A_49 = arith.constant 0 : i32
        %dma_wait3A_50 = tpu.memref_slice %arg5[%add3A_42, %dma_wait3A_49] : memref<10240x144xf32, #tpu.memory_space<hbm>> -> memref<128x144xf32, #tpu.memory_space<hbm>>
        tpu.wait_dma2 semaphore(%run_scoped3A : memref<!tpu.dma_semaphore, #tpu.memory_space<semaphore_mem>>) src(%arg10 : memref<128x144xf32, #tpu.memory_space<vmem>>) dst(%dma_wait3A_50 : memref<128x144xf32, #tpu.memory_space<hbm>>)
        tpu.yield
      }) : () -> ()
      %add3A_43 = arith.constant 512 : i32
      %add3A_44 = arith.addi %mul3A_0, %add3A_43 : i32
      "tpu.region"() ({
        %run_scoped3A = tpu.sem_alloc : memref<!tpu.dma_semaphore, #tpu.memory_space<semaphore_mem>>
        %dma_start3A = arith.constant 0 : i32
        %dma_start3A_45 = tpu.memref_slice %arg7[%add3A_44, %dma_start3A] : memref<10240x144xf32, #tpu.memory_space<vmem_shared>> -> memref<128x144xf32, #tpu.memory_space<vmem_shared>>
        %dma_start3A_46 = arith.constant 0 : i32
        %dma_start3A_47 = tpu.memref_slice %arg7[%add3A_44, %dma_start3A_46] : memref<10240x144xf32, #tpu.memory_space<vmem_shared>> -> memref<128x144xf32, #tpu.memory_space<vmem_shared>>
        tpu.enqueue_dma source(%dma_start3A_47 : memref<128x144xf32, #tpu.memory_space<vmem_shared>>) target(%arg10 : memref<128x144xf32, #tpu.memory_space<vmem>>) target_semaphore(%run_scoped3A : memref<!tpu.dma_semaphore, #tpu.memory_space<semaphore_mem>>)
        %dma_wait3A = arith.constant 0 : i32
        %dma_wait3A_48 = tpu.memref_slice %arg7[%add3A_44, %dma_wait3A] : memref<10240x144xf32, #tpu.memory_space<vmem_shared>> -> memref<128x144xf32, #tpu.memory_space<vmem_shared>>
        %dma_wait3A_49 = arith.constant 0 : i32
        %dma_wait3A_50 = tpu.memref_slice %arg7[%add3A_44, %dma_wait3A_49] : memref<10240x144xf32, #tpu.memory_space<vmem_shared>> -> memref<128x144xf32, #tpu.memory_space<vmem_shared>>
        tpu.wait_dma2 semaphore(%run_scoped3A : memref<!tpu.dma_semaphore, #tpu.memory_space<semaphore_mem>>) src(%dma_wait3A_50 : memref<128x144xf32, #tpu.memory_space<vmem_shared>>) dst(%arg10 : memref<128x144xf32, #tpu.memory_space<vmem>>)
        tpu.yield
      }) : () -> ()
      "tpu.region"() ({
        %run_scoped3A = tpu.sem_alloc : memref<!tpu.dma_semaphore, #tpu.memory_space<semaphore_mem>>
        %dma_start3A = arith.constant 0 : i32
        %dma_start3A_45 = tpu.memref_slice %arg5[%add3A_44, %dma_start3A] : memref<10240x144xf32, #tpu.memory_space<hbm>> -> memref<128x144xf32, #tpu.memory_space<hbm>>
        %dma_start3A_46 = arith.constant 0 : i32
        %dma_start3A_47 = tpu.memref_slice %arg5[%add3A_44, %dma_start3A_46] : memref<10240x144xf32, #tpu.memory_space<hbm>> -> memref<128x144xf32, #tpu.memory_space<hbm>>
        tpu.enqueue_dma source(%arg10 : memref<128x144xf32, #tpu.memory_space<vmem>>) target(%dma_start3A_47 : memref<128x144xf32, #tpu.memory_space<hbm>>) target_semaphore(%run_scoped3A : memref<!tpu.dma_semaphore, #tpu.memory_space<semaphore_mem>>)
        %dma_wait3A = arith.constant 0 : i32
        %dma_wait3A_48 = tpu.memref_slice %arg5[%add3A_44, %dma_wait3A] : memref<10240x144xf32, #tpu.memory_space<hbm>> -> memref<128x144xf32, #tpu.memory_space<hbm>>
        %dma_wait3A_49 = arith.constant 0 : i32
        %dma_wait3A_50 = tpu.memref_slice %arg5[%add3A_44, %dma_wait3A_49] : memref<10240x144xf32, #tpu.memory_space<hbm>> -> memref<128x144xf32, #tpu.memory_space<hbm>>
        tpu.wait_dma2 semaphore(%run_scoped3A : memref<!tpu.dma_semaphore, #tpu.memory_space<semaphore_mem>>) src(%arg10 : memref<128x144xf32, #tpu.memory_space<vmem>>) dst(%dma_wait3A_50 : memref<128x144xf32, #tpu.memory_space<hbm>>)
        tpu.yield
      }) : () -> ()
    } else {
    }
    %eq3A_30 = arith.constant 1 : i32
    %eq3A_31 = arith.cmpi eq, %arg0, %eq3A_30 : i32
    %convert_element_type3A_32 = arith.extui %eq3A_31 : i1 to i32
    %cond3A_33 = arith.constant 0 : i32
    %cond3A_34 = arith.cmpi ne, %convert_element_type3A_32, %cond3A_33 : i32
    scf.if %cond3A_34 {
      %add3A_35 = arith.constant 0 : i32
      %add3A_36 = arith.addi %mul3A_0, %add3A_35 : i32
      "tpu.region"() ({
        %run_scoped3A = tpu.sem_alloc : memref<!tpu.dma_semaphore, #tpu.memory_space<semaphore_mem>>
        %dma_start3A = arith.constant 0 : i32
        %dma_start3A_45 = tpu.memref_slice %arg7[%add3A_36, %dma_start3A] : memref<10240x144xf32, #tpu.memory_space<vmem_shared>> -> memref<128x144xf32, #tpu.memory_space<vmem_shared>>
        %dma_start3A_46 = arith.constant 0 : i32
        %dma_start3A_47 = tpu.memref_slice %arg7[%add3A_36, %dma_start3A_46] : memref<10240x144xf32, #tpu.memory_space<vmem_shared>> -> memref<128x144xf32, #tpu.memory_space<vmem_shared>>
        tpu.enqueue_dma source(%dma_start3A_47 : memref<128x144xf32, #tpu.memory_space<vmem_shared>>) target(%arg10 : memref<128x144xf32, #tpu.memory_space<vmem>>) target_semaphore(%run_scoped3A : memref<!tpu.dma_semaphore, #tpu.memory_space<semaphore_mem>>)
        %dma_wait3A = arith.constant 0 : i32
        %dma_wait3A_48 = tpu.memref_slice %arg7[%add3A_36, %dma_wait3A] : memref<10240x144xf32, #tpu.memory_space<vmem_shared>> -> memref<128x144xf32, #tpu.memory_space<vmem_shared>>
        %dma_wait3A_49 = arith.constant 0 : i32
        %dma_wait3A_50 = tpu.memref_slice %arg7[%add3A_36, %dma_wait3A_49] : memref<10240x144xf32, #tpu.memory_space<vmem_shared>> -> memref<128x144xf32, #tpu.memory_space<vmem_shared>>
        tpu.wait_dma2 semaphore(%run_scoped3A : memref<!tpu.dma_semaphore, #tpu.memory_space<semaphore_mem>>) src(%dma_wait3A_50 : memref<128x144xf32, #tpu.memory_space<vmem_shared>>) dst(%arg10 : memref<128x144xf32, #tpu.memory_space<vmem>>)
        tpu.yield
      }) : () -> ()
      "tpu.region"() ({
        %run_scoped3A = tpu.sem_alloc : memref<!tpu.dma_semaphore, #tpu.memory_space<semaphore_mem>>
        %dma_start3A = arith.constant 0 : i32
        %dma_start3A_45 = tpu.memref_slice %arg6[%add3A_36, %dma_start3A] : memref<10240x144xf32, #tpu.memory_space<hbm>> -> memref<128x144xf32, #tpu.memory_space<hbm>>
        %dma_start3A_46 = arith.constant 0 : i32
        %dma_start3A_47 = tpu.memref_slice %arg6[%add3A_36, %dma_start3A_46] : memref<10240x144xf32, #tpu.memory_space<hbm>> -> memref<128x144xf32, #tpu.memory_space<hbm>>
        tpu.enqueue_dma source(%arg10 : memref<128x144xf32, #tpu.memory_space<vmem>>) target(%dma_start3A_47 : memref<128x144xf32, #tpu.memory_space<hbm>>) target_semaphore(%run_scoped3A : memref<!tpu.dma_semaphore, #tpu.memory_space<semaphore_mem>>)
        %dma_wait3A = arith.constant 0 : i32
        %dma_wait3A_48 = tpu.memref_slice %arg6[%add3A_36, %dma_wait3A] : memref<10240x144xf32, #tpu.memory_space<hbm>> -> memref<128x144xf32, #tpu.memory_space<hbm>>
        %dma_wait3A_49 = arith.constant 0 : i32
        %dma_wait3A_50 = tpu.memref_slice %arg6[%add3A_36, %dma_wait3A_49] : memref<10240x144xf32, #tpu.memory_space<hbm>> -> memref<128x144xf32, #tpu.memory_space<hbm>>
        tpu.wait_dma2 semaphore(%run_scoped3A : memref<!tpu.dma_semaphore, #tpu.memory_space<semaphore_mem>>) src(%arg10 : memref<128x144xf32, #tpu.memory_space<vmem>>) dst(%dma_wait3A_50 : memref<128x144xf32, #tpu.memory_space<hbm>>)
        tpu.yield
      }) : () -> ()
      %add3A_37 = arith.constant 128 : i32
      %add3A_38 = arith.addi %mul3A_0, %add3A_37 : i32
      "tpu.region"() ({
        %run_scoped3A = tpu.sem_alloc : memref<!tpu.dma_semaphore, #tpu.memory_space<semaphore_mem>>
        %dma_start3A = arith.constant 0 : i32
        %dma_start3A_45 = tpu.memref_slice %arg7[%add3A_38, %dma_start3A] : memref<10240x144xf32, #tpu.memory_space<vmem_shared>> -> memref<128x144xf32, #tpu.memory_space<vmem_shared>>
        %dma_start3A_46 = arith.constant 0 : i32
        %dma_start3A_47 = tpu.memref_slice %arg7[%add3A_38, %dma_start3A_46] : memref<10240x144xf32, #tpu.memory_space<vmem_shared>> -> memref<128x144xf32, #tpu.memory_space<vmem_shared>>
        tpu.enqueue_dma source(%dma_start3A_47 : memref<128x144xf32, #tpu.memory_space<vmem_shared>>) target(%arg10 : memref<128x144xf32, #tpu.memory_space<vmem>>) target_semaphore(%run_scoped3A : memref<!tpu.dma_semaphore, #tpu.memory_space<semaphore_mem>>)
        %dma_wait3A = arith.constant 0 : i32
        %dma_wait3A_48 = tpu.memref_slice %arg7[%add3A_38, %dma_wait3A] : memref<10240x144xf32, #tpu.memory_space<vmem_shared>> -> memref<128x144xf32, #tpu.memory_space<vmem_shared>>
        %dma_wait3A_49 = arith.constant 0 : i32
        %dma_wait3A_50 = tpu.memref_slice %arg7[%add3A_38, %dma_wait3A_49] : memref<10240x144xf32, #tpu.memory_space<vmem_shared>> -> memref<128x144xf32, #tpu.memory_space<vmem_shared>>
        tpu.wait_dma2 semaphore(%run_scoped3A : memref<!tpu.dma_semaphore, #tpu.memory_space<semaphore_mem>>) src(%dma_wait3A_50 : memref<128x144xf32, #tpu.memory_space<vmem_shared>>) dst(%arg10 : memref<128x144xf32, #tpu.memory_space<vmem>>)
        tpu.yield
      }) : () -> ()
      "tpu.region"() ({
        %run_scoped3A = tpu.sem_alloc : memref<!tpu.dma_semaphore, #tpu.memory_space<semaphore_mem>>
        %dma_start3A = arith.constant 0 : i32
        %dma_start3A_45 = tpu.memref_slice %arg6[%add3A_38, %dma_start3A] : memref<10240x144xf32, #tpu.memory_space<hbm>> -> memref<128x144xf32, #tpu.memory_space<hbm>>
        %dma_start3A_46 = arith.constant 0 : i32
        %dma_start3A_47 = tpu.memref_slice %arg6[%add3A_38, %dma_start3A_46] : memref<10240x144xf32, #tpu.memory_space<hbm>> -> memref<128x144xf32, #tpu.memory_space<hbm>>
        tpu.enqueue_dma source(%arg10 : memref<128x144xf32, #tpu.memory_space<vmem>>) target(%dma_start3A_47 : memref<128x144xf32, #tpu.memory_space<hbm>>) target_semaphore(%run_scoped3A : memref<!tpu.dma_semaphore, #tpu.memory_space<semaphore_mem>>)
        %dma_wait3A = arith.constant 0 : i32
        %dma_wait3A_48 = tpu.memref_slice %arg6[%add3A_38, %dma_wait3A] : memref<10240x144xf32, #tpu.memory_space<hbm>> -> memref<128x144xf32, #tpu.memory_space<hbm>>
        %dma_wait3A_49 = arith.constant 0 : i32
        %dma_wait3A_50 = tpu.memref_slice %arg6[%add3A_38, %dma_wait3A_49] : memref<10240x144xf32, #tpu.memory_space<hbm>> -> memref<128x144xf32, #tpu.memory_space<hbm>>
        tpu.wait_dma2 semaphore(%run_scoped3A : memref<!tpu.dma_semaphore, #tpu.memory_space<semaphore_mem>>) src(%arg10 : memref<128x144xf32, #tpu.memory_space<vmem>>) dst(%dma_wait3A_50 : memref<128x144xf32, #tpu.memory_space<hbm>>)
        tpu.yield
      }) : () -> ()
      %add3A_39 = arith.constant 256 : i32
      %add3A_40 = arith.addi %mul3A_0, %add3A_39 : i32
      "tpu.region"() ({
        %run_scoped3A = tpu.sem_alloc : memref<!tpu.dma_semaphore, #tpu.memory_space<semaphore_mem>>
        %dma_start3A = arith.constant 0 : i32
        %dma_start3A_45 = tpu.memref_slice %arg7[%add3A_40, %dma_start3A] : memref<10240x144xf32, #tpu.memory_space<vmem_shared>> -> memref<128x144xf32, #tpu.memory_space<vmem_shared>>
        %dma_start3A_46 = arith.constant 0 : i32
        %dma_start3A_47 = tpu.memref_slice %arg7[%add3A_40, %dma_start3A_46] : memref<10240x144xf32, #tpu.memory_space<vmem_shared>> -> memref<128x144xf32, #tpu.memory_space<vmem_shared>>
        tpu.enqueue_dma source(%dma_start3A_47 : memref<128x144xf32, #tpu.memory_space<vmem_shared>>) target(%arg10 : memref<128x144xf32, #tpu.memory_space<vmem>>) target_semaphore(%run_scoped3A : memref<!tpu.dma_semaphore, #tpu.memory_space<semaphore_mem>>)
        %dma_wait3A = arith.constant 0 : i32
        %dma_wait3A_48 = tpu.memref_slice %arg7[%add3A_40, %dma_wait3A] : memref<10240x144xf32, #tpu.memory_space<vmem_shared>> -> memref<128x144xf32, #tpu.memory_space<vmem_shared>>
        %dma_wait3A_49 = arith.constant 0 : i32
        %dma_wait3A_50 = tpu.memref_slice %arg7[%add3A_40, %dma_wait3A_49] : memref<10240x144xf32, #tpu.memory_space<vmem_shared>> -> memref<128x144xf32, #tpu.memory_space<vmem_shared>>
        tpu.wait_dma2 semaphore(%run_scoped3A : memref<!tpu.dma_semaphore, #tpu.memory_space<semaphore_mem>>) src(%dma_wait3A_50 : memref<128x144xf32, #tpu.memory_space<vmem_shared>>) dst(%arg10 : memref<128x144xf32, #tpu.memory_space<vmem>>)
        tpu.yield
      }) : () -> ()
      "tpu.region"() ({
        %run_scoped3A = tpu.sem_alloc : memref<!tpu.dma_semaphore, #tpu.memory_space<semaphore_mem>>
        %dma_start3A = arith.constant 0 : i32
        %dma_start3A_45 = tpu.memref_slice %arg6[%add3A_40, %dma_start3A] : memref<10240x144xf32, #tpu.memory_space<hbm>> -> memref<128x144xf32, #tpu.memory_space<hbm>>
        %dma_start3A_46 = arith.constant 0 : i32
        %dma_start3A_47 = tpu.memref_slice %arg6[%add3A_40, %dma_start3A_46] : memref<10240x144xf32, #tpu.memory_space<hbm>> -> memref<128x144xf32, #tpu.memory_space<hbm>>
        tpu.enqueue_dma source(%arg10 : memref<128x144xf32, #tpu.memory_space<vmem>>) target(%dma_start3A_47 : memref<128x144xf32, #tpu.memory_space<hbm>>) target_semaphore(%run_scoped3A : memref<!tpu.dma_semaphore, #tpu.memory_space<semaphore_mem>>)
        %dma_wait3A = arith.constant 0 : i32
        %dma_wait3A_48 = tpu.memref_slice %arg6[%add3A_40, %dma_wait3A] : memref<10240x144xf32, #tpu.memory_space<hbm>> -> memref<128x144xf32, #tpu.memory_space<hbm>>
        %dma_wait3A_49 = arith.constant 0 : i32
        %dma_wait3A_50 = tpu.memref_slice %arg6[%add3A_40, %dma_wait3A_49] : memref<10240x144xf32, #tpu.memory_space<hbm>> -> memref<128x144xf32, #tpu.memory_space<hbm>>
        tpu.wait_dma2 semaphore(%run_scoped3A : memref<!tpu.dma_semaphore, #tpu.memory_space<semaphore_mem>>) src(%arg10 : memref<128x144xf32, #tpu.memory_space<vmem>>) dst(%dma_wait3A_50 : memref<128x144xf32, #tpu.memory_space<hbm>>)
        tpu.yield
      }) : () -> ()
      %add3A_41 = arith.constant 384 : i32
      %add3A_42 = arith.addi %mul3A_0, %add3A_41 : i32
      "tpu.region"() ({
        %run_scoped3A = tpu.sem_alloc : memref<!tpu.dma_semaphore, #tpu.memory_space<semaphore_mem>>
        %dma_start3A = arith.constant 0 : i32
        %dma_start3A_45 = tpu.memref_slice %arg7[%add3A_42, %dma_start3A] : memref<10240x144xf32, #tpu.memory_space<vmem_shared>> -> memref<128x144xf32, #tpu.memory_space<vmem_shared>>
        %dma_start3A_46 = arith.constant 0 : i32
        %dma_start3A_47 = tpu.memref_slice %arg7[%add3A_42, %dma_start3A_46] : memref<10240x144xf32, #tpu.memory_space<vmem_shared>> -> memref<128x144xf32, #tpu.memory_space<vmem_shared>>
        tpu.enqueue_dma source(%dma_start3A_47 : memref<128x144xf32, #tpu.memory_space<vmem_shared>>) target(%arg10 : memref<128x144xf32, #tpu.memory_space<vmem>>) target_semaphore(%run_scoped3A : memref<!tpu.dma_semaphore, #tpu.memory_space<semaphore_mem>>)
        %dma_wait3A = arith.constant 0 : i32
        %dma_wait3A_48 = tpu.memref_slice %arg7[%add3A_42, %dma_wait3A] : memref<10240x144xf32, #tpu.memory_space<vmem_shared>> -> memref<128x144xf32, #tpu.memory_space<vmem_shared>>
        %dma_wait3A_49 = arith.constant 0 : i32
        %dma_wait3A_50 = tpu.memref_slice %arg7[%add3A_42, %dma_wait3A_49] : memref<10240x144xf32, #tpu.memory_space<vmem_shared>> -> memref<128x144xf32, #tpu.memory_space<vmem_shared>>
        tpu.wait_dma2 semaphore(%run_scoped3A : memref<!tpu.dma_semaphore, #tpu.memory_space<semaphore_mem>>) src(%dma_wait3A_50 : memref<128x144xf32, #tpu.memory_space<vmem_shared>>) dst(%arg10 : memref<128x144xf32, #tpu.memory_space<vmem>>)
        tpu.yield
      }) : () -> ()
      "tpu.region"() ({
        %run_scoped3A = tpu.sem_alloc : memref<!tpu.dma_semaphore, #tpu.memory_space<semaphore_mem>>
        %dma_start3A = arith.constant 0 : i32
        %dma_start3A_45 = tpu.memref_slice %arg6[%add3A_42, %dma_start3A] : memref<10240x144xf32, #tpu.memory_space<hbm>> -> memref<128x144xf32, #tpu.memory_space<hbm>>
        %dma_start3A_46 = arith.constant 0 : i32
        %dma_start3A_47 = tpu.memref_slice %arg6[%add3A_42, %dma_start3A_46] : memref<10240x144xf32, #tpu.memory_space<hbm>> -> memref<128x144xf32, #tpu.memory_space<hbm>>
        tpu.enqueue_dma source(%arg10 : memref<128x144xf32, #tpu.memory_space<vmem>>) target(%dma_start3A_47 : memref<128x144xf32, #tpu.memory_space<hbm>>) target_semaphore(%run_scoped3A : memref<!tpu.dma_semaphore, #tpu.memory_space<semaphore_mem>>)
        %dma_wait3A = arith.constant 0 : i32
        %dma_wait3A_48 = tpu.memref_slice %arg6[%add3A_42, %dma_wait3A] : memref<10240x144xf32, #tpu.memory_space<hbm>> -> memref<128x144xf32, #tpu.memory_space<hbm>>
        %dma_wait3A_49 = arith.constant 0 : i32
        %dma_wait3A_50 = tpu.memref_slice %arg6[%add3A_42, %dma_wait3A_49] : memref<10240x144xf32, #tpu.memory_space<hbm>> -> memref<128x144xf32, #tpu.memory_space<hbm>>
        tpu.wait_dma2 semaphore(%run_scoped3A : memref<!tpu.dma_semaphore, #tpu.memory_space<semaphore_mem>>) src(%arg10 : memref<128x144xf32, #tpu.memory_space<vmem>>) dst(%dma_wait3A_50 : memref<128x144xf32, #tpu.memory_space<hbm>>)
        tpu.yield
      }) : () -> ()
      %add3A_43 = arith.constant 512 : i32
      %add3A_44 = arith.addi %mul3A_0, %add3A_43 : i32
      "tpu.region"() ({
        %run_scoped3A = tpu.sem_alloc : memref<!tpu.dma_semaphore, #tpu.memory_space<semaphore_mem>>
        %dma_start3A = arith.constant 0 : i32
        %dma_start3A_45 = tpu.memref_slice %arg7[%add3A_44, %dma_start3A] : memref<10240x144xf32, #tpu.memory_space<vmem_shared>> -> memref<128x144xf32, #tpu.memory_space<vmem_shared>>
        %dma_start3A_46 = arith.constant 0 : i32
        %dma_start3A_47 = tpu.memref_slice %arg7[%add3A_44, %dma_start3A_46] : memref<10240x144xf32, #tpu.memory_space<vmem_shared>> -> memref<128x144xf32, #tpu.memory_space<vmem_shared>>
        tpu.enqueue_dma source(%dma_start3A_47 : memref<128x144xf32, #tpu.memory_space<vmem_shared>>) target(%arg10 : memref<128x144xf32, #tpu.memory_space<vmem>>) target_semaphore(%run_scoped3A : memref<!tpu.dma_semaphore, #tpu.memory_space<semaphore_mem>>)
        %dma_wait3A = arith.constant 0 : i32
        %dma_wait3A_48 = tpu.memref_slice %arg7[%add3A_44, %dma_wait3A] : memref<10240x144xf32, #tpu.memory_space<vmem_shared>> -> memref<128x144xf32, #tpu.memory_space<vmem_shared>>
        %dma_wait3A_49 = arith.constant 0 : i32
        %dma_wait3A_50 = tpu.memref_slice %arg7[%add3A_44, %dma_wait3A_49] : memref<10240x144xf32, #tpu.memory_space<vmem_shared>> -> memref<128x144xf32, #tpu.memory_space<vmem_shared>>
        tpu.wait_dma2 semaphore(%run_scoped3A : memref<!tpu.dma_semaphore, #tpu.memory_space<semaphore_mem>>) src(%dma_wait3A_50 : memref<128x144xf32, #tpu.memory_space<vmem_shared>>) dst(%arg10 : memref<128x144xf32, #tpu.memory_space<vmem>>)
        tpu.yield
      }) : () -> ()
      "tpu.region"() ({
        %run_scoped3A = tpu.sem_alloc : memref<!tpu.dma_semaphore, #tpu.memory_space<semaphore_mem>>
        %dma_start3A = arith.constant 0 : i32
        %dma_start3A_45 = tpu.memref_slice %arg6[%add3A_44, %dma_start3A] : memref<10240x144xf32, #tpu.memory_space<hbm>> -> memref<128x144xf32, #tpu.memory_space<hbm>>
        %dma_start3A_46 = arith.constant 0 : i32
        %dma_start3A_47 = tpu.memref_slice %arg6[%add3A_44, %dma_start3A_46] : memref<10240x144xf32, #tpu.memory_space<hbm>> -> memref<128x144xf32, #tpu.memory_space<hbm>>
        tpu.enqueue_dma source(%arg10 : memref<128x144xf32, #tpu.memory_space<vmem>>) target(%dma_start3A_47 : memref<128x144xf32, #tpu.memory_space<hbm>>) target_semaphore(%run_scoped3A : memref<!tpu.dma_semaphore, #tpu.memory_space<semaphore_mem>>)
        %dma_wait3A = arith.constant 0 : i32
        %dma_wait3A_48 = tpu.memref_slice %arg6[%add3A_44, %dma_wait3A] : memref<10240x144xf32, #tpu.memory_space<hbm>> -> memref<128x144xf32, #tpu.memory_space<hbm>>
        %dma_wait3A_49 = arith.constant 0 : i32
        %dma_wait3A_50 = tpu.memref_slice %arg6[%add3A_44, %dma_wait3A_49] : memref<10240x144xf32, #tpu.memory_space<hbm>> -> memref<128x144xf32, #tpu.memory_space<hbm>>
        tpu.wait_dma2 semaphore(%run_scoped3A : memref<!tpu.dma_semaphore, #tpu.memory_space<semaphore_mem>>) src(%arg10 : memref<128x144xf32, #tpu.memory_space<vmem>>) dst(%dma_wait3A_50 : memref<128x144xf32, #tpu.memory_space<hbm>>)
        tpu.yield
      }) : () -> ()
    } else {
    }
    return
  }
}

#map = affine_map<(d0, d1) -> (0, 0)>
#map1 = affine_map<(d0, d1) -> (0, 0, 0)>
module attributes {stable_mosaic.version = 14 : i64} {
  func.func @body(%arg0: i32, %arg1: i32, %arg2: memref<10000x128xf32, #tpu.memory_space<hbm>>, %arg3: memref<10000x128xf32, #tpu.memory_space<hbm>>, %arg4: memref<1250x2x128xi32, #tpu.memory_space<hbm>>, %arg5: memref<10240x128xf32, #tpu.memory_space<hbm>>, %arg6: memref<10240x128xf32, #tpu.memory_space<hbm>>, %arg7: memref<10240x128xf32, #tpu.memory_space<vmem_shared>>, %arg8: memref<2x128xi32, #tpu.memory_space<vmem>>, %arg9: memref<2x128xi32, #tpu.memory_space<vmem>>, %arg10: memref<128x128xf32, #tpu.memory_space<vmem>>, %arg11: memref<128x128xf32, #tpu.memory_space<vmem>>, %arg12: memref<!tpu.dma_semaphore, #tpu.memory_space<semaphore_mem>>, %arg13: memref<!tpu.dma_semaphore, #tpu.memory_space<semaphore_mem>>) attributes {dimension_semantics = [#tpu.dimension_semantics<core_parallel>, #tpu.dimension_semantics<subcore_parallel>], iteration_bounds = array<i64: 2, 16>, scalar_prefetch = 0 : i64, scratch_operands = 7 : i64, tpu.core_type = #tpu.core_type<sc_vector_subcore>, window_params = [{transform_indices = #map}, {transform_indices = #map}, {transform_indices = #map1}, {transform_indices = #map}, {transform_indices = #map}]} {
    %mul3A = arith.constant 640 : i32
    %mul3A_0 = arith.muli %arg1, %mul3A : i32
    %broadcast_in_dim3A = arith.constant 0.000000e+00 : f32
    %broadcast_in_dim3A_1 = vector.broadcast %broadcast_in_dim3A : f32 to vector<16xf32>
    %scan3A = arith.constant 0 : i32
    %scan3A_2 = arith.constant 0 : i32
    %scan3A_3 = arith.constant 128 : i32
    %scan3A_4 = arith.addi %scan3A_2, %scan3A_3 : i32
    %scan3A_5 = arith.constant 1 : i32
    %scan3A_6 = scf.for %scan3A_35 = %scan3A_2 to %scan3A_4 step %scan3A_5 iter_args(%scan3A_36 = %scan3A) -> (i32)  : i32 {
      %swap3A = arith.index_cast %scan3A_35 : i32 to index
      %swap3A_37 = arith.constant 0 : index
      %swap3A_38 = tpu.vector_load %arg10[%swap3A, %swap3A_37] {strides = array<i32>} : memref<128x128xf32, #tpu.memory_space<vmem>>, vector<1x16xf32>,
      %swap3A_39 = vector.shape_cast %swap3A_38 : vector<1x16xf32> to vector<16xf32>
      %swap3A_40 = vector.shape_cast %broadcast_in_dim3A_1 : vector<16xf32> to vector<1x16xf32>
      tpu.vector_store %arg10[%swap3A, %swap3A_37], %swap3A_40 {strides = array<i32>} : memref<128x128xf32, #tpu.memory_space<vmem>>, vector<1x16xf32>,
      %swap3A_41 = arith.index_cast %scan3A_35 : i32 to index
      %swap3A_42 = arith.constant 16 : index
      %swap3A_43 = tpu.vector_load %arg10[%swap3A_41, %swap3A_42] {strides = array<i32>} : memref<128x128xf32, #tpu.memory_space<vmem>>, vector<1x16xf32>,
      %swap3A_44 = vector.shape_cast %swap3A_43 : vector<1x16xf32> to vector<16xf32>
      %swap3A_45 = vector.shape_cast %broadcast_in_dim3A_1 : vector<16xf32> to vector<1x16xf32>
      tpu.vector_store %arg10[%swap3A_41, %swap3A_42], %swap3A_45 {strides = array<i32>} : memref<128x128xf32, #tpu.memory_space<vmem>>, vector<1x16xf32>,
      %swap3A_46 = arith.index_cast %scan3A_35 : i32 to index
      %swap3A_47 = arith.constant 32 : index
      %swap3A_48 = tpu.vector_load %arg10[%swap3A_46, %swap3A_47] {strides = array<i32>} : memref<128x128xf32, #tpu.memory_space<vmem>>, vector<1x16xf32>,
      %swap3A_49 = vector.shape_cast %swap3A_48 : vector<1x16xf32> to vector<16xf32>
      %swap3A_50 = vector.shape_cast %broadcast_in_dim3A_1 : vector<16xf32> to vector<1x16xf32>
      tpu.vector_store %arg10[%swap3A_46, %swap3A_47], %swap3A_50 {strides = array<i32>} : memref<128x128xf32, #tpu.memory_space<vmem>>, vector<1x16xf32>,
      %swap3A_51 = arith.index_cast %scan3A_35 : i32 to index
      %swap3A_52 = arith.constant 48 : index
      %swap3A_53 = tpu.vector_load %arg10[%swap3A_51, %swap3A_52] {strides = array<i32>} : memref<128x128xf32, #tpu.memory_space<vmem>>, vector<1x16xf32>,
      %swap3A_54 = vector.shape_cast %swap3A_53 : vector<1x16xf32> to vector<16xf32>
      %swap3A_55 = vector.shape_cast %broadcast_in_dim3A_1 : vector<16xf32> to vector<1x16xf32>
      tpu.vector_store %arg10[%swap3A_51, %swap3A_52], %swap3A_55 {strides = array<i32>} : memref<128x128xf32, #tpu.memory_space<vmem>>, vector<1x16xf32>,
      %swap3A_56 = arith.index_cast %scan3A_35 : i32 to index
      %swap3A_57 = arith.constant 64 : index
      %swap3A_58 = tpu.vector_load %arg10[%swap3A_56, %swap3A_57] {strides = array<i32>} : memref<128x128xf32, #tpu.memory_space<vmem>>, vector<1x16xf32>,
      %swap3A_59 = vector.shape_cast %swap3A_58 : vector<1x16xf32> to vector<16xf32>
      %swap3A_60 = vector.shape_cast %broadcast_in_dim3A_1 : vector<16xf32> to vector<1x16xf32>
      tpu.vector_store %arg10[%swap3A_56, %swap3A_57], %swap3A_60 {strides = array<i32>} : memref<128x128xf32, #tpu.memory_space<vmem>>, vector<1x16xf32>,
      %swap3A_61 = arith.index_cast %scan3A_35 : i32 to index
      %swap3A_62 = arith.constant 80 : index
      %swap3A_63 = tpu.vector_load %arg10[%swap3A_61, %swap3A_62] {strides = array<i32>} : memref<128x128xf32, #tpu.memory_space<vmem>>, vector<1x16xf32>,
      %swap3A_64 = vector.shape_cast %swap3A_63 : vector<1x16xf32> to vector<16xf32>
      %swap3A_65 = vector.shape_cast %broadcast_in_dim3A_1 : vector<16xf32> to vector<1x16xf32>
      tpu.vector_store %arg10[%swap3A_61, %swap3A_62], %swap3A_65 {strides = array<i32>} : memref<128x128xf32, #tpu.memory_space<vmem>>, vector<1x16xf32>,
      %swap3A_66 = arith.index_cast %scan3A_35 : i32 to index
      %swap3A_67 = arith.constant 96 : index
      %swap3A_68 = tpu.vector_load %arg10[%swap3A_66, %swap3A_67] {strides = array<i32>} : memref<128x128xf32, #tpu.memory_space<vmem>>, vector<1x16xf32>,
      %swap3A_69 = vector.shape_cast %swap3A_68 : vector<1x16xf32> to vector<16xf32>
      %swap3A_70 = vector.shape_cast %broadcast_in_dim3A_1 : vector<16xf32> to vector<1x16xf32>
      tpu.vector_store %arg10[%swap3A_66, %swap3A_67], %swap3A_70 {strides = array<i32>} : memref<128x128xf32, #tpu.memory_space<vmem>>, vector<1x16xf32>,
      %swap3A_71 = arith.index_cast %scan3A_35 : i32 to index
      %swap3A_72 = arith.constant 112 : index
      %swap3A_73 = tpu.vector_load %arg10[%swap3A_71, %swap3A_72] {strides = array<i32>} : memref<128x128xf32, #tpu.memory_space<vmem>>, vector<1x16xf32>,
      %swap3A_74 = vector.shape_cast %swap3A_73 : vector<1x16xf32> to vector<16xf32>
      %swap3A_75 = vector.shape_cast %broadcast_in_dim3A_1 : vector<16xf32> to vector<1x16xf32>
      tpu.vector_store %arg10[%swap3A_71, %swap3A_72], %swap3A_75 {strides = array<i32>} : memref<128x128xf32, #tpu.memory_space<vmem>>, vector<1x16xf32>,
      %scan3A_76 = arith.constant 0 : i32
      scf.yield %scan3A_76 : i32
    }
    %scan3A_7 = arith.constant 128 : i32
    %add3A = arith.constant 0 : i32
    %add3A_8 = arith.addi %mul3A_0, %add3A : i32
    "tpu.region"() ({
      %run_scoped3A = tpu.sem_alloc : memref<!tpu.dma_semaphore, #tpu.memory_space<semaphore_mem>>
      %dma_start3A = arith.constant 0 : i32
      %dma_start3A_35 = tpu.memref_slice %arg7[%add3A_8, %dma_start3A] : memref<10240x128xf32, #tpu.memory_space<vmem_shared>> -> memref<128x128xf32, #tpu.memory_space<vmem_shared>>
      %dma_start3A_36 = arith.constant 0 : i32
      %dma_start3A_37 = tpu.memref_slice %arg7[%add3A_8, %dma_start3A_36] : memref<10240x128xf32, #tpu.memory_space<vmem_shared>> -> memref<128x128xf32, #tpu.memory_space<vmem_shared>>
      tpu.enqueue_dma source(%arg10 : memref<128x128xf32, #tpu.memory_space<vmem>>) target(%dma_start3A_37 : memref<128x128xf32, #tpu.memory_space<vmem_shared>>) target_semaphore(%run_scoped3A : memref<!tpu.dma_semaphore, #tpu.memory_space<semaphore_mem>>)
      %dma_wait3A = arith.constant 0 : i32
      %dma_wait3A_38 = tpu.memref_slice %arg7[%add3A_8, %dma_wait3A] : memref<10240x128xf32, #tpu.memory_space<vmem_shared>> -> memref<128x128xf32, #tpu.memory_space<vmem_shared>>
      %dma_wait3A_39 = arith.constant 0 : i32
      %dma_wait3A_40 = tpu.memref_slice %arg7[%add3A_8, %dma_wait3A_39] : memref<10240x128xf32, #tpu.memory_space<vmem_shared>> -> memref<128x128xf32, #tpu.memory_space<vmem_shared>>
      tpu.wait_dma2 semaphore(%run_scoped3A : memref<!tpu.dma_semaphore, #tpu.memory_space<semaphore_mem>>) src(%arg10 : memref<128x128xf32, #tpu.memory_space<vmem>>) dst(%dma_wait3A_40 : memref<128x128xf32, #tpu.memory_space<vmem_shared>>)
      tpu.yield
    }) : () -> ()
    %add3A_9 = arith.constant 128 : i32
    %add3A_10 = arith.addi %mul3A_0, %add3A_9 : i32
    "tpu.region"() ({
      %run_scoped3A = tpu.sem_alloc : memref<!tpu.dma_semaphore, #tpu.memory_space<semaphore_mem>>
      %dma_start3A = arith.constant 0 : i32
      %dma_start3A_35 = tpu.memref_slice %arg7[%add3A_10, %dma_start3A] : memref<10240x128xf32, #tpu.memory_space<vmem_shared>> -> memref<128x128xf32, #tpu.memory_space<vmem_shared>>
      %dma_start3A_36 = arith.constant 0 : i32
      %dma_start3A_37 = tpu.memref_slice %arg7[%add3A_10, %dma_start3A_36] : memref<10240x128xf32, #tpu.memory_space<vmem_shared>> -> memref<128x128xf32, #tpu.memory_space<vmem_shared>>
      tpu.enqueue_dma source(%arg10 : memref<128x128xf32, #tpu.memory_space<vmem>>) target(%dma_start3A_37 : memref<128x128xf32, #tpu.memory_space<vmem_shared>>) target_semaphore(%run_scoped3A : memref<!tpu.dma_semaphore, #tpu.memory_space<semaphore_mem>>)
      %dma_wait3A = arith.constant 0 : i32
      %dma_wait3A_38 = tpu.memref_slice %arg7[%add3A_10, %dma_wait3A] : memref<10240x128xf32, #tpu.memory_space<vmem_shared>> -> memref<128x128xf32, #tpu.memory_space<vmem_shared>>
      %dma_wait3A_39 = arith.constant 0 : i32
      %dma_wait3A_40 = tpu.memref_slice %arg7[%add3A_10, %dma_wait3A_39] : memref<10240x128xf32, #tpu.memory_space<vmem_shared>> -> memref<128x128xf32, #tpu.memory_space<vmem_shared>>
      tpu.wait_dma2 semaphore(%run_scoped3A : memref<!tpu.dma_semaphore, #tpu.memory_space<semaphore_mem>>) src(%arg10 : memref<128x128xf32, #tpu.memory_space<vmem>>) dst(%dma_wait3A_40 : memref<128x128xf32, #tpu.memory_space<vmem_shared>>)
      tpu.yield
    }) : () -> ()
    %add3A_11 = arith.constant 256 : i32
    %add3A_12 = arith.addi %mul3A_0, %add3A_11 : i32
    "tpu.region"() ({
      %run_scoped3A = tpu.sem_alloc : memref<!tpu.dma_semaphore, #tpu.memory_space<semaphore_mem>>
      %dma_start3A = arith.constant 0 : i32
      %dma_start3A_35 = tpu.memref_slice %arg7[%add3A_12, %dma_start3A] : memref<10240x128xf32, #tpu.memory_space<vmem_shared>> -> memref<128x128xf32, #tpu.memory_space<vmem_shared>>
      %dma_start3A_36 = arith.constant 0 : i32
      %dma_start3A_37 = tpu.memref_slice %arg7[%add3A_12, %dma_start3A_36] : memref<10240x128xf32, #tpu.memory_space<vmem_shared>> -> memref<128x128xf32, #tpu.memory_space<vmem_shared>>
      tpu.enqueue_dma source(%arg10 : memref<128x128xf32, #tpu.memory_space<vmem>>) target(%dma_start3A_37 : memref<128x128xf32, #tpu.memory_space<vmem_shared>>) target_semaphore(%run_scoped3A : memref<!tpu.dma_semaphore, #tpu.memory_space<semaphore_mem>>)
      %dma_wait3A = arith.constant 0 : i32
      %dma_wait3A_38 = tpu.memref_slice %arg7[%add3A_12, %dma_wait3A] : memref<10240x128xf32, #tpu.memory_space<vmem_shared>> -> memref<128x128xf32, #tpu.memory_space<vmem_shared>>
      %dma_wait3A_39 = arith.constant 0 : i32
      %dma_wait3A_40 = tpu.memref_slice %arg7[%add3A_12, %dma_wait3A_39] : memref<10240x128xf32, #tpu.memory_space<vmem_shared>> -> memref<128x128xf32, #tpu.memory_space<vmem_shared>>
      tpu.wait_dma2 semaphore(%run_scoped3A : memref<!tpu.dma_semaphore, #tpu.memory_space<semaphore_mem>>) src(%arg10 : memref<128x128xf32, #tpu.memory_space<vmem>>) dst(%dma_wait3A_40 : memref<128x128xf32, #tpu.memory_space<vmem_shared>>)
      tpu.yield
    }) : () -> ()
    %add3A_13 = arith.constant 384 : i32
    %add3A_14 = arith.addi %mul3A_0, %add3A_13 : i32
    "tpu.region"() ({
      %run_scoped3A = tpu.sem_alloc : memref<!tpu.dma_semaphore, #tpu.memory_space<semaphore_mem>>
      %dma_start3A = arith.constant 0 : i32
      %dma_start3A_35 = tpu.memref_slice %arg7[%add3A_14, %dma_start3A] : memref<10240x128xf32, #tpu.memory_space<vmem_shared>> -> memref<128x128xf32, #tpu.memory_space<vmem_shared>>
      %dma_start3A_36 = arith.constant 0 : i32
      %dma_start3A_37 = tpu.memref_slice %arg7[%add3A_14, %dma_start3A_36] : memref<10240x128xf32, #tpu.memory_space<vmem_shared>> -> memref<128x128xf32, #tpu.memory_space<vmem_shared>>
      tpu.enqueue_dma source(%arg10 : memref<128x128xf32, #tpu.memory_space<vmem>>) target(%dma_start3A_37 : memref<128x128xf32, #tpu.memory_space<vmem_shared>>) target_semaphore(%run_scoped3A : memref<!tpu.dma_semaphore, #tpu.memory_space<semaphore_mem>>)
      %dma_wait3A = arith.constant 0 : i32
      %dma_wait3A_38 = tpu.memref_slice %arg7[%add3A_14, %dma_wait3A] : memref<10240x128xf32, #tpu.memory_space<vmem_shared>> -> memref<128x128xf32, #tpu.memory_space<vmem_shared>>
      %dma_wait3A_39 = arith.constant 0 : i32
      %dma_wait3A_40 = tpu.memref_slice %arg7[%add3A_14, %dma_wait3A_39] : memref<10240x128xf32, #tpu.memory_space<vmem_shared>> -> memref<128x128xf32, #tpu.memory_space<vmem_shared>>
      tpu.wait_dma2 semaphore(%run_scoped3A : memref<!tpu.dma_semaphore, #tpu.memory_space<semaphore_mem>>) src(%arg10 : memref<128x128xf32, #tpu.memory_space<vmem>>) dst(%dma_wait3A_40 : memref<128x128xf32, #tpu.memory_space<vmem_shared>>)
      tpu.yield
    }) : () -> ()
    %add3A_15 = arith.constant 512 : i32
    %add3A_16 = arith.addi %mul3A_0, %add3A_15 : i32
    "tpu.region"() ({
      %run_scoped3A = tpu.sem_alloc : memref<!tpu.dma_semaphore, #tpu.memory_space<semaphore_mem>>
      %dma_start3A = arith.constant 0 : i32
      %dma_start3A_35 = tpu.memref_slice %arg7[%add3A_16, %dma_start3A] : memref<10240x128xf32, #tpu.memory_space<vmem_shared>> -> memref<128x128xf32, #tpu.memory_space<vmem_shared>>
      %dma_start3A_36 = arith.constant 0 : i32
      %dma_start3A_37 = tpu.memref_slice %arg7[%add3A_16, %dma_start3A_36] : memref<10240x128xf32, #tpu.memory_space<vmem_shared>> -> memref<128x128xf32, #tpu.memory_space<vmem_shared>>
      tpu.enqueue_dma source(%arg10 : memref<128x128xf32, #tpu.memory_space<vmem>>) target(%dma_start3A_37 : memref<128x128xf32, #tpu.memory_space<vmem_shared>>) target_semaphore(%run_scoped3A : memref<!tpu.dma_semaphore, #tpu.memory_space<semaphore_mem>>)
      %dma_wait3A = arith.constant 0 : i32
      %dma_wait3A_38 = tpu.memref_slice %arg7[%add3A_16, %dma_wait3A] : memref<10240x128xf32, #tpu.memory_space<vmem_shared>> -> memref<128x128xf32, #tpu.memory_space<vmem_shared>>
      %dma_wait3A_39 = arith.constant 0 : i32
      %dma_wait3A_40 = tpu.memref_slice %arg7[%add3A_16, %dma_wait3A_39] : memref<10240x128xf32, #tpu.memory_space<vmem_shared>> -> memref<128x128xf32, #tpu.memory_space<vmem_shared>>
      tpu.wait_dma2 semaphore(%run_scoped3A : memref<!tpu.dma_semaphore, #tpu.memory_space<semaphore_mem>>) src(%arg10 : memref<128x128xf32, #tpu.memory_space<vmem>>) dst(%dma_wait3A_40 : memref<128x128xf32, #tpu.memory_space<vmem_shared>>)
      tpu.yield
    }) : () -> ()
    %barrier3A = arith.constant 0 : index
    tpu.barrier barrier_id(%barrier3A)
    %eq3A = arith.constant 0 : i32
    %eq3A_17 = arith.cmpi eq, %arg0, %eq3A : i32
    %convert_element_type3A = arith.extui %eq3A_17 : i1 to i32
    %cond3A = arith.constant 0 : i32
    %cond3A_18 = arith.cmpi ne, %convert_element_type3A, %cond3A : i32
    scf.if %cond3A_18 {
      "tpu.region"() ({
        %run_scoped3A = tpu.sem_alloc : memref<!tpu.dma_semaphore, #tpu.memory_space<semaphore_mem>>
        %dma_start3A_52 = arith.constant 0 : i32
        %dma_start3A_53 = arith.constant 0 : i32
        %dma_start3A_54 = tpu.memref_slice %arg4[%arg1, %dma_start3A_52, %dma_start3A_53] : memref<1250x2x128xi32, #tpu.memory_space<hbm>> -> memref<1x2x128xi32, #tpu.memory_space<hbm>>
        %dma_start3A_55 = tpu.memref_squeeze %dma_start3A_54 : memref<1x2x128xi32, #tpu.memory_space<hbm>> -> memref<2x128xi32, #tpu.memory_space<hbm>>
        %dma_start3A_56 = arith.constant 0 : i32
        %dma_start3A_57 = arith.constant 0 : i32
        %dma_start3A_58 = tpu.memref_slice %arg4[%arg1, %dma_start3A_56, %dma_start3A_57] : memref<1250x2x128xi32, #tpu.memory_space<hbm>> -> memref<1x2x128xi32, #tpu.memory_space<hbm>>
        %dma_start3A_59 = tpu.memref_squeeze %dma_start3A_58 : memref<1x2x128xi32, #tpu.memory_space<hbm>> -> memref<2x128xi32, #tpu.memory_space<hbm>>
        tpu.enqueue_dma source(%dma_start3A_59 : memref<2x128xi32, #tpu.memory_space<hbm>>) target(%arg8 : memref<2x128xi32, #tpu.memory_space<vmem>>) target_semaphore(%run_scoped3A : memref<!tpu.dma_semaphore, #tpu.memory_space<semaphore_mem>>)
        %dma_wait3A = arith.constant 0 : i32
        %dma_wait3A_60 = arith.constant 0 : i32
        %dma_wait3A_61 = tpu.memref_slice %arg4[%arg1, %dma_wait3A, %dma_wait3A_60] : memref<1250x2x128xi32, #tpu.memory_space<hbm>> -> memref<1x2x128xi32, #tpu.memory_space<hbm>>
        %dma_wait3A_62 = tpu.memref_squeeze %dma_wait3A_61 : memref<1x2x128xi32, #tpu.memory_space<hbm>> -> memref<2x128xi32, #tpu.memory_space<hbm>>
        %dma_wait3A_63 = arith.constant 0 : i32
        %dma_wait3A_64 = arith.constant 0 : i32
        %dma_wait3A_65 = tpu.memref_slice %arg4[%arg1, %dma_wait3A_63, %dma_wait3A_64] : memref<1250x2x128xi32, #tpu.memory_space<hbm>> -> memref<1x2x128xi32, #tpu.memory_space<hbm>>
        %dma_wait3A_66 = tpu.memref_squeeze %dma_wait3A_65 : memref<1x2x128xi32, #tpu.memory_space<hbm>> -> memref<2x128xi32, #tpu.memory_space<hbm>>
        tpu.wait_dma2 semaphore(%run_scoped3A : memref<!tpu.dma_semaphore, #tpu.memory_space<semaphore_mem>>) src(%dma_wait3A_66 : memref<2x128xi32, #tpu.memory_space<hbm>>) dst(%arg8 : memref<2x128xi32, #tpu.memory_space<vmem>>)
        tpu.yield
      }) : () -> ()
      %dma_start3A = arith.constant 0 : i32
      %dma_start3A_35 = arith.constant 0 : i32
      %dma_start3A_36 = tpu.memref_slice %arg8[%dma_start3A, %dma_start3A_35] : memref<2x128xi32, #tpu.memory_space<vmem>> -> memref<1x128xi32, #tpu.memory_space<vmem>>
      %dma_start3A_37 = tpu.memref_squeeze %dma_start3A_36 : memref<1x128xi32, #tpu.memory_space<vmem>> -> memref<128xi32, #tpu.memory_space<vmem>>
      %dma_start3A_38 = arith.constant 0 : i32
      %dma_start3A_39 = arith.constant 0 : i32
      %dma_start3A_40 = tpu.memref_slice %arg2[%dma_start3A_38, %dma_start3A_39] : memref<10000x128xf32, #tpu.memory_space<hbm>> -> memref<10000x128xf32, #tpu.memory_space<hbm>>
      tpu.enqueue_indirect_dma source(%dma_start3A_40 : memref<10000x128xf32, #tpu.memory_space<hbm>>) target(%arg10 : memref<128x128xf32, #tpu.memory_space<vmem>>) offsets(%dma_start3A_37 : memref<128xi32, #tpu.memory_space<vmem>>) semaphore(%arg12 : memref<!tpu.dma_semaphore, #tpu.memory_space<semaphore_mem>>)
      %scan3A_41 = arith.constant 0 : i32
      %scan3A_42 = arith.constant 0 : i32
      %scan3A_43 = arith.constant 39 : i32
      %scan3A_44 = arith.addi %scan3A_42, %scan3A_43 : i32
      %scan3A_45 = arith.constant 1 : i32
      %scan3A_46 = scf.for %scan3A_52 = %scan3A_42 to %scan3A_44 step %scan3A_45 iter_args(%scan3A_53 = %scan3A_41) -> (i32)  : i32 {
        %mul3A_54 = arith.constant 2 : i32
        %mul3A_55 = arith.muli %mul3A_54, %scan3A_52 : i32
        %add3A_56 = arith.constant 1 : i32
        %add3A_57 = arith.addi %mul3A_55, %add3A_56 : i32
        %mul3A_58 = arith.constant 16 : i32
        %mul3A_59 = arith.muli %mul3A_58, %add3A_57 : i32
        %add3A_60 = arith.addi %arg1, %mul3A_59 : i32
        "tpu.region"() ({
          %run_scoped3A_88 = tpu.sem_alloc : memref<!tpu.dma_semaphore, #tpu.memory_space<semaphore_mem>>
          %dma_start3A_89 = arith.constant 0 : i32
          %dma_start3A_90 = arith.constant 0 : i32
          %dma_start3A_91 = tpu.memref_slice %arg4[%add3A_60, %dma_start3A_89, %dma_start3A_90] : memref<1250x2x128xi32, #tpu.memory_space<hbm>> -> memref<1x2x128xi32, #tpu.memory_space<hbm>>
          %dma_start3A_92 = tpu.memref_squeeze %dma_start3A_91 : memref<1x2x128xi32, #tpu.memory_space<hbm>> -> memref<2x128xi32, #tpu.memory_space<hbm>>
          %dma_start3A_93 = arith.constant 0 : i32
          %dma_start3A_94 = arith.constant 0 : i32
          %dma_start3A_95 = tpu.memref_slice %arg4[%add3A_60, %dma_start3A_93, %dma_start3A_94] : memref<1250x2x128xi32, #tpu.memory_space<hbm>> -> memref<1x2x128xi32, #tpu.memory_space<hbm>>
          %dma_start3A_96 = tpu.memref_squeeze %dma_start3A_95 : memref<1x2x128xi32, #tpu.memory_space<hbm>> -> memref<2x128xi32, #tpu.memory_space<hbm>>
          tpu.enqueue_dma source(%dma_start3A_96 : memref<2x128xi32, #tpu.memory_space<hbm>>) target(%arg9 : memref<2x128xi32, #tpu.memory_space<vmem>>) target_semaphore(%run_scoped3A_88 : memref<!tpu.dma_semaphore, #tpu.memory_space<semaphore_mem>>)
          %dma_wait3A_97 = arith.constant 0 : i32
          %dma_wait3A_98 = arith.constant 0 : i32
          %dma_wait3A_99 = tpu.memref_slice %arg4[%add3A_60, %dma_wait3A_97, %dma_wait3A_98] : memref<1250x2x128xi32, #tpu.memory_space<hbm>> -> memref<1x2x128xi32, #tpu.memory_space<hbm>>
          %dma_wait3A_100 = tpu.memref_squeeze %dma_wait3A_99 : memref<1x2x128xi32, #tpu.memory_space<hbm>> -> memref<2x128xi32, #tpu.memory_space<hbm>>
          %dma_wait3A_101 = arith.constant 0 : i32
          %dma_wait3A_102 = arith.constant 0 : i32
          %dma_wait3A_103 = tpu.memref_slice %arg4[%add3A_60, %dma_wait3A_101, %dma_wait3A_102] : memref<1250x2x128xi32, #tpu.memory_space<hbm>> -> memref<1x2x128xi32, #tpu.memory_space<hbm>>
          %dma_wait3A_104 = tpu.memref_squeeze %dma_wait3A_103 : memref<1x2x128xi32, #tpu.memory_space<hbm>> -> memref<2x128xi32, #tpu.memory_space<hbm>>
          tpu.wait_dma2 semaphore(%run_scoped3A_88 : memref<!tpu.dma_semaphore, #tpu.memory_space<semaphore_mem>>) src(%dma_wait3A_104 : memref<2x128xi32, #tpu.memory_space<hbm>>) dst(%arg9 : memref<2x128xi32, #tpu.memory_space<vmem>>)
          tpu.yield
        }) : () -> ()
        %dma_start3A_61 = arith.constant 0 : i32
        %dma_start3A_62 = arith.constant 0 : i32
        %dma_start3A_63 = tpu.memref_slice %arg9[%dma_start3A_61, %dma_start3A_62] : memref<2x128xi32, #tpu.memory_space<vmem>> -> memref<1x128xi32, #tpu.memory_space<vmem>>
        %dma_start3A_64 = tpu.memref_squeeze %dma_start3A_63 : memref<1x128xi32, #tpu.memory_space<vmem>> -> memref<128xi32, #tpu.memory_space<vmem>>
        %dma_start3A_65 = arith.constant 0 : i32
        %dma_start3A_66 = arith.constant 0 : i32
        %dma_start3A_67 = tpu.memref_slice %arg2[%dma_start3A_65, %dma_start3A_66] : memref<10000x128xf32, #tpu.memory_space<hbm>> -> memref<10000x128xf32, #tpu.memory_space<hbm>>
        tpu.enqueue_indirect_dma source(%dma_start3A_67 : memref<10000x128xf32, #tpu.memory_space<hbm>>) target(%arg11 : memref<128x128xf32, #tpu.memory_space<vmem>>) offsets(%dma_start3A_64 : memref<128xi32, #tpu.memory_space<vmem>>) semaphore(%arg13 : memref<!tpu.dma_semaphore, #tpu.memory_space<semaphore_mem>>)
        %dma_wait3A = arith.constant 0 : i32
        %dma_wait3A_68 = arith.constant 0 : i32
        %dma_wait3A_69 = tpu.memref_slice %arg8[%dma_wait3A, %dma_wait3A_68] : memref<2x128xi32, #tpu.memory_space<vmem>> -> memref<1x128xi32, #tpu.memory_space<vmem>>
        %dma_wait3A_70 = tpu.memref_squeeze %dma_wait3A_69 : memref<1x128xi32, #tpu.memory_space<vmem>> -> memref<128xi32, #tpu.memory_space<vmem>>
        %dma_wait3A_71 = arith.constant 0 : i32
        %dma_wait3A_72 = arith.constant 0 : i32
        %dma_wait3A_73 = tpu.memref_slice %arg2[%dma_wait3A_71, %dma_wait3A_72] : memref<10000x128xf32, #tpu.memory_space<hbm>> -> memref<10000x128xf32, #tpu.memory_space<hbm>>
        tpu.wait_indirect_dma semaphore(%arg12 : memref<!tpu.dma_semaphore, #tpu.memory_space<semaphore_mem>>) src(%dma_wait3A_73 : memref<10000x128xf32, #tpu.memory_space<hbm>>) dst(%arg10 : memref<128x128xf32, #tpu.memory_space<vmem>>)
        %run_scoped3A = arith.constant 1 : i32
        "tpu.region"() ({
          %run_scoped3A_88 = tpu.sem_alloc : memref<!tpu.dma_semaphore, #tpu.memory_space<semaphore_mem>>
          %dma_start3A_89 = arith.constant 0 : i32
          %dma_start3A_90 = tpu.memref_slice %arg8[%run_scoped3A, %dma_start3A_89] : memref<2x128xi32, #tpu.memory_space<vmem>> -> memref<1x128xi32, #tpu.memory_space<vmem>>
          %dma_start3A_91 = tpu.memref_squeeze %dma_start3A_90 : memref<1x128xi32, #tpu.memory_space<vmem>> -> memref<128xi32, #tpu.memory_space<vmem>>
          %dma_start3A_92 = arith.constant 0 : i32
          %dma_start3A_93 = arith.constant 0 : i32
          %dma_start3A_94 = tpu.memref_slice %arg7[%dma_start3A_92, %dma_start3A_93] : memref<10240x128xf32, #tpu.memory_space<vmem_shared>> -> memref<10240x128xf32, #tpu.memory_space<vmem_shared>>
          tpu.enqueue_indirect_dma source(%arg10 : memref<128x128xf32, #tpu.memory_space<vmem>>) target(%dma_start3A_94 : memref<10240x128xf32, #tpu.memory_space<vmem_shared>>) offsets(%dma_start3A_91 : memref<128xi32, #tpu.memory_space<vmem>>) semaphore(%run_scoped3A_88 : memref<!tpu.dma_semaphore, #tpu.memory_space<semaphore_mem>>) {add = true}
          %dma_wait3A_95 = arith.constant 0 : i32
          %dma_wait3A_96 = tpu.memref_slice %arg8[%run_scoped3A, %dma_wait3A_95] : memref<2x128xi32, #tpu.memory_space<vmem>> -> memref<1x128xi32, #tpu.memory_space<vmem>>
          %dma_wait3A_97 = tpu.memref_squeeze %dma_wait3A_96 : memref<1x128xi32, #tpu.memory_space<vmem>> -> memref<128xi32, #tpu.memory_space<vmem>>
          %dma_wait3A_98 = arith.constant 0 : i32
          %dma_wait3A_99 = arith.constant 0 : i32
          %dma_wait3A_100 = tpu.memref_slice %arg7[%dma_wait3A_98, %dma_wait3A_99] : memref<10240x128xf32, #tpu.memory_space<vmem_shared>> -> memref<10240x128xf32, #tpu.memory_space<vmem_shared>>
          tpu.wait_indirect_dma semaphore(%run_scoped3A_88 : memref<!tpu.dma_semaphore, #tpu.memory_space<semaphore_mem>>) src(%arg10 : memref<128x128xf32, #tpu.memory_space<vmem>>) dst(%dma_wait3A_100 : memref<10240x128xf32, #tpu.memory_space<vmem_shared>>)
          tpu.yield
        }) : () -> ()
        %lt3A_74 = arith.constant 38 : i32
        %lt3A_75 = arith.cmpi slt, %scan3A_52, %lt3A_74 : i32
        %convert_element_type3A_76 = arith.extui %lt3A_75 : i1 to i32
        %cond3A_77 = arith.constant 0 : i32
        %cond3A_78 = arith.cmpi ne, %convert_element_type3A_76, %cond3A_77 : i32
        scf.if %cond3A_78 {
          %add3A_88 = arith.constant 1 : i32
          %add3A_89 = arith.addi %add3A_57, %add3A_88 : i32
          %mul3A_90 = arith.constant 16 : i32
          %mul3A_91 = arith.muli %mul3A_90, %add3A_89 : i32
          %add3A_92 = arith.addi %arg1, %mul3A_91 : i32
          "tpu.region"() ({
            %run_scoped3A_100 = tpu.sem_alloc : memref<!tpu.dma_semaphore, #tpu.memory_space<semaphore_mem>>
            %dma_start3A_101 = arith.constant 0 : i32
            %dma_start3A_102 = arith.constant 0 : i32
            %dma_start3A_103 = tpu.memref_slice %arg4[%add3A_92, %dma_start3A_101, %dma_start3A_102] : memref<1250x2x128xi32, #tpu.memory_space<hbm>> -> memref<1x2x128xi32, #tpu.memory_space<hbm>>
            %dma_start3A_104 = tpu.memref_squeeze %dma_start3A_103 : memref<1x2x128xi32, #tpu.memory_space<hbm>> -> memref<2x128xi32, #tpu.memory_space<hbm>>
            %dma_start3A_105 = arith.constant 0 : i32
            %dma_start3A_106 = arith.constant 0 : i32
            %dma_start3A_107 = tpu.memref_slice %arg4[%add3A_92, %dma_start3A_105, %dma_start3A_106] : memref<1250x2x128xi32, #tpu.memory_space<hbm>> -> memref<1x2x128xi32, #tpu.memory_space<hbm>>
            %dma_start3A_108 = tpu.memref_squeeze %dma_start3A_107 : memref<1x2x128xi32, #tpu.memory_space<hbm>> -> memref<2x128xi32, #tpu.memory_space<hbm>>
            tpu.enqueue_dma source(%dma_start3A_108 : memref<2x128xi32, #tpu.memory_space<hbm>>) target(%arg8 : memref<2x128xi32, #tpu.memory_space<vmem>>) target_semaphore(%run_scoped3A_100 : memref<!tpu.dma_semaphore, #tpu.memory_space<semaphore_mem>>)
            %dma_wait3A_109 = arith.constant 0 : i32
            %dma_wait3A_110 = arith.constant 0 : i32
            %dma_wait3A_111 = tpu.memref_slice %arg4[%add3A_92, %dma_wait3A_109, %dma_wait3A_110] : memref<1250x2x128xi32, #tpu.memory_space<hbm>> -> memref<1x2x128xi32, #tpu.memory_space<hbm>>
            %dma_wait3A_112 = tpu.memref_squeeze %dma_wait3A_111 : memref<1x2x128xi32, #tpu.memory_space<hbm>> -> memref<2x128xi32, #tpu.memory_space<hbm>>
            %dma_wait3A_113 = arith.constant 0 : i32
            %dma_wait3A_114 = arith.constant 0 : i32
            %dma_wait3A_115 = tpu.memref_slice %arg4[%add3A_92, %dma_wait3A_113, %dma_wait3A_114] : memref<1250x2x128xi32, #tpu.memory_space<hbm>> -> memref<1x2x128xi32, #tpu.memory_space<hbm>>
            %dma_wait3A_116 = tpu.memref_squeeze %dma_wait3A_115 : memref<1x2x128xi32, #tpu.memory_space<hbm>> -> memref<2x128xi32, #tpu.memory_space<hbm>>
            tpu.wait_dma2 semaphore(%run_scoped3A_100 : memref<!tpu.dma_semaphore, #tpu.memory_space<semaphore_mem>>) src(%dma_wait3A_116 : memref<2x128xi32, #tpu.memory_space<hbm>>) dst(%arg8 : memref<2x128xi32, #tpu.memory_space<vmem>>)
            tpu.yield
          }) : () -> ()
          %dma_start3A_93 = arith.constant 0 : i32
          %dma_start3A_94 = arith.constant 0 : i32
          %dma_start3A_95 = tpu.memref_slice %arg8[%dma_start3A_93, %dma_start3A_94] : memref<2x128xi32, #tpu.memory_space<vmem>> -> memref<1x128xi32, #tpu.memory_space<vmem>>
          %dma_start3A_96 = tpu.memref_squeeze %dma_start3A_95 : memref<1x128xi32, #tpu.memory_space<vmem>> -> memref<128xi32, #tpu.memory_space<vmem>>
          %dma_start3A_97 = arith.constant 0 : i32
          %dma_start3A_98 = arith.constant 0 : i32
          %dma_start3A_99 = tpu.memref_slice %arg2[%dma_start3A_97, %dma_start3A_98] : memref<10000x128xf32, #tpu.memory_space<hbm>> -> memref<10000x128xf32, #tpu.memory_space<hbm>>
          tpu.enqueue_indirect_dma source(%dma_start3A_99 : memref<10000x128xf32, #tpu.memory_space<hbm>>) target(%arg10 : memref<128x128xf32, #tpu.memory_space<vmem>>) offsets(%dma_start3A_96 : memref<128xi32, #tpu.memory_space<vmem>>) semaphore(%arg12 : memref<!tpu.dma_semaphore, #tpu.memory_space<semaphore_mem>>)
        } else {
        }
        %dma_wait3A_79 = arith.constant 0 : i32
        %dma_wait3A_80 = arith.constant 0 : i32
        %dma_wait3A_81 = tpu.memref_slice %arg9[%dma_wait3A_79, %dma_wait3A_80] : memref<2x128xi32, #tpu.memory_space<vmem>> -> memref<1x128xi32, #tpu.memory_space<vmem>>
        %dma_wait3A_82 = tpu.memref_squeeze %dma_wait3A_81 : memref<1x128xi32, #tpu.memory_space<vmem>> -> memref<128xi32, #tpu.memory_space<vmem>>
        %dma_wait3A_83 = arith.constant 0 : i32
        %dma_wait3A_84 = arith.constant 0 : i32
        %dma_wait3A_85 = tpu.memref_slice %arg2[%dma_wait3A_83, %dma_wait3A_84] : memref<10000x128xf32, #tpu.memory_space<hbm>> -> memref<10000x128xf32, #tpu.memory_space<hbm>>
        tpu.wait_indirect_dma semaphore(%arg13 : memref<!tpu.dma_semaphore, #tpu.memory_space<semaphore_mem>>) src(%dma_wait3A_85 : memref<10000x128xf32, #tpu.memory_space<hbm>>) dst(%arg11 : memref<128x128xf32, #tpu.memory_space<vmem>>)
        %run_scoped3A_86 = arith.constant 1 : i32
        "tpu.region"() ({
          %run_scoped3A_88 = tpu.sem_alloc : memref<!tpu.dma_semaphore, #tpu.memory_space<semaphore_mem>>
          %dma_start3A_89 = arith.constant 0 : i32
          %dma_start3A_90 = tpu.memref_slice %arg9[%run_scoped3A_86, %dma_start3A_89] : memref<2x128xi32, #tpu.memory_space<vmem>> -> memref<1x128xi32, #tpu.memory_space<vmem>>
          %dma_start3A_91 = tpu.memref_squeeze %dma_start3A_90 : memref<1x128xi32, #tpu.memory_space<vmem>> -> memref<128xi32, #tpu.memory_space<vmem>>
          %dma_start3A_92 = arith.constant 0 : i32
          %dma_start3A_93 = arith.constant 0 : i32
          %dma_start3A_94 = tpu.memref_slice %arg7[%dma_start3A_92, %dma_start3A_93] : memref<10240x128xf32, #tpu.memory_space<vmem_shared>> -> memref<10240x128xf32, #tpu.memory_space<vmem_shared>>
          tpu.enqueue_indirect_dma source(%arg11 : memref<128x128xf32, #tpu.memory_space<vmem>>) target(%dma_start3A_94 : memref<10240x128xf32, #tpu.memory_space<vmem_shared>>) offsets(%dma_start3A_91 : memref<128xi32, #tpu.memory_space<vmem>>) semaphore(%run_scoped3A_88 : memref<!tpu.dma_semaphore, #tpu.memory_space<semaphore_mem>>) {add = true}
          %dma_wait3A_95 = arith.constant 0 : i32
          %dma_wait3A_96 = tpu.memref_slice %arg9[%run_scoped3A_86, %dma_wait3A_95] : memref<2x128xi32, #tpu.memory_space<vmem>> -> memref<1x128xi32, #tpu.memory_space<vmem>>
          %dma_wait3A_97 = tpu.memref_squeeze %dma_wait3A_96 : memref<1x128xi32, #tpu.memory_space<vmem>> -> memref<128xi32, #tpu.memory_space<vmem>>
          %dma_wait3A_98 = arith.constant 0 : i32
          %dma_wait3A_99 = arith.constant 0 : i32
          %dma_wait3A_100 = tpu.memref_slice %arg7[%dma_wait3A_98, %dma_wait3A_99] : memref<10240x128xf32, #tpu.memory_space<vmem_shared>> -> memref<10240x128xf32, #tpu.memory_space<vmem_shared>>
          tpu.wait_indirect_dma semaphore(%run_scoped3A_88 : memref<!tpu.dma_semaphore, #tpu.memory_space<semaphore_mem>>) src(%arg11 : memref<128x128xf32, #tpu.memory_space<vmem>>) dst(%dma_wait3A_100 : memref<10240x128xf32, #tpu.memory_space<vmem_shared>>)
          tpu.yield
        }) : () -> ()
        %scan3A_87 = arith.constant 0 : i32
        scf.yield %scan3A_87 : i32
      }
      %scan3A_47 = arith.constant 39 : i32
      %lt3A = arith.constant 2 : i32
      %lt3A_48 = arith.cmpi slt, %arg1, %lt3A : i32
      %convert_element_type3A_49 = arith.extui %lt3A_48 : i1 to i32
      %cond3A_50 = arith.constant 0 : i32
      %cond3A_51 = arith.cmpi ne, %convert_element_type3A_49, %cond3A_50 : i32
      scf.if %cond3A_51 {
        %add3A_52 = arith.constant 1248 : i32
        %add3A_53 = arith.addi %arg1, %add3A_52 : i32
        "tpu.region"() ({
          %run_scoped3A_67 = tpu.sem_alloc : memref<!tpu.dma_semaphore, #tpu.memory_space<semaphore_mem>>
          %dma_start3A_68 = arith.constant 0 : i32
          %dma_start3A_69 = arith.constant 0 : i32
          %dma_start3A_70 = tpu.memref_slice %arg4[%add3A_53, %dma_start3A_68, %dma_start3A_69] : memref<1250x2x128xi32, #tpu.memory_space<hbm>> -> memref<1x2x128xi32, #tpu.memory_space<hbm>>
          %dma_start3A_71 = tpu.memref_squeeze %dma_start3A_70 : memref<1x2x128xi32, #tpu.memory_space<hbm>> -> memref<2x128xi32, #tpu.memory_space<hbm>>
          %dma_start3A_72 = arith.constant 0 : i32
          %dma_start3A_73 = arith.constant 0 : i32
          %dma_start3A_74 = tpu.memref_slice %arg4[%add3A_53, %dma_start3A_72, %dma_start3A_73] : memref<1250x2x128xi32, #tpu.memory_space<hbm>> -> memref<1x2x128xi32, #tpu.memory_space<hbm>>
          %dma_start3A_75 = tpu.memref_squeeze %dma_start3A_74 : memref<1x2x128xi32, #tpu.memory_space<hbm>> -> memref<2x128xi32, #tpu.memory_space<hbm>>
          tpu.enqueue_dma source(%dma_start3A_75 : memref<2x128xi32, #tpu.memory_space<hbm>>) target(%arg8 : memref<2x128xi32, #tpu.memory_space<vmem>>) target_semaphore(%run_scoped3A_67 : memref<!tpu.dma_semaphore, #tpu.memory_space<semaphore_mem>>)
          %dma_wait3A_76 = arith.constant 0 : i32
          %dma_wait3A_77 = arith.constant 0 : i32
          %dma_wait3A_78 = tpu.memref_slice %arg4[%add3A_53, %dma_wait3A_76, %dma_wait3A_77] : memref<1250x2x128xi32, #tpu.memory_space<hbm>> -> memref<1x2x128xi32, #tpu.memory_space<hbm>>
          %dma_wait3A_79 = tpu.memref_squeeze %dma_wait3A_78 : memref<1x2x128xi32, #tpu.memory_space<hbm>> -> memref<2x128xi32, #tpu.memory_space<hbm>>
          %dma_wait3A_80 = arith.constant 0 : i32
          %dma_wait3A_81 = arith.constant 0 : i32
          %dma_wait3A_82 = tpu.memref_slice %arg4[%add3A_53, %dma_wait3A_80, %dma_wait3A_81] : memref<1250x2x128xi32, #tpu.memory_space<hbm>> -> memref<1x2x128xi32, #tpu.memory_space<hbm>>
          %dma_wait3A_83 = tpu.memref_squeeze %dma_wait3A_82 : memref<1x2x128xi32, #tpu.memory_space<hbm>> -> memref<2x128xi32, #tpu.memory_space<hbm>>
          tpu.wait_dma2 semaphore(%run_scoped3A_67 : memref<!tpu.dma_semaphore, #tpu.memory_space<semaphore_mem>>) src(%dma_wait3A_83 : memref<2x128xi32, #tpu.memory_space<hbm>>) dst(%arg8 : memref<2x128xi32, #tpu.memory_space<vmem>>)
          tpu.yield
        }) : () -> ()
        %dma_start3A_54 = arith.constant 0 : i32
        %dma_start3A_55 = arith.constant 0 : i32
        %dma_start3A_56 = tpu.memref_slice %arg8[%dma_start3A_54, %dma_start3A_55] : memref<2x128xi32, #tpu.memory_space<vmem>> -> memref<1x128xi32, #tpu.memory_space<vmem>>
        %dma_start3A_57 = tpu.memref_squeeze %dma_start3A_56 : memref<1x128xi32, #tpu.memory_space<vmem>> -> memref<128xi32, #tpu.memory_space<vmem>>
        %dma_start3A_58 = arith.constant 0 : i32
        %dma_start3A_59 = arith.constant 0 : i32
        %dma_start3A_60 = tpu.memref_slice %arg2[%dma_start3A_58, %dma_start3A_59] : memref<10000x128xf32, #tpu.memory_space<hbm>> -> memref<10000x128xf32, #tpu.memory_space<hbm>>
        tpu.enqueue_indirect_dma source(%dma_start3A_60 : memref<10000x128xf32, #tpu.memory_space<hbm>>) target(%arg10 : memref<128x128xf32, #tpu.memory_space<vmem>>) offsets(%dma_start3A_57 : memref<128xi32, #tpu.memory_space<vmem>>) semaphore(%arg12 : memref<!tpu.dma_semaphore, #tpu.memory_space<semaphore_mem>>)
        %dma_wait3A = arith.constant 0 : i32
        %dma_wait3A_61 = arith.constant 0 : i32
        %dma_wait3A_62 = tpu.memref_slice %arg8[%dma_wait3A, %dma_wait3A_61] : memref<2x128xi32, #tpu.memory_space<vmem>> -> memref<1x128xi32, #tpu.memory_space<vmem>>
        %dma_wait3A_63 = tpu.memref_squeeze %dma_wait3A_62 : memref<1x128xi32, #tpu.memory_space<vmem>> -> memref<128xi32, #tpu.memory_space<vmem>>
        %dma_wait3A_64 = arith.constant 0 : i32
        %dma_wait3A_65 = arith.constant 0 : i32
        %dma_wait3A_66 = tpu.memref_slice %arg2[%dma_wait3A_64, %dma_wait3A_65] : memref<10000x128xf32, #tpu.memory_space<hbm>> -> memref<10000x128xf32, #tpu.memory_space<hbm>>
        tpu.wait_indirect_dma semaphore(%arg12 : memref<!tpu.dma_semaphore, #tpu.memory_space<semaphore_mem>>) src(%dma_wait3A_66 : memref<10000x128xf32, #tpu.memory_space<hbm>>) dst(%arg10 : memref<128x128xf32, #tpu.memory_space<vmem>>)
        %run_scoped3A = arith.constant 1 : i32
        "tpu.region"() ({
          %run_scoped3A_67 = tpu.sem_alloc : memref<!tpu.dma_semaphore, #tpu.memory_space<semaphore_mem>>
          %dma_start3A_68 = arith.constant 0 : i32
          %dma_start3A_69 = tpu.memref_slice %arg8[%run_scoped3A, %dma_start3A_68] : memref<2x128xi32, #tpu.memory_space<vmem>> -> memref<1x128xi32, #tpu.memory_space<vmem>>
          %dma_start3A_70 = tpu.memref_squeeze %dma_start3A_69 : memref<1x128xi32, #tpu.memory_space<vmem>> -> memref<128xi32, #tpu.memory_space<vmem>>
          %dma_start3A_71 = arith.constant 0 : i32
          %dma_start3A_72 = arith.constant 0 : i32
          %dma_start3A_73 = tpu.memref_slice %arg7[%dma_start3A_71, %dma_start3A_72] : memref<10240x128xf32, #tpu.memory_space<vmem_shared>> -> memref<10240x128xf32, #tpu.memory_space<vmem_shared>>
          tpu.enqueue_indirect_dma source(%arg10 : memref<128x128xf32, #tpu.memory_space<vmem>>) target(%dma_start3A_73 : memref<10240x128xf32, #tpu.memory_space<vmem_shared>>) offsets(%dma_start3A_70 : memref<128xi32, #tpu.memory_space<vmem>>) semaphore(%run_scoped3A_67 : memref<!tpu.dma_semaphore, #tpu.memory_space<semaphore_mem>>) {add = true}
          %dma_wait3A_74 = arith.constant 0 : i32
          %dma_wait3A_75 = tpu.memref_slice %arg8[%run_scoped3A, %dma_wait3A_74] : memref<2x128xi32, #tpu.memory_space<vmem>> -> memref<1x128xi32, #tpu.memory_space<vmem>>
          %dma_wait3A_76 = tpu.memref_squeeze %dma_wait3A_75 : memref<1x128xi32, #tpu.memory_space<vmem>> -> memref<128xi32, #tpu.memory_space<vmem>>
          %dma_wait3A_77 = arith.constant 0 : i32
          %dma_wait3A_78 = arith.constant 0 : i32
          %dma_wait3A_79 = tpu.memref_slice %arg7[%dma_wait3A_77, %dma_wait3A_78] : memref<10240x128xf32, #tpu.memory_space<vmem_shared>> -> memref<10240x128xf32, #tpu.memory_space<vmem_shared>>
          tpu.wait_indirect_dma semaphore(%run_scoped3A_67 : memref<!tpu.dma_semaphore, #tpu.memory_space<semaphore_mem>>) src(%arg10 : memref<128x128xf32, #tpu.memory_space<vmem>>) dst(%dma_wait3A_79 : memref<10240x128xf32, #tpu.memory_space<vmem_shared>>)
          tpu.yield
        }) : () -> ()
      } else {
      }
    } else {
    }
    %eq3A_19 = arith.constant 1 : i32
    %eq3A_20 = arith.cmpi eq, %arg0, %eq3A_19 : i32
    %convert_element_type3A_21 = arith.extui %eq3A_20 : i1 to i32
    %cond3A_22 = arith.constant 0 : i32
    %cond3A_23 = arith.cmpi ne, %convert_element_type3A_21, %cond3A_22 : i32
    scf.if %cond3A_23 {
      "tpu.region"() ({
        %run_scoped3A = tpu.sem_alloc : memref<!tpu.dma_semaphore, #tpu.memory_space<semaphore_mem>>
        %dma_start3A_52 = arith.constant 0 : i32
        %dma_start3A_53 = arith.constant 0 : i32
        %dma_start3A_54 = tpu.memref_slice %arg4[%arg1, %dma_start3A_52, %dma_start3A_53] : memref<1250x2x128xi32, #tpu.memory_space<hbm>> -> memref<1x2x128xi32, #tpu.memory_space<hbm>>
        %dma_start3A_55 = tpu.memref_squeeze %dma_start3A_54 : memref<1x2x128xi32, #tpu.memory_space<hbm>> -> memref<2x128xi32, #tpu.memory_space<hbm>>
        %dma_start3A_56 = arith.constant 0 : i32
        %dma_start3A_57 = arith.constant 0 : i32
        %dma_start3A_58 = tpu.memref_slice %arg4[%arg1, %dma_start3A_56, %dma_start3A_57] : memref<1250x2x128xi32, #tpu.memory_space<hbm>> -> memref<1x2x128xi32, #tpu.memory_space<hbm>>
        %dma_start3A_59 = tpu.memref_squeeze %dma_start3A_58 : memref<1x2x128xi32, #tpu.memory_space<hbm>> -> memref<2x128xi32, #tpu.memory_space<hbm>>
        tpu.enqueue_dma source(%dma_start3A_59 : memref<2x128xi32, #tpu.memory_space<hbm>>) target(%arg8 : memref<2x128xi32, #tpu.memory_space<vmem>>) target_semaphore(%run_scoped3A : memref<!tpu.dma_semaphore, #tpu.memory_space<semaphore_mem>>)
        %dma_wait3A = arith.constant 0 : i32
        %dma_wait3A_60 = arith.constant 0 : i32
        %dma_wait3A_61 = tpu.memref_slice %arg4[%arg1, %dma_wait3A, %dma_wait3A_60] : memref<1250x2x128xi32, #tpu.memory_space<hbm>> -> memref<1x2x128xi32, #tpu.memory_space<hbm>>
        %dma_wait3A_62 = tpu.memref_squeeze %dma_wait3A_61 : memref<1x2x128xi32, #tpu.memory_space<hbm>> -> memref<2x128xi32, #tpu.memory_space<hbm>>
        %dma_wait3A_63 = arith.constant 0 : i32
        %dma_wait3A_64 = arith.constant 0 : i32
        %dma_wait3A_65 = tpu.memref_slice %arg4[%arg1, %dma_wait3A_63, %dma_wait3A_64] : memref<1250x2x128xi32, #tpu.memory_space<hbm>> -> memref<1x2x128xi32, #tpu.memory_space<hbm>>
        %dma_wait3A_66 = tpu.memref_squeeze %dma_wait3A_65 : memref<1x2x128xi32, #tpu.memory_space<hbm>> -> memref<2x128xi32, #tpu.memory_space<hbm>>
        tpu.wait_dma2 semaphore(%run_scoped3A : memref<!tpu.dma_semaphore, #tpu.memory_space<semaphore_mem>>) src(%dma_wait3A_66 : memref<2x128xi32, #tpu.memory_space<hbm>>) dst(%arg8 : memref<2x128xi32, #tpu.memory_space<vmem>>)
        tpu.yield
      }) : () -> ()
      %dma_start3A = arith.constant 0 : i32
      %dma_start3A_35 = arith.constant 0 : i32
      %dma_start3A_36 = tpu.memref_slice %arg8[%dma_start3A, %dma_start3A_35] : memref<2x128xi32, #tpu.memory_space<vmem>> -> memref<1x128xi32, #tpu.memory_space<vmem>>
      %dma_start3A_37 = tpu.memref_squeeze %dma_start3A_36 : memref<1x128xi32, #tpu.memory_space<vmem>> -> memref<128xi32, #tpu.memory_space<vmem>>
      %dma_start3A_38 = arith.constant 0 : i32
      %dma_start3A_39 = arith.constant 0 : i32
      %dma_start3A_40 = tpu.memref_slice %arg3[%dma_start3A_38, %dma_start3A_39] : memref<10000x128xf32, #tpu.memory_space<hbm>> -> memref<10000x128xf32, #tpu.memory_space<hbm>>
      tpu.enqueue_indirect_dma source(%dma_start3A_40 : memref<10000x128xf32, #tpu.memory_space<hbm>>) target(%arg10 : memref<128x128xf32, #tpu.memory_space<vmem>>) offsets(%dma_start3A_37 : memref<128xi32, #tpu.memory_space<vmem>>) semaphore(%arg12 : memref<!tpu.dma_semaphore, #tpu.memory_space<semaphore_mem>>)
      %scan3A_41 = arith.constant 0 : i32
      %scan3A_42 = arith.constant 0 : i32
      %scan3A_43 = arith.constant 39 : i32
      %scan3A_44 = arith.addi %scan3A_42, %scan3A_43 : i32
      %scan3A_45 = arith.constant 1 : i32
      %scan3A_46 = scf.for %scan3A_52 = %scan3A_42 to %scan3A_44 step %scan3A_45 iter_args(%scan3A_53 = %scan3A_41) -> (i32)  : i32 {
        %mul3A_54 = arith.constant 2 : i32
        %mul3A_55 = arith.muli %mul3A_54, %scan3A_52 : i32
        %add3A_56 = arith.constant 1 : i32
        %add3A_57 = arith.addi %mul3A_55, %add3A_56 : i32
        %mul3A_58 = arith.constant 16 : i32
        %mul3A_59 = arith.muli %mul3A_58, %add3A_57 : i32
        %add3A_60 = arith.addi %arg1, %mul3A_59 : i32
        "tpu.region"() ({
          %run_scoped3A_88 = tpu.sem_alloc : memref<!tpu.dma_semaphore, #tpu.memory_space<semaphore_mem>>
          %dma_start3A_89 = arith.constant 0 : i32
          %dma_start3A_90 = arith.constant 0 : i32
          %dma_start3A_91 = tpu.memref_slice %arg4[%add3A_60, %dma_start3A_89, %dma_start3A_90] : memref<1250x2x128xi32, #tpu.memory_space<hbm>> -> memref<1x2x128xi32, #tpu.memory_space<hbm>>
          %dma_start3A_92 = tpu.memref_squeeze %dma_start3A_91 : memref<1x2x128xi32, #tpu.memory_space<hbm>> -> memref<2x128xi32, #tpu.memory_space<hbm>>
          %dma_start3A_93 = arith.constant 0 : i32
          %dma_start3A_94 = arith.constant 0 : i32
          %dma_start3A_95 = tpu.memref_slice %arg4[%add3A_60, %dma_start3A_93, %dma_start3A_94] : memref<1250x2x128xi32, #tpu.memory_space<hbm>> -> memref<1x2x128xi32, #tpu.memory_space<hbm>>
          %dma_start3A_96 = tpu.memref_squeeze %dma_start3A_95 : memref<1x2x128xi32, #tpu.memory_space<hbm>> -> memref<2x128xi32, #tpu.memory_space<hbm>>
          tpu.enqueue_dma source(%dma_start3A_96 : memref<2x128xi32, #tpu.memory_space<hbm>>) target(%arg9 : memref<2x128xi32, #tpu.memory_space<vmem>>) target_semaphore(%run_scoped3A_88 : memref<!tpu.dma_semaphore, #tpu.memory_space<semaphore_mem>>)
          %dma_wait3A_97 = arith.constant 0 : i32
          %dma_wait3A_98 = arith.constant 0 : i32
          %dma_wait3A_99 = tpu.memref_slice %arg4[%add3A_60, %dma_wait3A_97, %dma_wait3A_98] : memref<1250x2x128xi32, #tpu.memory_space<hbm>> -> memref<1x2x128xi32, #tpu.memory_space<hbm>>
          %dma_wait3A_100 = tpu.memref_squeeze %dma_wait3A_99 : memref<1x2x128xi32, #tpu.memory_space<hbm>> -> memref<2x128xi32, #tpu.memory_space<hbm>>
          %dma_wait3A_101 = arith.constant 0 : i32
          %dma_wait3A_102 = arith.constant 0 : i32
          %dma_wait3A_103 = tpu.memref_slice %arg4[%add3A_60, %dma_wait3A_101, %dma_wait3A_102] : memref<1250x2x128xi32, #tpu.memory_space<hbm>> -> memref<1x2x128xi32, #tpu.memory_space<hbm>>
          %dma_wait3A_104 = tpu.memref_squeeze %dma_wait3A_103 : memref<1x2x128xi32, #tpu.memory_space<hbm>> -> memref<2x128xi32, #tpu.memory_space<hbm>>
          tpu.wait_dma2 semaphore(%run_scoped3A_88 : memref<!tpu.dma_semaphore, #tpu.memory_space<semaphore_mem>>) src(%dma_wait3A_104 : memref<2x128xi32, #tpu.memory_space<hbm>>) dst(%arg9 : memref<2x128xi32, #tpu.memory_space<vmem>>)
          tpu.yield
        }) : () -> ()
        %dma_start3A_61 = arith.constant 0 : i32
        %dma_start3A_62 = arith.constant 0 : i32
        %dma_start3A_63 = tpu.memref_slice %arg9[%dma_start3A_61, %dma_start3A_62] : memref<2x128xi32, #tpu.memory_space<vmem>> -> memref<1x128xi32, #tpu.memory_space<vmem>>
        %dma_start3A_64 = tpu.memref_squeeze %dma_start3A_63 : memref<1x128xi32, #tpu.memory_space<vmem>> -> memref<128xi32, #tpu.memory_space<vmem>>
        %dma_start3A_65 = arith.constant 0 : i32
        %dma_start3A_66 = arith.constant 0 : i32
        %dma_start3A_67 = tpu.memref_slice %arg3[%dma_start3A_65, %dma_start3A_66] : memref<10000x128xf32, #tpu.memory_space<hbm>> -> memref<10000x128xf32, #tpu.memory_space<hbm>>
        tpu.enqueue_indirect_dma source(%dma_start3A_67 : memref<10000x128xf32, #tpu.memory_space<hbm>>) target(%arg11 : memref<128x128xf32, #tpu.memory_space<vmem>>) offsets(%dma_start3A_64 : memref<128xi32, #tpu.memory_space<vmem>>) semaphore(%arg13 : memref<!tpu.dma_semaphore, #tpu.memory_space<semaphore_mem>>)
        %dma_wait3A = arith.constant 0 : i32
        %dma_wait3A_68 = arith.constant 0 : i32
        %dma_wait3A_69 = tpu.memref_slice %arg8[%dma_wait3A, %dma_wait3A_68] : memref<2x128xi32, #tpu.memory_space<vmem>> -> memref<1x128xi32, #tpu.memory_space<vmem>>
        %dma_wait3A_70 = tpu.memref_squeeze %dma_wait3A_69 : memref<1x128xi32, #tpu.memory_space<vmem>> -> memref<128xi32, #tpu.memory_space<vmem>>
        %dma_wait3A_71 = arith.constant 0 : i32
        %dma_wait3A_72 = arith.constant 0 : i32
        %dma_wait3A_73 = tpu.memref_slice %arg3[%dma_wait3A_71, %dma_wait3A_72] : memref<10000x128xf32, #tpu.memory_space<hbm>> -> memref<10000x128xf32, #tpu.memory_space<hbm>>
        tpu.wait_indirect_dma semaphore(%arg12 : memref<!tpu.dma_semaphore, #tpu.memory_space<semaphore_mem>>) src(%dma_wait3A_73 : memref<10000x128xf32, #tpu.memory_space<hbm>>) dst(%arg10 : memref<128x128xf32, #tpu.memory_space<vmem>>)
        %run_scoped3A = arith.constant 1 : i32
        "tpu.region"() ({
          %run_scoped3A_88 = tpu.sem_alloc : memref<!tpu.dma_semaphore, #tpu.memory_space<semaphore_mem>>
          %dma_start3A_89 = arith.constant 0 : i32
          %dma_start3A_90 = tpu.memref_slice %arg8[%run_scoped3A, %dma_start3A_89] : memref<2x128xi32, #tpu.memory_space<vmem>> -> memref<1x128xi32, #tpu.memory_space<vmem>>
          %dma_start3A_91 = tpu.memref_squeeze %dma_start3A_90 : memref<1x128xi32, #tpu.memory_space<vmem>> -> memref<128xi32, #tpu.memory_space<vmem>>
          %dma_start3A_92 = arith.constant 0 : i32
          %dma_start3A_93 = arith.constant 0 : i32
          %dma_start3A_94 = tpu.memref_slice %arg7[%dma_start3A_92, %dma_start3A_93] : memref<10240x128xf32, #tpu.memory_space<vmem_shared>> -> memref<10240x128xf32, #tpu.memory_space<vmem_shared>>
          tpu.enqueue_indirect_dma source(%arg10 : memref<128x128xf32, #tpu.memory_space<vmem>>) target(%dma_start3A_94 : memref<10240x128xf32, #tpu.memory_space<vmem_shared>>) offsets(%dma_start3A_91 : memref<128xi32, #tpu.memory_space<vmem>>) semaphore(%run_scoped3A_88 : memref<!tpu.dma_semaphore, #tpu.memory_space<semaphore_mem>>) {add = true}
          %dma_wait3A_95 = arith.constant 0 : i32
          %dma_wait3A_96 = tpu.memref_slice %arg8[%run_scoped3A, %dma_wait3A_95] : memref<2x128xi32, #tpu.memory_space<vmem>> -> memref<1x128xi32, #tpu.memory_space<vmem>>
          %dma_wait3A_97 = tpu.memref_squeeze %dma_wait3A_96 : memref<1x128xi32, #tpu.memory_space<vmem>> -> memref<128xi32, #tpu.memory_space<vmem>>
          %dma_wait3A_98 = arith.constant 0 : i32
          %dma_wait3A_99 = arith.constant 0 : i32
          %dma_wait3A_100 = tpu.memref_slice %arg7[%dma_wait3A_98, %dma_wait3A_99] : memref<10240x128xf32, #tpu.memory_space<vmem_shared>> -> memref<10240x128xf32, #tpu.memory_space<vmem_shared>>
          tpu.wait_indirect_dma semaphore(%run_scoped3A_88 : memref<!tpu.dma_semaphore, #tpu.memory_space<semaphore_mem>>) src(%arg10 : memref<128x128xf32, #tpu.memory_space<vmem>>) dst(%dma_wait3A_100 : memref<10240x128xf32, #tpu.memory_space<vmem_shared>>)
          tpu.yield
        }) : () -> ()
        %lt3A_74 = arith.constant 38 : i32
        %lt3A_75 = arith.cmpi slt, %scan3A_52, %lt3A_74 : i32
        %convert_element_type3A_76 = arith.extui %lt3A_75 : i1 to i32
        %cond3A_77 = arith.constant 0 : i32
        %cond3A_78 = arith.cmpi ne, %convert_element_type3A_76, %cond3A_77 : i32
        scf.if %cond3A_78 {
          %add3A_88 = arith.constant 1 : i32
          %add3A_89 = arith.addi %add3A_57, %add3A_88 : i32
          %mul3A_90 = arith.constant 16 : i32
          %mul3A_91 = arith.muli %mul3A_90, %add3A_89 : i32
          %add3A_92 = arith.addi %arg1, %mul3A_91 : i32
          "tpu.region"() ({
            %run_scoped3A_100 = tpu.sem_alloc : memref<!tpu.dma_semaphore, #tpu.memory_space<semaphore_mem>>
            %dma_start3A_101 = arith.constant 0 : i32
            %dma_start3A_102 = arith.constant 0 : i32
            %dma_start3A_103 = tpu.memref_slice %arg4[%add3A_92, %dma_start3A_101, %dma_start3A_102] : memref<1250x2x128xi32, #tpu.memory_space<hbm>> -> memref<1x2x128xi32, #tpu.memory_space<hbm>>
            %dma_start3A_104 = tpu.memref_squeeze %dma_start3A_103 : memref<1x2x128xi32, #tpu.memory_space<hbm>> -> memref<2x128xi32, #tpu.memory_space<hbm>>
            %dma_start3A_105 = arith.constant 0 : i32
            %dma_start3A_106 = arith.constant 0 : i32
            %dma_start3A_107 = tpu.memref_slice %arg4[%add3A_92, %dma_start3A_105, %dma_start3A_106] : memref<1250x2x128xi32, #tpu.memory_space<hbm>> -> memref<1x2x128xi32, #tpu.memory_space<hbm>>
            %dma_start3A_108 = tpu.memref_squeeze %dma_start3A_107 : memref<1x2x128xi32, #tpu.memory_space<hbm>> -> memref<2x128xi32, #tpu.memory_space<hbm>>
            tpu.enqueue_dma source(%dma_start3A_108 : memref<2x128xi32, #tpu.memory_space<hbm>>) target(%arg8 : memref<2x128xi32, #tpu.memory_space<vmem>>) target_semaphore(%run_scoped3A_100 : memref<!tpu.dma_semaphore, #tpu.memory_space<semaphore_mem>>)
            %dma_wait3A_109 = arith.constant 0 : i32
            %dma_wait3A_110 = arith.constant 0 : i32
            %dma_wait3A_111 = tpu.memref_slice %arg4[%add3A_92, %dma_wait3A_109, %dma_wait3A_110] : memref<1250x2x128xi32, #tpu.memory_space<hbm>> -> memref<1x2x128xi32, #tpu.memory_space<hbm>>
            %dma_wait3A_112 = tpu.memref_squeeze %dma_wait3A_111 : memref<1x2x128xi32, #tpu.memory_space<hbm>> -> memref<2x128xi32, #tpu.memory_space<hbm>>
            %dma_wait3A_113 = arith.constant 0 : i32
            %dma_wait3A_114 = arith.constant 0 : i32
            %dma_wait3A_115 = tpu.memref_slice %arg4[%add3A_92, %dma_wait3A_113, %dma_wait3A_114] : memref<1250x2x128xi32, #tpu.memory_space<hbm>> -> memref<1x2x128xi32, #tpu.memory_space<hbm>>
            %dma_wait3A_116 = tpu.memref_squeeze %dma_wait3A_115 : memref<1x2x128xi32, #tpu.memory_space<hbm>> -> memref<2x128xi32, #tpu.memory_space<hbm>>
            tpu.wait_dma2 semaphore(%run_scoped3A_100 : memref<!tpu.dma_semaphore, #tpu.memory_space<semaphore_mem>>) src(%dma_wait3A_116 : memref<2x128xi32, #tpu.memory_space<hbm>>) dst(%arg8 : memref<2x128xi32, #tpu.memory_space<vmem>>)
            tpu.yield
          }) : () -> ()
          %dma_start3A_93 = arith.constant 0 : i32
          %dma_start3A_94 = arith.constant 0 : i32
          %dma_start3A_95 = tpu.memref_slice %arg8[%dma_start3A_93, %dma_start3A_94] : memref<2x128xi32, #tpu.memory_space<vmem>> -> memref<1x128xi32, #tpu.memory_space<vmem>>
          %dma_start3A_96 = tpu.memref_squeeze %dma_start3A_95 : memref<1x128xi32, #tpu.memory_space<vmem>> -> memref<128xi32, #tpu.memory_space<vmem>>
          %dma_start3A_97 = arith.constant 0 : i32
          %dma_start3A_98 = arith.constant 0 : i32
          %dma_start3A_99 = tpu.memref_slice %arg3[%dma_start3A_97, %dma_start3A_98] : memref<10000x128xf32, #tpu.memory_space<hbm>> -> memref<10000x128xf32, #tpu.memory_space<hbm>>
          tpu.enqueue_indirect_dma source(%dma_start3A_99 : memref<10000x128xf32, #tpu.memory_space<hbm>>) target(%arg10 : memref<128x128xf32, #tpu.memory_space<vmem>>) offsets(%dma_start3A_96 : memref<128xi32, #tpu.memory_space<vmem>>) semaphore(%arg12 : memref<!tpu.dma_semaphore, #tpu.memory_space<semaphore_mem>>)
        } else {
        }
        %dma_wait3A_79 = arith.constant 0 : i32
        %dma_wait3A_80 = arith.constant 0 : i32
        %dma_wait3A_81 = tpu.memref_slice %arg9[%dma_wait3A_79, %dma_wait3A_80] : memref<2x128xi32, #tpu.memory_space<vmem>> -> memref<1x128xi32, #tpu.memory_space<vmem>>
        %dma_wait3A_82 = tpu.memref_squeeze %dma_wait3A_81 : memref<1x128xi32, #tpu.memory_space<vmem>> -> memref<128xi32, #tpu.memory_space<vmem>>
        %dma_wait3A_83 = arith.constant 0 : i32
        %dma_wait3A_84 = arith.constant 0 : i32
        %dma_wait3A_85 = tpu.memref_slice %arg3[%dma_wait3A_83, %dma_wait3A_84] : memref<10000x128xf32, #tpu.memory_space<hbm>> -> memref<10000x128xf32, #tpu.memory_space<hbm>>
        tpu.wait_indirect_dma semaphore(%arg13 : memref<!tpu.dma_semaphore, #tpu.memory_space<semaphore_mem>>) src(%dma_wait3A_85 : memref<10000x128xf32, #tpu.memory_space<hbm>>) dst(%arg11 : memref<128x128xf32, #tpu.memory_space<vmem>>)
        %run_scoped3A_86 = arith.constant 1 : i32
        "tpu.region"() ({
          %run_scoped3A_88 = tpu.sem_alloc : memref<!tpu.dma_semaphore, #tpu.memory_space<semaphore_mem>>
          %dma_start3A_89 = arith.constant 0 : i32
          %dma_start3A_90 = tpu.memref_slice %arg9[%run_scoped3A_86, %dma_start3A_89] : memref<2x128xi32, #tpu.memory_space<vmem>> -> memref<1x128xi32, #tpu.memory_space<vmem>>
          %dma_start3A_91 = tpu.memref_squeeze %dma_start3A_90 : memref<1x128xi32, #tpu.memory_space<vmem>> -> memref<128xi32, #tpu.memory_space<vmem>>
          %dma_start3A_92 = arith.constant 0 : i32
          %dma_start3A_93 = arith.constant 0 : i32
          %dma_start3A_94 = tpu.memref_slice %arg7[%dma_start3A_92, %dma_start3A_93] : memref<10240x128xf32, #tpu.memory_space<vmem_shared>> -> memref<10240x128xf32, #tpu.memory_space<vmem_shared>>
          tpu.enqueue_indirect_dma source(%arg11 : memref<128x128xf32, #tpu.memory_space<vmem>>) target(%dma_start3A_94 : memref<10240x128xf32, #tpu.memory_space<vmem_shared>>) offsets(%dma_start3A_91 : memref<128xi32, #tpu.memory_space<vmem>>) semaphore(%run_scoped3A_88 : memref<!tpu.dma_semaphore, #tpu.memory_space<semaphore_mem>>) {add = true}
          %dma_wait3A_95 = arith.constant 0 : i32
          %dma_wait3A_96 = tpu.memref_slice %arg9[%run_scoped3A_86, %dma_wait3A_95] : memref<2x128xi32, #tpu.memory_space<vmem>> -> memref<1x128xi32, #tpu.memory_space<vmem>>
          %dma_wait3A_97 = tpu.memref_squeeze %dma_wait3A_96 : memref<1x128xi32, #tpu.memory_space<vmem>> -> memref<128xi32, #tpu.memory_space<vmem>>
          %dma_wait3A_98 = arith.constant 0 : i32
          %dma_wait3A_99 = arith.constant 0 : i32
          %dma_wait3A_100 = tpu.memref_slice %arg7[%dma_wait3A_98, %dma_wait3A_99] : memref<10240x128xf32, #tpu.memory_space<vmem_shared>> -> memref<10240x128xf32, #tpu.memory_space<vmem_shared>>
          tpu.wait_indirect_dma semaphore(%run_scoped3A_88 : memref<!tpu.dma_semaphore, #tpu.memory_space<semaphore_mem>>) src(%arg11 : memref<128x128xf32, #tpu.memory_space<vmem>>) dst(%dma_wait3A_100 : memref<10240x128xf32, #tpu.memory_space<vmem_shared>>)
          tpu.yield
        }) : () -> ()
        %scan3A_87 = arith.constant 0 : i32
        scf.yield %scan3A_87 : i32
      }
      %scan3A_47 = arith.constant 39 : i32
      %lt3A = arith.constant 2 : i32
      %lt3A_48 = arith.cmpi slt, %arg1, %lt3A : i32
      %convert_element_type3A_49 = arith.extui %lt3A_48 : i1 to i32
      %cond3A_50 = arith.constant 0 : i32
      %cond3A_51 = arith.cmpi ne, %convert_element_type3A_49, %cond3A_50 : i32
      scf.if %cond3A_51 {
        %add3A_52 = arith.constant 1248 : i32
        %add3A_53 = arith.addi %arg1, %add3A_52 : i32
        "tpu.region"() ({
          %run_scoped3A_67 = tpu.sem_alloc : memref<!tpu.dma_semaphore, #tpu.memory_space<semaphore_mem>>
          %dma_start3A_68 = arith.constant 0 : i32
          %dma_start3A_69 = arith.constant 0 : i32
          %dma_start3A_70 = tpu.memref_slice %arg4[%add3A_53, %dma_start3A_68, %dma_start3A_69] : memref<1250x2x128xi32, #tpu.memory_space<hbm>> -> memref<1x2x128xi32, #tpu.memory_space<hbm>>
          %dma_start3A_71 = tpu.memref_squeeze %dma_start3A_70 : memref<1x2x128xi32, #tpu.memory_space<hbm>> -> memref<2x128xi32, #tpu.memory_space<hbm>>
          %dma_start3A_72 = arith.constant 0 : i32
          %dma_start3A_73 = arith.constant 0 : i32
          %dma_start3A_74 = tpu.memref_slice %arg4[%add3A_53, %dma_start3A_72, %dma_start3A_73] : memref<1250x2x128xi32, #tpu.memory_space<hbm>> -> memref<1x2x128xi32, #tpu.memory_space<hbm>>
          %dma_start3A_75 = tpu.memref_squeeze %dma_start3A_74 : memref<1x2x128xi32, #tpu.memory_space<hbm>> -> memref<2x128xi32, #tpu.memory_space<hbm>>
          tpu.enqueue_dma source(%dma_start3A_75 : memref<2x128xi32, #tpu.memory_space<hbm>>) target(%arg8 : memref<2x128xi32, #tpu.memory_space<vmem>>) target_semaphore(%run_scoped3A_67 : memref<!tpu.dma_semaphore, #tpu.memory_space<semaphore_mem>>)
          %dma_wait3A_76 = arith.constant 0 : i32
          %dma_wait3A_77 = arith.constant 0 : i32
          %dma_wait3A_78 = tpu.memref_slice %arg4[%add3A_53, %dma_wait3A_76, %dma_wait3A_77] : memref<1250x2x128xi32, #tpu.memory_space<hbm>> -> memref<1x2x128xi32, #tpu.memory_space<hbm>>
          %dma_wait3A_79 = tpu.memref_squeeze %dma_wait3A_78 : memref<1x2x128xi32, #tpu.memory_space<hbm>> -> memref<2x128xi32, #tpu.memory_space<hbm>>
          %dma_wait3A_80 = arith.constant 0 : i32
          %dma_wait3A_81 = arith.constant 0 : i32
          %dma_wait3A_82 = tpu.memref_slice %arg4[%add3A_53, %dma_wait3A_80, %dma_wait3A_81] : memref<1250x2x128xi32, #tpu.memory_space<hbm>> -> memref<1x2x128xi32, #tpu.memory_space<hbm>>
          %dma_wait3A_83 = tpu.memref_squeeze %dma_wait3A_82 : memref<1x2x128xi32, #tpu.memory_space<hbm>> -> memref<2x128xi32, #tpu.memory_space<hbm>>
          tpu.wait_dma2 semaphore(%run_scoped3A_67 : memref<!tpu.dma_semaphore, #tpu.memory_space<semaphore_mem>>) src(%dma_wait3A_83 : memref<2x128xi32, #tpu.memory_space<hbm>>) dst(%arg8 : memref<2x128xi32, #tpu.memory_space<vmem>>)
          tpu.yield
        }) : () -> ()
        %dma_start3A_54 = arith.constant 0 : i32
        %dma_start3A_55 = arith.constant 0 : i32
        %dma_start3A_56 = tpu.memref_slice %arg8[%dma_start3A_54, %dma_start3A_55] : memref<2x128xi32, #tpu.memory_space<vmem>> -> memref<1x128xi32, #tpu.memory_space<vmem>>
        %dma_start3A_57 = tpu.memref_squeeze %dma_start3A_56 : memref<1x128xi32, #tpu.memory_space<vmem>> -> memref<128xi32, #tpu.memory_space<vmem>>
        %dma_start3A_58 = arith.constant 0 : i32
        %dma_start3A_59 = arith.constant 0 : i32
        %dma_start3A_60 = tpu.memref_slice %arg3[%dma_start3A_58, %dma_start3A_59] : memref<10000x128xf32, #tpu.memory_space<hbm>> -> memref<10000x128xf32, #tpu.memory_space<hbm>>
        tpu.enqueue_indirect_dma source(%dma_start3A_60 : memref<10000x128xf32, #tpu.memory_space<hbm>>) target(%arg10 : memref<128x128xf32, #tpu.memory_space<vmem>>) offsets(%dma_start3A_57 : memref<128xi32, #tpu.memory_space<vmem>>) semaphore(%arg12 : memref<!tpu.dma_semaphore, #tpu.memory_space<semaphore_mem>>)
        %dma_wait3A = arith.constant 0 : i32
        %dma_wait3A_61 = arith.constant 0 : i32
        %dma_wait3A_62 = tpu.memref_slice %arg8[%dma_wait3A, %dma_wait3A_61] : memref<2x128xi32, #tpu.memory_space<vmem>> -> memref<1x128xi32, #tpu.memory_space<vmem>>
        %dma_wait3A_63 = tpu.memref_squeeze %dma_wait3A_62 : memref<1x128xi32, #tpu.memory_space<vmem>> -> memref<128xi32, #tpu.memory_space<vmem>>
        %dma_wait3A_64 = arith.constant 0 : i32
        %dma_wait3A_65 = arith.constant 0 : i32
        %dma_wait3A_66 = tpu.memref_slice %arg3[%dma_wait3A_64, %dma_wait3A_65] : memref<10000x128xf32, #tpu.memory_space<hbm>> -> memref<10000x128xf32, #tpu.memory_space<hbm>>
        tpu.wait_indirect_dma semaphore(%arg12 : memref<!tpu.dma_semaphore, #tpu.memory_space<semaphore_mem>>) src(%dma_wait3A_66 : memref<10000x128xf32, #tpu.memory_space<hbm>>) dst(%arg10 : memref<128x128xf32, #tpu.memory_space<vmem>>)
        %run_scoped3A = arith.constant 1 : i32
        "tpu.region"() ({
          %run_scoped3A_67 = tpu.sem_alloc : memref<!tpu.dma_semaphore, #tpu.memory_space<semaphore_mem>>
          %dma_start3A_68 = arith.constant 0 : i32
          %dma_start3A_69 = tpu.memref_slice %arg8[%run_scoped3A, %dma_start3A_68] : memref<2x128xi32, #tpu.memory_space<vmem>> -> memref<1x128xi32, #tpu.memory_space<vmem>>
          %dma_start3A_70 = tpu.memref_squeeze %dma_start3A_69 : memref<1x128xi32, #tpu.memory_space<vmem>> -> memref<128xi32, #tpu.memory_space<vmem>>
          %dma_start3A_71 = arith.constant 0 : i32
          %dma_start3A_72 = arith.constant 0 : i32
          %dma_start3A_73 = tpu.memref_slice %arg7[%dma_start3A_71, %dma_start3A_72] : memref<10240x128xf32, #tpu.memory_space<vmem_shared>> -> memref<10240x128xf32, #tpu.memory_space<vmem_shared>>
          tpu.enqueue_indirect_dma source(%arg10 : memref<128x128xf32, #tpu.memory_space<vmem>>) target(%dma_start3A_73 : memref<10240x128xf32, #tpu.memory_space<vmem_shared>>) offsets(%dma_start3A_70 : memref<128xi32, #tpu.memory_space<vmem>>) semaphore(%run_scoped3A_67 : memref<!tpu.dma_semaphore, #tpu.memory_space<semaphore_mem>>) {add = true}
          %dma_wait3A_74 = arith.constant 0 : i32
          %dma_wait3A_75 = tpu.memref_slice %arg8[%run_scoped3A, %dma_wait3A_74] : memref<2x128xi32, #tpu.memory_space<vmem>> -> memref<1x128xi32, #tpu.memory_space<vmem>>
          %dma_wait3A_76 = tpu.memref_squeeze %dma_wait3A_75 : memref<1x128xi32, #tpu.memory_space<vmem>> -> memref<128xi32, #tpu.memory_space<vmem>>
          %dma_wait3A_77 = arith.constant 0 : i32
          %dma_wait3A_78 = arith.constant 0 : i32
          %dma_wait3A_79 = tpu.memref_slice %arg7[%dma_wait3A_77, %dma_wait3A_78] : memref<10240x128xf32, #tpu.memory_space<vmem_shared>> -> memref<10240x128xf32, #tpu.memory_space<vmem_shared>>
          tpu.wait_indirect_dma semaphore(%run_scoped3A_67 : memref<!tpu.dma_semaphore, #tpu.memory_space<semaphore_mem>>) src(%arg10 : memref<128x128xf32, #tpu.memory_space<vmem>>) dst(%dma_wait3A_79 : memref<10240x128xf32, #tpu.memory_space<vmem_shared>>)
          tpu.yield
        }) : () -> ()
      } else {
      }
    } else {
    }
    %barrier3A_24 = arith.constant 0 : index
    tpu.barrier barrier_id(%barrier3A_24)
    %eq3A_25 = arith.constant 0 : i32
    %eq3A_26 = arith.cmpi eq, %arg0, %eq3A_25 : i32
    %convert_element_type3A_27 = arith.extui %eq3A_26 : i1 to i32
    %cond3A_28 = arith.constant 0 : i32
    %cond3A_29 = arith.cmpi ne, %convert_element_type3A_27, %cond3A_28 : i32
    scf.if %cond3A_29 {
      %add3A_35 = arith.constant 0 : i32
      %add3A_36 = arith.addi %mul3A_0, %add3A_35 : i32
      "tpu.region"() ({
        %run_scoped3A = tpu.sem_alloc : memref<!tpu.dma_semaphore, #tpu.memory_space<semaphore_mem>>
        %dma_start3A = arith.constant 0 : i32
        %dma_start3A_45 = tpu.memref_slice %arg7[%add3A_36, %dma_start3A] : memref<10240x128xf32, #tpu.memory_space<vmem_shared>> -> memref<128x128xf32, #tpu.memory_space<vmem_shared>>
        %dma_start3A_46 = arith.constant 0 : i32
        %dma_start3A_47 = tpu.memref_slice %arg7[%add3A_36, %dma_start3A_46] : memref<10240x128xf32, #tpu.memory_space<vmem_shared>> -> memref<128x128xf32, #tpu.memory_space<vmem_shared>>
        tpu.enqueue_dma source(%dma_start3A_47 : memref<128x128xf32, #tpu.memory_space<vmem_shared>>) target(%arg10 : memref<128x128xf32, #tpu.memory_space<vmem>>) target_semaphore(%run_scoped3A : memref<!tpu.dma_semaphore, #tpu.memory_space<semaphore_mem>>)
        %dma_wait3A = arith.constant 0 : i32
        %dma_wait3A_48 = tpu.memref_slice %arg7[%add3A_36, %dma_wait3A] : memref<10240x128xf32, #tpu.memory_space<vmem_shared>> -> memref<128x128xf32, #tpu.memory_space<vmem_shared>>
        %dma_wait3A_49 = arith.constant 0 : i32
        %dma_wait3A_50 = tpu.memref_slice %arg7[%add3A_36, %dma_wait3A_49] : memref<10240x128xf32, #tpu.memory_space<vmem_shared>> -> memref<128x128xf32, #tpu.memory_space<vmem_shared>>
        tpu.wait_dma2 semaphore(%run_scoped3A : memref<!tpu.dma_semaphore, #tpu.memory_space<semaphore_mem>>) src(%dma_wait3A_50 : memref<128x128xf32, #tpu.memory_space<vmem_shared>>) dst(%arg10 : memref<128x128xf32, #tpu.memory_space<vmem>>)
        tpu.yield
      }) : () -> ()
      "tpu.region"() ({
        %run_scoped3A = tpu.sem_alloc : memref<!tpu.dma_semaphore, #tpu.memory_space<semaphore_mem>>
        %dma_start3A = arith.constant 0 : i32
        %dma_start3A_45 = tpu.memref_slice %arg5[%add3A_36, %dma_start3A] : memref<10240x128xf32, #tpu.memory_space<hbm>> -> memref<128x128xf32, #tpu.memory_space<hbm>>
        %dma_start3A_46 = arith.constant 0 : i32
        %dma_start3A_47 = tpu.memref_slice %arg5[%add3A_36, %dma_start3A_46] : memref<10240x128xf32, #tpu.memory_space<hbm>> -> memref<128x128xf32, #tpu.memory_space<hbm>>
        tpu.enqueue_dma source(%arg10 : memref<128x128xf32, #tpu.memory_space<vmem>>) target(%dma_start3A_47 : memref<128x128xf32, #tpu.memory_space<hbm>>) target_semaphore(%run_scoped3A : memref<!tpu.dma_semaphore, #tpu.memory_space<semaphore_mem>>)
        %dma_wait3A = arith.constant 0 : i32
        %dma_wait3A_48 = tpu.memref_slice %arg5[%add3A_36, %dma_wait3A] : memref<10240x128xf32, #tpu.memory_space<hbm>> -> memref<128x128xf32, #tpu.memory_space<hbm>>
        %dma_wait3A_49 = arith.constant 0 : i32
        %dma_wait3A_50 = tpu.memref_slice %arg5[%add3A_36, %dma_wait3A_49] : memref<10240x128xf32, #tpu.memory_space<hbm>> -> memref<128x128xf32, #tpu.memory_space<hbm>>
        tpu.wait_dma2 semaphore(%run_scoped3A : memref<!tpu.dma_semaphore, #tpu.memory_space<semaphore_mem>>) src(%arg10 : memref<128x128xf32, #tpu.memory_space<vmem>>) dst(%dma_wait3A_50 : memref<128x128xf32, #tpu.memory_space<hbm>>)
        tpu.yield
      }) : () -> ()
      %add3A_37 = arith.constant 128 : i32
      %add3A_38 = arith.addi %mul3A_0, %add3A_37 : i32
      "tpu.region"() ({
        %run_scoped3A = tpu.sem_alloc : memref<!tpu.dma_semaphore, #tpu.memory_space<semaphore_mem>>
        %dma_start3A = arith.constant 0 : i32
        %dma_start3A_45 = tpu.memref_slice %arg7[%add3A_38, %dma_start3A] : memref<10240x128xf32, #tpu.memory_space<vmem_shared>> -> memref<128x128xf32, #tpu.memory_space<vmem_shared>>
        %dma_start3A_46 = arith.constant 0 : i32
        %dma_start3A_47 = tpu.memref_slice %arg7[%add3A_38, %dma_start3A_46] : memref<10240x128xf32, #tpu.memory_space<vmem_shared>> -> memref<128x128xf32, #tpu.memory_space<vmem_shared>>
        tpu.enqueue_dma source(%dma_start3A_47 : memref<128x128xf32, #tpu.memory_space<vmem_shared>>) target(%arg10 : memref<128x128xf32, #tpu.memory_space<vmem>>) target_semaphore(%run_scoped3A : memref<!tpu.dma_semaphore, #tpu.memory_space<semaphore_mem>>)
        %dma_wait3A = arith.constant 0 : i32
        %dma_wait3A_48 = tpu.memref_slice %arg7[%add3A_38, %dma_wait3A] : memref<10240x128xf32, #tpu.memory_space<vmem_shared>> -> memref<128x128xf32, #tpu.memory_space<vmem_shared>>
        %dma_wait3A_49 = arith.constant 0 : i32
        %dma_wait3A_50 = tpu.memref_slice %arg7[%add3A_38, %dma_wait3A_49] : memref<10240x128xf32, #tpu.memory_space<vmem_shared>> -> memref<128x128xf32, #tpu.memory_space<vmem_shared>>
        tpu.wait_dma2 semaphore(%run_scoped3A : memref<!tpu.dma_semaphore, #tpu.memory_space<semaphore_mem>>) src(%dma_wait3A_50 : memref<128x128xf32, #tpu.memory_space<vmem_shared>>) dst(%arg10 : memref<128x128xf32, #tpu.memory_space<vmem>>)
        tpu.yield
      }) : () -> ()
      "tpu.region"() ({
        %run_scoped3A = tpu.sem_alloc : memref<!tpu.dma_semaphore, #tpu.memory_space<semaphore_mem>>
        %dma_start3A = arith.constant 0 : i32
        %dma_start3A_45 = tpu.memref_slice %arg5[%add3A_38, %dma_start3A] : memref<10240x128xf32, #tpu.memory_space<hbm>> -> memref<128x128xf32, #tpu.memory_space<hbm>>
        %dma_start3A_46 = arith.constant 0 : i32
        %dma_start3A_47 = tpu.memref_slice %arg5[%add3A_38, %dma_start3A_46] : memref<10240x128xf32, #tpu.memory_space<hbm>> -> memref<128x128xf32, #tpu.memory_space<hbm>>
        tpu.enqueue_dma source(%arg10 : memref<128x128xf32, #tpu.memory_space<vmem>>) target(%dma_start3A_47 : memref<128x128xf32, #tpu.memory_space<hbm>>) target_semaphore(%run_scoped3A : memref<!tpu.dma_semaphore, #tpu.memory_space<semaphore_mem>>)
        %dma_wait3A = arith.constant 0 : i32
        %dma_wait3A_48 = tpu.memref_slice %arg5[%add3A_38, %dma_wait3A] : memref<10240x128xf32, #tpu.memory_space<hbm>> -> memref<128x128xf32, #tpu.memory_space<hbm>>
        %dma_wait3A_49 = arith.constant 0 : i32
        %dma_wait3A_50 = tpu.memref_slice %arg5[%add3A_38, %dma_wait3A_49] : memref<10240x128xf32, #tpu.memory_space<hbm>> -> memref<128x128xf32, #tpu.memory_space<hbm>>
        tpu.wait_dma2 semaphore(%run_scoped3A : memref<!tpu.dma_semaphore, #tpu.memory_space<semaphore_mem>>) src(%arg10 : memref<128x128xf32, #tpu.memory_space<vmem>>) dst(%dma_wait3A_50 : memref<128x128xf32, #tpu.memory_space<hbm>>)
        tpu.yield
      }) : () -> ()
      %add3A_39 = arith.constant 256 : i32
      %add3A_40 = arith.addi %mul3A_0, %add3A_39 : i32
      "tpu.region"() ({
        %run_scoped3A = tpu.sem_alloc : memref<!tpu.dma_semaphore, #tpu.memory_space<semaphore_mem>>
        %dma_start3A = arith.constant 0 : i32
        %dma_start3A_45 = tpu.memref_slice %arg7[%add3A_40, %dma_start3A] : memref<10240x128xf32, #tpu.memory_space<vmem_shared>> -> memref<128x128xf32, #tpu.memory_space<vmem_shared>>
        %dma_start3A_46 = arith.constant 0 : i32
        %dma_start3A_47 = tpu.memref_slice %arg7[%add3A_40, %dma_start3A_46] : memref<10240x128xf32, #tpu.memory_space<vmem_shared>> -> memref<128x128xf32, #tpu.memory_space<vmem_shared>>
        tpu.enqueue_dma source(%dma_start3A_47 : memref<128x128xf32, #tpu.memory_space<vmem_shared>>) target(%arg10 : memref<128x128xf32, #tpu.memory_space<vmem>>) target_semaphore(%run_scoped3A : memref<!tpu.dma_semaphore, #tpu.memory_space<semaphore_mem>>)
        %dma_wait3A = arith.constant 0 : i32
        %dma_wait3A_48 = tpu.memref_slice %arg7[%add3A_40, %dma_wait3A] : memref<10240x128xf32, #tpu.memory_space<vmem_shared>> -> memref<128x128xf32, #tpu.memory_space<vmem_shared>>
        %dma_wait3A_49 = arith.constant 0 : i32
        %dma_wait3A_50 = tpu.memref_slice %arg7[%add3A_40, %dma_wait3A_49] : memref<10240x128xf32, #tpu.memory_space<vmem_shared>> -> memref<128x128xf32, #tpu.memory_space<vmem_shared>>
        tpu.wait_dma2 semaphore(%run_scoped3A : memref<!tpu.dma_semaphore, #tpu.memory_space<semaphore_mem>>) src(%dma_wait3A_50 : memref<128x128xf32, #tpu.memory_space<vmem_shared>>) dst(%arg10 : memref<128x128xf32, #tpu.memory_space<vmem>>)
        tpu.yield
      }) : () -> ()
      "tpu.region"() ({
        %run_scoped3A = tpu.sem_alloc : memref<!tpu.dma_semaphore, #tpu.memory_space<semaphore_mem>>
        %dma_start3A = arith.constant 0 : i32
        %dma_start3A_45 = tpu.memref_slice %arg5[%add3A_40, %dma_start3A] : memref<10240x128xf32, #tpu.memory_space<hbm>> -> memref<128x128xf32, #tpu.memory_space<hbm>>
        %dma_start3A_46 = arith.constant 0 : i32
        %dma_start3A_47 = tpu.memref_slice %arg5[%add3A_40, %dma_start3A_46] : memref<10240x128xf32, #tpu.memory_space<hbm>> -> memref<128x128xf32, #tpu.memory_space<hbm>>
        tpu.enqueue_dma source(%arg10 : memref<128x128xf32, #tpu.memory_space<vmem>>) target(%dma_start3A_47 : memref<128x128xf32, #tpu.memory_space<hbm>>) target_semaphore(%run_scoped3A : memref<!tpu.dma_semaphore, #tpu.memory_space<semaphore_mem>>)
        %dma_wait3A = arith.constant 0 : i32
        %dma_wait3A_48 = tpu.memref_slice %arg5[%add3A_40, %dma_wait3A] : memref<10240x128xf32, #tpu.memory_space<hbm>> -> memref<128x128xf32, #tpu.memory_space<hbm>>
        %dma_wait3A_49 = arith.constant 0 : i32
        %dma_wait3A_50 = tpu.memref_slice %arg5[%add3A_40, %dma_wait3A_49] : memref<10240x128xf32, #tpu.memory_space<hbm>> -> memref<128x128xf32, #tpu.memory_space<hbm>>
        tpu.wait_dma2 semaphore(%run_scoped3A : memref<!tpu.dma_semaphore, #tpu.memory_space<semaphore_mem>>) src(%arg10 : memref<128x128xf32, #tpu.memory_space<vmem>>) dst(%dma_wait3A_50 : memref<128x128xf32, #tpu.memory_space<hbm>>)
        tpu.yield
      }) : () -> ()
      %add3A_41 = arith.constant 384 : i32
      %add3A_42 = arith.addi %mul3A_0, %add3A_41 : i32
      "tpu.region"() ({
        %run_scoped3A = tpu.sem_alloc : memref<!tpu.dma_semaphore, #tpu.memory_space<semaphore_mem>>
        %dma_start3A = arith.constant 0 : i32
        %dma_start3A_45 = tpu.memref_slice %arg7[%add3A_42, %dma_start3A] : memref<10240x128xf32, #tpu.memory_space<vmem_shared>> -> memref<128x128xf32, #tpu.memory_space<vmem_shared>>
        %dma_start3A_46 = arith.constant 0 : i32
        %dma_start3A_47 = tpu.memref_slice %arg7[%add3A_42, %dma_start3A_46] : memref<10240x128xf32, #tpu.memory_space<vmem_shared>> -> memref<128x128xf32, #tpu.memory_space<vmem_shared>>
        tpu.enqueue_dma source(%dma_start3A_47 : memref<128x128xf32, #tpu.memory_space<vmem_shared>>) target(%arg10 : memref<128x128xf32, #tpu.memory_space<vmem>>) target_semaphore(%run_scoped3A : memref<!tpu.dma_semaphore, #tpu.memory_space<semaphore_mem>>)
        %dma_wait3A = arith.constant 0 : i32
        %dma_wait3A_48 = tpu.memref_slice %arg7[%add3A_42, %dma_wait3A] : memref<10240x128xf32, #tpu.memory_space<vmem_shared>> -> memref<128x128xf32, #tpu.memory_space<vmem_shared>>
        %dma_wait3A_49 = arith.constant 0 : i32
        %dma_wait3A_50 = tpu.memref_slice %arg7[%add3A_42, %dma_wait3A_49] : memref<10240x128xf32, #tpu.memory_space<vmem_shared>> -> memref<128x128xf32, #tpu.memory_space<vmem_shared>>
        tpu.wait_dma2 semaphore(%run_scoped3A : memref<!tpu.dma_semaphore, #tpu.memory_space<semaphore_mem>>) src(%dma_wait3A_50 : memref<128x128xf32, #tpu.memory_space<vmem_shared>>) dst(%arg10 : memref<128x128xf32, #tpu.memory_space<vmem>>)
        tpu.yield
      }) : () -> ()
      "tpu.region"() ({
        %run_scoped3A = tpu.sem_alloc : memref<!tpu.dma_semaphore, #tpu.memory_space<semaphore_mem>>
        %dma_start3A = arith.constant 0 : i32
        %dma_start3A_45 = tpu.memref_slice %arg5[%add3A_42, %dma_start3A] : memref<10240x128xf32, #tpu.memory_space<hbm>> -> memref<128x128xf32, #tpu.memory_space<hbm>>
        %dma_start3A_46 = arith.constant 0 : i32
        %dma_start3A_47 = tpu.memref_slice %arg5[%add3A_42, %dma_start3A_46] : memref<10240x128xf32, #tpu.memory_space<hbm>> -> memref<128x128xf32, #tpu.memory_space<hbm>>
        tpu.enqueue_dma source(%arg10 : memref<128x128xf32, #tpu.memory_space<vmem>>) target(%dma_start3A_47 : memref<128x128xf32, #tpu.memory_space<hbm>>) target_semaphore(%run_scoped3A : memref<!tpu.dma_semaphore, #tpu.memory_space<semaphore_mem>>)
        %dma_wait3A = arith.constant 0 : i32
        %dma_wait3A_48 = tpu.memref_slice %arg5[%add3A_42, %dma_wait3A] : memref<10240x128xf32, #tpu.memory_space<hbm>> -> memref<128x128xf32, #tpu.memory_space<hbm>>
        %dma_wait3A_49 = arith.constant 0 : i32
        %dma_wait3A_50 = tpu.memref_slice %arg5[%add3A_42, %dma_wait3A_49] : memref<10240x128xf32, #tpu.memory_space<hbm>> -> memref<128x128xf32, #tpu.memory_space<hbm>>
        tpu.wait_dma2 semaphore(%run_scoped3A : memref<!tpu.dma_semaphore, #tpu.memory_space<semaphore_mem>>) src(%arg10 : memref<128x128xf32, #tpu.memory_space<vmem>>) dst(%dma_wait3A_50 : memref<128x128xf32, #tpu.memory_space<hbm>>)
        tpu.yield
      }) : () -> ()
      %add3A_43 = arith.constant 512 : i32
      %add3A_44 = arith.addi %mul3A_0, %add3A_43 : i32
      "tpu.region"() ({
        %run_scoped3A = tpu.sem_alloc : memref<!tpu.dma_semaphore, #tpu.memory_space<semaphore_mem>>
        %dma_start3A = arith.constant 0 : i32
        %dma_start3A_45 = tpu.memref_slice %arg7[%add3A_44, %dma_start3A] : memref<10240x128xf32, #tpu.memory_space<vmem_shared>> -> memref<128x128xf32, #tpu.memory_space<vmem_shared>>
        %dma_start3A_46 = arith.constant 0 : i32
        %dma_start3A_47 = tpu.memref_slice %arg7[%add3A_44, %dma_start3A_46] : memref<10240x128xf32, #tpu.memory_space<vmem_shared>> -> memref<128x128xf32, #tpu.memory_space<vmem_shared>>
        tpu.enqueue_dma source(%dma_start3A_47 : memref<128x128xf32, #tpu.memory_space<vmem_shared>>) target(%arg10 : memref<128x128xf32, #tpu.memory_space<vmem>>) target_semaphore(%run_scoped3A : memref<!tpu.dma_semaphore, #tpu.memory_space<semaphore_mem>>)
        %dma_wait3A = arith.constant 0 : i32
        %dma_wait3A_48 = tpu.memref_slice %arg7[%add3A_44, %dma_wait3A] : memref<10240x128xf32, #tpu.memory_space<vmem_shared>> -> memref<128x128xf32, #tpu.memory_space<vmem_shared>>
        %dma_wait3A_49 = arith.constant 0 : i32
        %dma_wait3A_50 = tpu.memref_slice %arg7[%add3A_44, %dma_wait3A_49] : memref<10240x128xf32, #tpu.memory_space<vmem_shared>> -> memref<128x128xf32, #tpu.memory_space<vmem_shared>>
        tpu.wait_dma2 semaphore(%run_scoped3A : memref<!tpu.dma_semaphore, #tpu.memory_space<semaphore_mem>>) src(%dma_wait3A_50 : memref<128x128xf32, #tpu.memory_space<vmem_shared>>) dst(%arg10 : memref<128x128xf32, #tpu.memory_space<vmem>>)
        tpu.yield
      }) : () -> ()
      "tpu.region"() ({
        %run_scoped3A = tpu.sem_alloc : memref<!tpu.dma_semaphore, #tpu.memory_space<semaphore_mem>>
        %dma_start3A = arith.constant 0 : i32
        %dma_start3A_45 = tpu.memref_slice %arg5[%add3A_44, %dma_start3A] : memref<10240x128xf32, #tpu.memory_space<hbm>> -> memref<128x128xf32, #tpu.memory_space<hbm>>
        %dma_start3A_46 = arith.constant 0 : i32
        %dma_start3A_47 = tpu.memref_slice %arg5[%add3A_44, %dma_start3A_46] : memref<10240x128xf32, #tpu.memory_space<hbm>> -> memref<128x128xf32, #tpu.memory_space<hbm>>
        tpu.enqueue_dma source(%arg10 : memref<128x128xf32, #tpu.memory_space<vmem>>) target(%dma_start3A_47 : memref<128x128xf32, #tpu.memory_space<hbm>>) target_semaphore(%run_scoped3A : memref<!tpu.dma_semaphore, #tpu.memory_space<semaphore_mem>>)
        %dma_wait3A = arith.constant 0 : i32
        %dma_wait3A_48 = tpu.memref_slice %arg5[%add3A_44, %dma_wait3A] : memref<10240x128xf32, #tpu.memory_space<hbm>> -> memref<128x128xf32, #tpu.memory_space<hbm>>
        %dma_wait3A_49 = arith.constant 0 : i32
        %dma_wait3A_50 = tpu.memref_slice %arg5[%add3A_44, %dma_wait3A_49] : memref<10240x128xf32, #tpu.memory_space<hbm>> -> memref<128x128xf32, #tpu.memory_space<hbm>>
        tpu.wait_dma2 semaphore(%run_scoped3A : memref<!tpu.dma_semaphore, #tpu.memory_space<semaphore_mem>>) src(%arg10 : memref<128x128xf32, #tpu.memory_space<vmem>>) dst(%dma_wait3A_50 : memref<128x128xf32, #tpu.memory_space<hbm>>)
        tpu.yield
      }) : () -> ()
    } else {
    }
    %eq3A_30 = arith.constant 1 : i32
    %eq3A_31 = arith.cmpi eq, %arg0, %eq3A_30 : i32
    %convert_element_type3A_32 = arith.extui %eq3A_31 : i1 to i32
    %cond3A_33 = arith.constant 0 : i32
    %cond3A_34 = arith.cmpi ne, %convert_element_type3A_32, %cond3A_33 : i32
    scf.if %cond3A_34 {
      %add3A_35 = arith.constant 0 : i32
      %add3A_36 = arith.addi %mul3A_0, %add3A_35 : i32
      "tpu.region"() ({
        %run_scoped3A = tpu.sem_alloc : memref<!tpu.dma_semaphore, #tpu.memory_space<semaphore_mem>>
        %dma_start3A = arith.constant 0 : i32
        %dma_start3A_45 = tpu.memref_slice %arg7[%add3A_36, %dma_start3A] : memref<10240x128xf32, #tpu.memory_space<vmem_shared>> -> memref<128x128xf32, #tpu.memory_space<vmem_shared>>
        %dma_start3A_46 = arith.constant 0 : i32
        %dma_start3A_47 = tpu.memref_slice %arg7[%add3A_36, %dma_start3A_46] : memref<10240x128xf32, #tpu.memory_space<vmem_shared>> -> memref<128x128xf32, #tpu.memory_space<vmem_shared>>
        tpu.enqueue_dma source(%dma_start3A_47 : memref<128x128xf32, #tpu.memory_space<vmem_shared>>) target(%arg10 : memref<128x128xf32, #tpu.memory_space<vmem>>) target_semaphore(%run_scoped3A : memref<!tpu.dma_semaphore, #tpu.memory_space<semaphore_mem>>)
        %dma_wait3A = arith.constant 0 : i32
        %dma_wait3A_48 = tpu.memref_slice %arg7[%add3A_36, %dma_wait3A] : memref<10240x128xf32, #tpu.memory_space<vmem_shared>> -> memref<128x128xf32, #tpu.memory_space<vmem_shared>>
        %dma_wait3A_49 = arith.constant 0 : i32
        %dma_wait3A_50 = tpu.memref_slice %arg7[%add3A_36, %dma_wait3A_49] : memref<10240x128xf32, #tpu.memory_space<vmem_shared>> -> memref<128x128xf32, #tpu.memory_space<vmem_shared>>
        tpu.wait_dma2 semaphore(%run_scoped3A : memref<!tpu.dma_semaphore, #tpu.memory_space<semaphore_mem>>) src(%dma_wait3A_50 : memref<128x128xf32, #tpu.memory_space<vmem_shared>>) dst(%arg10 : memref<128x128xf32, #tpu.memory_space<vmem>>)
        tpu.yield
      }) : () -> ()
      "tpu.region"() ({
        %run_scoped3A = tpu.sem_alloc : memref<!tpu.dma_semaphore, #tpu.memory_space<semaphore_mem>>
        %dma_start3A = arith.constant 0 : i32
        %dma_start3A_45 = tpu.memref_slice %arg6[%add3A_36, %dma_start3A] : memref<10240x128xf32, #tpu.memory_space<hbm>> -> memref<128x128xf32, #tpu.memory_space<hbm>>
        %dma_start3A_46 = arith.constant 0 : i32
        %dma_start3A_47 = tpu.memref_slice %arg6[%add3A_36, %dma_start3A_46] : memref<10240x128xf32, #tpu.memory_space<hbm>> -> memref<128x128xf32, #tpu.memory_space<hbm>>
        tpu.enqueue_dma source(%arg10 : memref<128x128xf32, #tpu.memory_space<vmem>>) target(%dma_start3A_47 : memref<128x128xf32, #tpu.memory_space<hbm>>) target_semaphore(%run_scoped3A : memref<!tpu.dma_semaphore, #tpu.memory_space<semaphore_mem>>)
        %dma_wait3A = arith.constant 0 : i32
        %dma_wait3A_48 = tpu.memref_slice %arg6[%add3A_36, %dma_wait3A] : memref<10240x128xf32, #tpu.memory_space<hbm>> -> memref<128x128xf32, #tpu.memory_space<hbm>>
        %dma_wait3A_49 = arith.constant 0 : i32
        %dma_wait3A_50 = tpu.memref_slice %arg6[%add3A_36, %dma_wait3A_49] : memref<10240x128xf32, #tpu.memory_space<hbm>> -> memref<128x128xf32, #tpu.memory_space<hbm>>
        tpu.wait_dma2 semaphore(%run_scoped3A : memref<!tpu.dma_semaphore, #tpu.memory_space<semaphore_mem>>) src(%arg10 : memref<128x128xf32, #tpu.memory_space<vmem>>) dst(%dma_wait3A_50 : memref<128x128xf32, #tpu.memory_space<hbm>>)
        tpu.yield
      }) : () -> ()
      %add3A_37 = arith.constant 128 : i32
      %add3A_38 = arith.addi %mul3A_0, %add3A_37 : i32
      "tpu.region"() ({
        %run_scoped3A = tpu.sem_alloc : memref<!tpu.dma_semaphore, #tpu.memory_space<semaphore_mem>>
        %dma_start3A = arith.constant 0 : i32
        %dma_start3A_45 = tpu.memref_slice %arg7[%add3A_38, %dma_start3A] : memref<10240x128xf32, #tpu.memory_space<vmem_shared>> -> memref<128x128xf32, #tpu.memory_space<vmem_shared>>
        %dma_start3A_46 = arith.constant 0 : i32
        %dma_start3A_47 = tpu.memref_slice %arg7[%add3A_38, %dma_start3A_46] : memref<10240x128xf32, #tpu.memory_space<vmem_shared>> -> memref<128x128xf32, #tpu.memory_space<vmem_shared>>
        tpu.enqueue_dma source(%dma_start3A_47 : memref<128x128xf32, #tpu.memory_space<vmem_shared>>) target(%arg10 : memref<128x128xf32, #tpu.memory_space<vmem>>) target_semaphore(%run_scoped3A : memref<!tpu.dma_semaphore, #tpu.memory_space<semaphore_mem>>)
        %dma_wait3A = arith.constant 0 : i32
        %dma_wait3A_48 = tpu.memref_slice %arg7[%add3A_38, %dma_wait3A] : memref<10240x128xf32, #tpu.memory_space<vmem_shared>> -> memref<128x128xf32, #tpu.memory_space<vmem_shared>>
        %dma_wait3A_49 = arith.constant 0 : i32
        %dma_wait3A_50 = tpu.memref_slice %arg7[%add3A_38, %dma_wait3A_49] : memref<10240x128xf32, #tpu.memory_space<vmem_shared>> -> memref<128x128xf32, #tpu.memory_space<vmem_shared>>
        tpu.wait_dma2 semaphore(%run_scoped3A : memref<!tpu.dma_semaphore, #tpu.memory_space<semaphore_mem>>) src(%dma_wait3A_50 : memref<128x128xf32, #tpu.memory_space<vmem_shared>>) dst(%arg10 : memref<128x128xf32, #tpu.memory_space<vmem>>)
        tpu.yield
      }) : () -> ()
      "tpu.region"() ({
        %run_scoped3A = tpu.sem_alloc : memref<!tpu.dma_semaphore, #tpu.memory_space<semaphore_mem>>
        %dma_start3A = arith.constant 0 : i32
        %dma_start3A_45 = tpu.memref_slice %arg6[%add3A_38, %dma_start3A] : memref<10240x128xf32, #tpu.memory_space<hbm>> -> memref<128x128xf32, #tpu.memory_space<hbm>>
        %dma_start3A_46 = arith.constant 0 : i32
        %dma_start3A_47 = tpu.memref_slice %arg6[%add3A_38, %dma_start3A_46] : memref<10240x128xf32, #tpu.memory_space<hbm>> -> memref<128x128xf32, #tpu.memory_space<hbm>>
        tpu.enqueue_dma source(%arg10 : memref<128x128xf32, #tpu.memory_space<vmem>>) target(%dma_start3A_47 : memref<128x128xf32, #tpu.memory_space<hbm>>) target_semaphore(%run_scoped3A : memref<!tpu.dma_semaphore, #tpu.memory_space<semaphore_mem>>)
        %dma_wait3A = arith.constant 0 : i32
        %dma_wait3A_48 = tpu.memref_slice %arg6[%add3A_38, %dma_wait3A] : memref<10240x128xf32, #tpu.memory_space<hbm>> -> memref<128x128xf32, #tpu.memory_space<hbm>>
        %dma_wait3A_49 = arith.constant 0 : i32
        %dma_wait3A_50 = tpu.memref_slice %arg6[%add3A_38, %dma_wait3A_49] : memref<10240x128xf32, #tpu.memory_space<hbm>> -> memref<128x128xf32, #tpu.memory_space<hbm>>
        tpu.wait_dma2 semaphore(%run_scoped3A : memref<!tpu.dma_semaphore, #tpu.memory_space<semaphore_mem>>) src(%arg10 : memref<128x128xf32, #tpu.memory_space<vmem>>) dst(%dma_wait3A_50 : memref<128x128xf32, #tpu.memory_space<hbm>>)
        tpu.yield
      }) : () -> ()
      %add3A_39 = arith.constant 256 : i32
      %add3A_40 = arith.addi %mul3A_0, %add3A_39 : i32
      "tpu.region"() ({
        %run_scoped3A = tpu.sem_alloc : memref<!tpu.dma_semaphore, #tpu.memory_space<semaphore_mem>>
        %dma_start3A = arith.constant 0 : i32
        %dma_start3A_45 = tpu.memref_slice %arg7[%add3A_40, %dma_start3A] : memref<10240x128xf32, #tpu.memory_space<vmem_shared>> -> memref<128x128xf32, #tpu.memory_space<vmem_shared>>
        %dma_start3A_46 = arith.constant 0 : i32
        %dma_start3A_47 = tpu.memref_slice %arg7[%add3A_40, %dma_start3A_46] : memref<10240x128xf32, #tpu.memory_space<vmem_shared>> -> memref<128x128xf32, #tpu.memory_space<vmem_shared>>
        tpu.enqueue_dma source(%dma_start3A_47 : memref<128x128xf32, #tpu.memory_space<vmem_shared>>) target(%arg10 : memref<128x128xf32, #tpu.memory_space<vmem>>) target_semaphore(%run_scoped3A : memref<!tpu.dma_semaphore, #tpu.memory_space<semaphore_mem>>)
        %dma_wait3A = arith.constant 0 : i32
        %dma_wait3A_48 = tpu.memref_slice %arg7[%add3A_40, %dma_wait3A] : memref<10240x128xf32, #tpu.memory_space<vmem_shared>> -> memref<128x128xf32, #tpu.memory_space<vmem_shared>>
        %dma_wait3A_49 = arith.constant 0 : i32
        %dma_wait3A_50 = tpu.memref_slice %arg7[%add3A_40, %dma_wait3A_49] : memref<10240x128xf32, #tpu.memory_space<vmem_shared>> -> memref<128x128xf32, #tpu.memory_space<vmem_shared>>
        tpu.wait_dma2 semaphore(%run_scoped3A : memref<!tpu.dma_semaphore, #tpu.memory_space<semaphore_mem>>) src(%dma_wait3A_50 : memref<128x128xf32, #tpu.memory_space<vmem_shared>>) dst(%arg10 : memref<128x128xf32, #tpu.memory_space<vmem>>)
        tpu.yield
      }) : () -> ()
      "tpu.region"() ({
        %run_scoped3A = tpu.sem_alloc : memref<!tpu.dma_semaphore, #tpu.memory_space<semaphore_mem>>
        %dma_start3A = arith.constant 0 : i32
        %dma_start3A_45 = tpu.memref_slice %arg6[%add3A_40, %dma_start3A] : memref<10240x128xf32, #tpu.memory_space<hbm>> -> memref<128x128xf32, #tpu.memory_space<hbm>>
        %dma_start3A_46 = arith.constant 0 : i32
        %dma_start3A_47 = tpu.memref_slice %arg6[%add3A_40, %dma_start3A_46] : memref<10240x128xf32, #tpu.memory_space<hbm>> -> memref<128x128xf32, #tpu.memory_space<hbm>>
        tpu.enqueue_dma source(%arg10 : memref<128x128xf32, #tpu.memory_space<vmem>>) target(%dma_start3A_47 : memref<128x128xf32, #tpu.memory_space<hbm>>) target_semaphore(%run_scoped3A : memref<!tpu.dma_semaphore, #tpu.memory_space<semaphore_mem>>)
        %dma_wait3A = arith.constant 0 : i32
        %dma_wait3A_48 = tpu.memref_slice %arg6[%add3A_40, %dma_wait3A] : memref<10240x128xf32, #tpu.memory_space<hbm>> -> memref<128x128xf32, #tpu.memory_space<hbm>>
        %dma_wait3A_49 = arith.constant 0 : i32
        %dma_wait3A_50 = tpu.memref_slice %arg6[%add3A_40, %dma_wait3A_49] : memref<10240x128xf32, #tpu.memory_space<hbm>> -> memref<128x128xf32, #tpu.memory_space<hbm>>
        tpu.wait_dma2 semaphore(%run_scoped3A : memref<!tpu.dma_semaphore, #tpu.memory_space<semaphore_mem>>) src(%arg10 : memref<128x128xf32, #tpu.memory_space<vmem>>) dst(%dma_wait3A_50 : memref<128x128xf32, #tpu.memory_space<hbm>>)
        tpu.yield
      }) : () -> ()
      %add3A_41 = arith.constant 384 : i32
      %add3A_42 = arith.addi %mul3A_0, %add3A_41 : i32
      "tpu.region"() ({
        %run_scoped3A = tpu.sem_alloc : memref<!tpu.dma_semaphore, #tpu.memory_space<semaphore_mem>>
        %dma_start3A = arith.constant 0 : i32
        %dma_start3A_45 = tpu.memref_slice %arg7[%add3A_42, %dma_start3A] : memref<10240x128xf32, #tpu.memory_space<vmem_shared>> -> memref<128x128xf32, #tpu.memory_space<vmem_shared>>
        %dma_start3A_46 = arith.constant 0 : i32
        %dma_start3A_47 = tpu.memref_slice %arg7[%add3A_42, %dma_start3A_46] : memref<10240x128xf32, #tpu.memory_space<vmem_shared>> -> memref<128x128xf32, #tpu.memory_space<vmem_shared>>
        tpu.enqueue_dma source(%dma_start3A_47 : memref<128x128xf32, #tpu.memory_space<vmem_shared>>) target(%arg10 : memref<128x128xf32, #tpu.memory_space<vmem>>) target_semaphore(%run_scoped3A : memref<!tpu.dma_semaphore, #tpu.memory_space<semaphore_mem>>)
        %dma_wait3A = arith.constant 0 : i32
        %dma_wait3A_48 = tpu.memref_slice %arg7[%add3A_42, %dma_wait3A] : memref<10240x128xf32, #tpu.memory_space<vmem_shared>> -> memref<128x128xf32, #tpu.memory_space<vmem_shared>>
        %dma_wait3A_49 = arith.constant 0 : i32
        %dma_wait3A_50 = tpu.memref_slice %arg7[%add3A_42, %dma_wait3A_49] : memref<10240x128xf32, #tpu.memory_space<vmem_shared>> -> memref<128x128xf32, #tpu.memory_space<vmem_shared>>
        tpu.wait_dma2 semaphore(%run_scoped3A : memref<!tpu.dma_semaphore, #tpu.memory_space<semaphore_mem>>) src(%dma_wait3A_50 : memref<128x128xf32, #tpu.memory_space<vmem_shared>>) dst(%arg10 : memref<128x128xf32, #tpu.memory_space<vmem>>)
        tpu.yield
      }) : () -> ()
      "tpu.region"() ({
        %run_scoped3A = tpu.sem_alloc : memref<!tpu.dma_semaphore, #tpu.memory_space<semaphore_mem>>
        %dma_start3A = arith.constant 0 : i32
        %dma_start3A_45 = tpu.memref_slice %arg6[%add3A_42, %dma_start3A] : memref<10240x128xf32, #tpu.memory_space<hbm>> -> memref<128x128xf32, #tpu.memory_space<hbm>>
        %dma_start3A_46 = arith.constant 0 : i32
        %dma_start3A_47 = tpu.memref_slice %arg6[%add3A_42, %dma_start3A_46] : memref<10240x128xf32, #tpu.memory_space<hbm>> -> memref<128x128xf32, #tpu.memory_space<hbm>>
        tpu.enqueue_dma source(%arg10 : memref<128x128xf32, #tpu.memory_space<vmem>>) target(%dma_start3A_47 : memref<128x128xf32, #tpu.memory_space<hbm>>) target_semaphore(%run_scoped3A : memref<!tpu.dma_semaphore, #tpu.memory_space<semaphore_mem>>)
        %dma_wait3A = arith.constant 0 : i32
        %dma_wait3A_48 = tpu.memref_slice %arg6[%add3A_42, %dma_wait3A] : memref<10240x128xf32, #tpu.memory_space<hbm>> -> memref<128x128xf32, #tpu.memory_space<hbm>>
        %dma_wait3A_49 = arith.constant 0 : i32
        %dma_wait3A_50 = tpu.memref_slice %arg6[%add3A_42, %dma_wait3A_49] : memref<10240x128xf32, #tpu.memory_space<hbm>> -> memref<128x128xf32, #tpu.memory_space<hbm>>
        tpu.wait_dma2 semaphore(%run_scoped3A : memref<!tpu.dma_semaphore, #tpu.memory_space<semaphore_mem>>) src(%arg10 : memref<128x128xf32, #tpu.memory_space<vmem>>) dst(%dma_wait3A_50 : memref<128x128xf32, #tpu.memory_space<hbm>>)
        tpu.yield
      }) : () -> ()
      %add3A_43 = arith.constant 512 : i32
      %add3A_44 = arith.addi %mul3A_0, %add3A_43 : i32
      "tpu.region"() ({
        %run_scoped3A = tpu.sem_alloc : memref<!tpu.dma_semaphore, #tpu.memory_space<semaphore_mem>>
        %dma_start3A = arith.constant 0 : i32
        %dma_start3A_45 = tpu.memref_slice %arg7[%add3A_44, %dma_start3A] : memref<10240x128xf32, #tpu.memory_space<vmem_shared>> -> memref<128x128xf32, #tpu.memory_space<vmem_shared>>
        %dma_start3A_46 = arith.constant 0 : i32
        %dma_start3A_47 = tpu.memref_slice %arg7[%add3A_44, %dma_start3A_46] : memref<10240x128xf32, #tpu.memory_space<vmem_shared>> -> memref<128x128xf32, #tpu.memory_space<vmem_shared>>
        tpu.enqueue_dma source(%dma_start3A_47 : memref<128x128xf32, #tpu.memory_space<vmem_shared>>) target(%arg10 : memref<128x128xf32, #tpu.memory_space<vmem>>) target_semaphore(%run_scoped3A : memref<!tpu.dma_semaphore, #tpu.memory_space<semaphore_mem>>)
        %dma_wait3A = arith.constant 0 : i32
        %dma_wait3A_48 = tpu.memref_slice %arg7[%add3A_44, %dma_wait3A] : memref<10240x128xf32, #tpu.memory_space<vmem_shared>> -> memref<128x128xf32, #tpu.memory_space<vmem_shared>>
        %dma_wait3A_49 = arith.constant 0 : i32
        %dma_wait3A_50 = tpu.memref_slice %arg7[%add3A_44, %dma_wait3A_49] : memref<10240x128xf32, #tpu.memory_space<vmem_shared>> -> memref<128x128xf32, #tpu.memory_space<vmem_shared>>
        tpu.wait_dma2 semaphore(%run_scoped3A : memref<!tpu.dma_semaphore, #tpu.memory_space<semaphore_mem>>) src(%dma_wait3A_50 : memref<128x128xf32, #tpu.memory_space<vmem_shared>>) dst(%arg10 : memref<128x128xf32, #tpu.memory_space<vmem>>)
        tpu.yield
      }) : () -> ()
      "tpu.region"() ({
        %run_scoped3A = tpu.sem_alloc : memref<!tpu.dma_semaphore, #tpu.memory_space<semaphore_mem>>
        %dma_start3A = arith.constant 0 : i32
        %dma_start3A_45 = tpu.memref_slice %arg6[%add3A_44, %dma_start3A] : memref<10240x128xf32, #tpu.memory_space<hbm>> -> memref<128x128xf32, #tpu.memory_space<hbm>>
        %dma_start3A_46 = arith.constant 0 : i32
        %dma_start3A_47 = tpu.memref_slice %arg6[%add3A_44, %dma_start3A_46] : memref<10240x128xf32, #tpu.memory_space<hbm>> -> memref<128x128xf32, #tpu.memory_space<hbm>>
        tpu.enqueue_dma source(%arg10 : memref<128x128xf32, #tpu.memory_space<vmem>>) target(%dma_start3A_47 : memref<128x128xf32, #tpu.memory_space<hbm>>) target_semaphore(%run_scoped3A : memref<!tpu.dma_semaphore, #tpu.memory_space<semaphore_mem>>)
        %dma_wait3A = arith.constant 0 : i32
        %dma_wait3A_48 = tpu.memref_slice %arg6[%add3A_44, %dma_wait3A] : memref<10240x128xf32, #tpu.memory_space<hbm>> -> memref<128x128xf32, #tpu.memory_space<hbm>>
        %dma_wait3A_49 = arith.constant 0 : i32
        %dma_wait3A_50 = tpu.memref_slice %arg6[%add3A_44, %dma_wait3A_49] : memref<10240x128xf32, #tpu.memory_space<hbm>> -> memref<128x128xf32, #tpu.memory_space<hbm>>
        tpu.wait_dma2 semaphore(%run_scoped3A : memref<!tpu.dma_semaphore, #tpu.memory_space<semaphore_mem>>) src(%arg10 : memref<128x128xf32, #tpu.memory_space<vmem>>) dst(%dma_wait3A_50 : memref<128x128xf32, #tpu.memory_space<hbm>>)
        tpu.yield
      }) : () -> ()
    } else {
    }
    return
  }
}

module attributes {stable_mosaic.version = 14 : i64} {
  func.func @_tc1_body(%arg0: i32, %arg1: memref<1000x144xf32, #tpu.memory_space<vmem>>, %arg2: memref<1000x144xf32, #tpu.memory_space<vmem>>, %arg3: memref<1000x256xf32, #tpu.memory_space<vmem>>, %arg4: memref<256x256xf32, #tpu.memory_space<vmem>>, %arg5: memref<256x256xf32, #tpu.memory_space<vmem>>, %arg6: memref<1x256xf32, #tpu.memory_space<vmem>>, %arg7: memref<1000x128xf32, #tpu.memory_space<vmem>>, %arg8: memref<1000x128xf32, #tpu.memory_space<vmem>>) attributes {dimension_semantics = [#tpu.dimension_semantics<arbitrary>], iteration_bounds = array<i64: 10>, scalar_prefetch = 0 : i64, scratch_operands = 0 : i64, tpu.core_type = #tpu.core_type<tc>, window_params = [{transform_indices = @transform_0, window_bounds = array<i64: 1000, 144>}, {transform_indices = @transform_1, window_bounds = array<i64: 1000, 144>}, {transform_indices = @transform_2, window_bounds = array<i64: 1000, 256>}, {pipeline_mode = #tpu.pipeline_mode<synchronous>, transform_indices = @transform_3, window_bounds = array<i64: 256, 256>}, {pipeline_mode = #tpu.pipeline_mode<synchronous>, transform_indices = @transform_4, window_bounds = array<i64: 256, 256>}, {pipeline_mode = #tpu.pipeline_mode<synchronous>, transform_indices = @transform_5, window_bounds = array<i64: 1, 256>}, {transform_indices = @transform_6, window_bounds = array<i64: 1000, 128>}, {transform_indices = @transform_7, window_bounds = array<i64: 1000, 128>}]} {
    %get3A = arith.constant 0 : index
    %get3A_0 = arith.constant 128 : index
    %get3A_1 = vector.load %arg1[%get3A, %get3A_0] : memref<1000x144xf32, #tpu.memory_space<vmem>>, vector<1000x1xf32>
    %max3A = arith.constant 1.000000e+00 : f32
    %max3A_2 = vector.broadcast %max3A : f32 to vector<1000x1xf32>
    %max3A_3 = arith.maximumf %get3A_1, %max3A_2 : vector<1000x1xf32>
    %div3A = arith.constant 1.000000e+00 : f32
    %div3A_4 = vector.broadcast %div3A : f32 to vector<1000x1xf32>
    %div3A_5 = arith.divf %div3A_4, %max3A_3 : vector<1000x1xf32>
    %get3A_6 = arith.constant 0 : index
    %get3A_7 = arith.constant 0 : index
    %get3A_8 = vector.load %arg1[%get3A_6, %get3A_7] : memref<1000x144xf32, #tpu.memory_space<vmem>>, vector<1000x128xf32>
    %mul3A = vector.broadcast %div3A_5 : vector<1000x1xf32> to vector<1000x128xf32>
    %mul3A_9 = arith.mulf %get3A_8, %mul3A : vector<1000x128xf32>
    %get3A_10 = arith.constant 0 : index
    %get3A_11 = arith.constant 0 : index
    %get3A_12 = vector.load %arg2[%get3A_10, %get3A_11] : memref<1000x144xf32, #tpu.memory_space<vmem>>, vector<1000x128xf32>
    %mul3A_13 = vector.broadcast %div3A_5 : vector<1000x1xf32> to vector<1000x128xf32>
    %mul3A_14 = arith.mulf %get3A_12, %mul3A_13 : vector<1000x128xf32>
    %get3A_15 = arith.constant 0 : index
    %get3A_16 = arith.constant 0 : index
    %get3A_17 = vector.load %arg4[%get3A_15, %get3A_16] : memref<256x256xf32, #tpu.memory_space<vmem>>, vector<128x256xf32>
    %dot_general3A = arith.constant dense<0.000000e+00> : vector<1000x256xf32>
    %dot_general3A_18 = tpu.matmul %mul3A_9, %get3A_17, %dot_general3A {dimension_numbers = #tpu.dot_dimension_numbers<[1], [0], [0], [1], [0, 0, 1, 1], [], []>, transpose_lhs_hint = false} : vector<1000x128xf32>, vector<128x256xf32>, vector<1000x256xf32> -> vector<1000x256xf32>
    %get3A_19 = arith.constant 128 : index
    %get3A_20 = arith.constant 0 : index
    %get3A_21 = vector.load %arg4[%get3A_19, %get3A_20] : memref<256x256xf32, #tpu.memory_space<vmem>>, vector<128x256xf32>
    %dot_general3A_22 = arith.constant dense<0.000000e+00> : vector<1000x256xf32>
    %dot_general3A_23 = tpu.matmul %mul3A_14, %get3A_21, %dot_general3A_22 {dimension_numbers = #tpu.dot_dimension_numbers<[1], [0], [0], [1], [0, 0, 1, 1], [], []>, transpose_lhs_hint = false} : vector<1000x128xf32>, vector<128x256xf32>, vector<1000x256xf32> -> vector<1000x256xf32>
    %add3A = arith.addf %dot_general3A_18, %dot_general3A_23 : vector<1000x256xf32>
    %get3A_24 = arith.constant 0 : index
    %get3A_25 = arith.constant 0 : index
    %get3A_26 = vector.load %arg3[%get3A_24, %get3A_25] : memref<1000x256xf32, #tpu.memory_space<vmem>>, vector<1000x256xf32>
    %get3A_27 = arith.constant 0 : index
    %get3A_28 = arith.constant 0 : index
    %get3A_29 = vector.load %arg5[%get3A_27, %get3A_28] : memref<256x256xf32, #tpu.memory_space<vmem>>, vector<256x256xf32>
    %dot_general3A_30 = arith.constant dense<0.000000e+00> : vector<1000x256xf32>
    %dot_general3A_31 = tpu.matmul %get3A_26, %get3A_29, %dot_general3A_30 {dimension_numbers = #tpu.dot_dimension_numbers<[1], [0], [0], [1], [0, 0, 1, 1], [], []>, transpose_lhs_hint = false} : vector<1000x256xf32>, vector<256x256xf32>, vector<1000x256xf32> -> vector<1000x256xf32>
    %add3A_32 = arith.addf %add3A, %dot_general3A_31 : vector<1000x256xf32>
    %get3A_33 = arith.constant 0 : index
    %get3A_34 = arith.constant 0 : index
    %get3A_35 = vector.load %arg6[%get3A_33, %get3A_34] : memref<1x256xf32, #tpu.memory_space<vmem>>, vector<1x256xf32>
    %add3A_36 = vector.broadcast %get3A_35 : vector<1x256xf32> to vector<1000x256xf32>
    %add3A_37 = arith.addf %add3A_32, %add3A_36 : vector<1000x256xf32>
    %max3A_38 = arith.constant 0.000000e+00 : f32
    %max3A_39 = vector.broadcast %max3A_38 : f32 to vector<1000x256xf32>
    %max3A_40 = arith.maximumf %add3A_37, %max3A_39 : vector<1000x256xf32>
    %slice3A = vector.extract_strided_slice %max3A_40 {offsets = [0, 0], sizes = [1000, 128], strides = [1, 1]} : vector<1000x256xf32> to vector<1000x128xf32>
    %swap3A = arith.constant 0 : index
    %swap3A_41 = arith.constant 0 : index
    %swap3A_42 = vector.load %arg7[%swap3A, %swap3A_41] : memref<1000x128xf32, #tpu.memory_space<vmem>>, vector<1000x128xf32>
    tpu.vector_store %arg7[%swap3A, %swap3A_41], %slice3A {strides = array<i32>} : memref<1000x128xf32, #tpu.memory_space<vmem>>, vector<1000x128xf32>,
    %slice3A_43 = vector.extract_strided_slice %max3A_40 {offsets = [0, 128], sizes = [1000, 128], strides = [1, 1]} : vector<1000x256xf32> to vector<1000x128xf32>
    %swap3A_44 = arith.constant 0 : index
    %swap3A_45 = arith.constant 0 : index
    %swap3A_46 = vector.load %arg8[%swap3A_44, %swap3A_45] : memref<1000x128xf32, #tpu.memory_space<vmem>>, vector<1000x128xf32>
    tpu.vector_store %arg8[%swap3A_44, %swap3A_45], %slice3A_43 {strides = array<i32>} : memref<1000x128xf32, #tpu.memory_space<vmem>>, vector<1000x128xf32>,
    return
  }
  func.func @transform_0(%arg0: i32) -> (i32, i32) {
    %c0_i32 = arith.constant 0 : i32
    %c0_i32_0 = arith.constant 0 : i32
    return %arg0, %c0_i32 : i32, i32
  }
  func.func @transform_1(%arg0: i32) -> (i32, i32) {
    %c0_i32 = arith.constant 0 : i32
    %c0_i32_0 = arith.constant 0 : i32
    return %arg0, %c0_i32 : i32, i32
  }
  func.func @transform_2(%arg0: i32) -> (i32, i32) {
    %c0_i32 = arith.constant 0 : i32
    %c0_i32_0 = arith.constant 0 : i32
    return %arg0, %c0_i32 : i32, i32
  }
  func.func @transform_3(%arg0: i32) -> (i32, i32) {
    %c0_i32 = arith.constant 0 : i32
    %c0_i32_0 = arith.constant 0 : i32
    %c0_i32_1 = arith.constant 0 : i32
    return %c0_i32, %c0_i32_0 : i32, i32
  }
  func.func @transform_4(%arg0: i32) -> (i32, i32) {
    %c0_i32 = arith.constant 0 : i32
    %c0_i32_0 = arith.constant 0 : i32
    %c0_i32_1 = arith.constant 0 : i32
    return %c0_i32, %c0_i32_0 : i32, i32
  }
  func.func @transform_5(%arg0: i32) -> (i32, i32) {
    %c0_i32 = arith.constant 0 : i32
    %c0_i32_0 = arith.constant 0 : i32
    %c0_i32_1 = arith.constant 0 : i32
    return %c0_i32, %c0_i32_0 : i32, i32
  }
  func.func @transform_6(%arg0: i32) -> (i32, i32) {
    %c0_i32 = arith.constant 0 : i32
    %c0_i32_0 = arith.constant 0 : i32
    return %arg0, %c0_i32 : i32, i32
  }
  func.func @transform_7(%arg0: i32) -> (i32, i32) {
    %c0_i32 = arith.constant 0 : i32
    %c0_i32_0 = arith.constant 0 : i32
    return %arg0, %c0_i32 : i32, i32
  }
}

module attributes {stable_mosaic.version = 14 : i64} {
  func.func @_tc2_body(%arg0: i32, %arg1: memref<1000x128xf32, #tpu.memory_space<vmem>>, %arg2: memref<1000x128xf32, #tpu.memory_space<vmem>>, %arg3: memref<1000x144xf32, #tpu.memory_space<vmem>>, %arg4: memref<1000x128xf32, #tpu.memory_space<vmem>>, %arg5: memref<1000x128xf32, #tpu.memory_space<vmem>>, %arg6: memref<256x256xf32, #tpu.memory_space<vmem>>, %arg7: memref<256x256xf32, #tpu.memory_space<vmem>>, %arg8: memref<1x256xf32, #tpu.memory_space<vmem>>, %arg9: memref<1000x256xf32, #tpu.memory_space<vmem>>) attributes {dimension_semantics = [#tpu.dimension_semantics<arbitrary>], iteration_bounds = array<i64: 10>, scalar_prefetch = 0 : i64, scratch_operands = 0 : i64, tpu.core_type = #tpu.core_type<tc>, window_params = [{transform_indices = @transform_0, window_bounds = array<i64: 1000, 128>}, {transform_indices = @transform_1, window_bounds = array<i64: 1000, 128>}, {transform_indices = @transform_2, window_bounds = array<i64: 1000, 144>}, {transform_indices = @transform_3, window_bounds = array<i64: 1000, 128>}, {transform_indices = @transform_4, window_bounds = array<i64: 1000, 128>}, {pipeline_mode = #tpu.pipeline_mode<synchronous>, transform_indices = @transform_5, window_bounds = array<i64: 256, 256>}, {pipeline_mode = #tpu.pipeline_mode<synchronous>, transform_indices = @transform_6, window_bounds = array<i64: 256, 256>}, {pipeline_mode = #tpu.pipeline_mode<synchronous>, transform_indices = @transform_7, window_bounds = array<i64: 1, 256>}, {transform_indices = @transform_8, window_bounds = array<i64: 1000, 256>}]} {
    %get3A = arith.constant 0 : index
    %get3A_0 = arith.constant 128 : index
    %get3A_1 = vector.load %arg3[%get3A, %get3A_0] : memref<1000x144xf32, #tpu.memory_space<vmem>>, vector<1000x1xf32>
    %max3A = arith.constant 1.000000e+00 : f32
    %max3A_2 = vector.broadcast %max3A : f32 to vector<1000x1xf32>
    %max3A_3 = arith.maximumf %get3A_1, %max3A_2 : vector<1000x1xf32>
    %div3A = arith.constant 1.000000e+00 : f32
    %div3A_4 = vector.broadcast %div3A : f32 to vector<1000x1xf32>
    %div3A_5 = arith.divf %div3A_4, %max3A_3 : vector<1000x1xf32>
    %get3A_6 = arith.constant 0 : index
    %get3A_7 = arith.constant 0 : index
    %get3A_8 = vector.load %arg1[%get3A_6, %get3A_7] : memref<1000x128xf32, #tpu.memory_space<vmem>>, vector<1000x128xf32>
    %mul3A = vector.broadcast %div3A_5 : vector<1000x1xf32> to vector<1000x128xf32>
    %mul3A_9 = arith.mulf %get3A_8, %mul3A : vector<1000x128xf32>
    %get3A_10 = arith.constant 0 : index
    %get3A_11 = arith.constant 0 : index
    %get3A_12 = vector.load %arg6[%get3A_10, %get3A_11] : memref<256x256xf32, #tpu.memory_space<vmem>>, vector<128x256xf32>
    %dot_general3A = arith.constant dense<0.000000e+00> : vector<1000x256xf32>
    %dot_general3A_13 = tpu.matmul %mul3A_9, %get3A_12, %dot_general3A {dimension_numbers = #tpu.dot_dimension_numbers<[1], [0], [0], [1], [0, 0, 1, 1], [], []>, transpose_lhs_hint = false} : vector<1000x128xf32>, vector<128x256xf32>, vector<1000x256xf32> -> vector<1000x256xf32>
    %get3A_14 = arith.constant 0 : index
    %get3A_15 = arith.constant 0 : index
    %get3A_16 = vector.load %arg2[%get3A_14, %get3A_15] : memref<1000x128xf32, #tpu.memory_space<vmem>>, vector<1000x128xf32>
    %mul3A_17 = vector.broadcast %div3A_5 : vector<1000x1xf32> to vector<1000x128xf32>
    %mul3A_18 = arith.mulf %get3A_16, %mul3A_17 : vector<1000x128xf32>
    %get3A_19 = arith.constant 128 : index
    %get3A_20 = arith.constant 0 : index
    %get3A_21 = vector.load %arg6[%get3A_19, %get3A_20] : memref<256x256xf32, #tpu.memory_space<vmem>>, vector<128x256xf32>
    %dot_general3A_22 = arith.constant dense<0.000000e+00> : vector<1000x256xf32>
    %dot_general3A_23 = tpu.matmul %mul3A_18, %get3A_21, %dot_general3A_22 {dimension_numbers = #tpu.dot_dimension_numbers<[1], [0], [0], [1], [0, 0, 1, 1], [], []>, transpose_lhs_hint = false} : vector<1000x128xf32>, vector<128x256xf32>, vector<1000x256xf32> -> vector<1000x256xf32>
    %add3A = arith.addf %dot_general3A_13, %dot_general3A_23 : vector<1000x256xf32>
    %get3A_24 = arith.constant 0 : index
    %get3A_25 = arith.constant 0 : index
    %get3A_26 = vector.load %arg4[%get3A_24, %get3A_25] : memref<1000x128xf32, #tpu.memory_space<vmem>>, vector<1000x128xf32>
    %get3A_27 = arith.constant 0 : index
    %get3A_28 = arith.constant 0 : index
    %get3A_29 = vector.load %arg7[%get3A_27, %get3A_28] : memref<256x256xf32, #tpu.memory_space<vmem>>, vector<128x256xf32>
    %dot_general3A_30 = arith.constant dense<0.000000e+00> : vector<1000x256xf32>
    %dot_general3A_31 = tpu.matmul %get3A_26, %get3A_29, %dot_general3A_30 {dimension_numbers = #tpu.dot_dimension_numbers<[1], [0], [0], [1], [0, 0, 1, 1], [], []>, transpose_lhs_hint = false} : vector<1000x128xf32>, vector<128x256xf32>, vector<1000x256xf32> -> vector<1000x256xf32>
    %add3A_32 = arith.addf %add3A, %dot_general3A_31 : vector<1000x256xf32>
    %get3A_33 = arith.constant 0 : index
    %get3A_34 = arith.constant 0 : index
    %get3A_35 = vector.load %arg5[%get3A_33, %get3A_34] : memref<1000x128xf32, #tpu.memory_space<vmem>>, vector<1000x128xf32>
    %get3A_36 = arith.constant 128 : index
    %get3A_37 = arith.constant 0 : index
    %get3A_38 = vector.load %arg7[%get3A_36, %get3A_37] : memref<256x256xf32, #tpu.memory_space<vmem>>, vector<128x256xf32>
    %dot_general3A_39 = arith.constant dense<0.000000e+00> : vector<1000x256xf32>
    %dot_general3A_40 = tpu.matmul %get3A_35, %get3A_38, %dot_general3A_39 {dimension_numbers = #tpu.dot_dimension_numbers<[1], [0], [0], [1], [0, 0, 1, 1], [], []>, transpose_lhs_hint = false} : vector<1000x128xf32>, vector<128x256xf32>, vector<1000x256xf32> -> vector<1000x256xf32>
    %add3A_41 = arith.addf %add3A_32, %dot_general3A_40 : vector<1000x256xf32>
    %get3A_42 = arith.constant 0 : index
    %get3A_43 = arith.constant 0 : index
    %get3A_44 = vector.load %arg8[%get3A_42, %get3A_43] : memref<1x256xf32, #tpu.memory_space<vmem>>, vector<1x256xf32>
    %add3A_45 = vector.broadcast %get3A_44 : vector<1x256xf32> to vector<1000x256xf32>
    %add3A_46 = arith.addf %add3A_41, %add3A_45 : vector<1000x256xf32>
    %reduce_max3A = arith.constant dense<0xFF800000> : vector<1000xf32>
    %reduce_max3A_47 = vector.multi_reduction <maximumf>, %add3A_46, %reduce_max3A [1] : vector<1000x256xf32> to vector<1000xf32>
    %broadcast_in_dim3A = vector.shape_cast %reduce_max3A_47 : vector<1000xf32> to vector<1000x1xf32>
    %sub3A = vector.broadcast %broadcast_in_dim3A : vector<1000x1xf32> to vector<1000x256xf32>
    %sub3A_48 = arith.subf %add3A_46, %sub3A : vector<1000x256xf32>
    %exp3A = math.exp %sub3A_48 : vector<1000x256xf32>
    %reduce_sum3A = arith.constant dense<0.000000e+00> : vector<1000xf32>
    %reduce_sum3A_49 = vector.multi_reduction <add>, %exp3A, %reduce_sum3A [1] : vector<1000x256xf32> to vector<1000xf32>
    %broadcast_in_dim3A_50 = vector.shape_cast %reduce_sum3A_49 : vector<1000xf32> to vector<1000x1xf32>
    %log3A = math.log %broadcast_in_dim3A_50 : vector<1000x1xf32>
    %sub3A_51 = vector.broadcast %log3A : vector<1000x1xf32> to vector<1000x256xf32>
    %sub3A_52 = arith.subf %sub3A_48, %sub3A_51 : vector<1000x256xf32>
    %swap3A = arith.constant 0 : index
    %swap3A_53 = arith.constant 0 : index
    %swap3A_54 = vector.load %arg9[%swap3A, %swap3A_53] : memref<1000x256xf32, #tpu.memory_space<vmem>>, vector<1000x256xf32>
    tpu.vector_store %arg9[%swap3A, %swap3A_53], %sub3A_52 {strides = array<i32>} : memref<1000x256xf32, #tpu.memory_space<vmem>>, vector<1000x256xf32>,
    return
  }
  func.func @transform_0(%arg0: i32) -> (i32, i32) {
    %c0_i32 = arith.constant 0 : i32
    %c0_i32_0 = arith.constant 0 : i32
    return %arg0, %c0_i32 : i32, i32
  }
  func.func @transform_1(%arg0: i32) -> (i32, i32) {
    %c0_i32 = arith.constant 0 : i32
    %c0_i32_0 = arith.constant 0 : i32
    return %arg0, %c0_i32 : i32, i32
  }
  func.func @transform_2(%arg0: i32) -> (i32, i32) {
    %c0_i32 = arith.constant 0 : i32
    %c0_i32_0 = arith.constant 0 : i32
    return %arg0, %c0_i32 : i32, i32
  }
  func.func @transform_3(%arg0: i32) -> (i32, i32) {
    %c0_i32 = arith.constant 0 : i32
    %c0_i32_0 = arith.constant 0 : i32
    return %arg0, %c0_i32 : i32, i32
  }
  func.func @transform_4(%arg0: i32) -> (i32, i32) {
    %c0_i32 = arith.constant 0 : i32
    %c0_i32_0 = arith.constant 0 : i32
    return %arg0, %c0_i32 : i32, i32
  }
  func.func @transform_5(%arg0: i32) -> (i32, i32) {
    %c0_i32 = arith.constant 0 : i32
    %c0_i32_0 = arith.constant 0 : i32
    %c0_i32_1 = arith.constant 0 : i32
    return %c0_i32, %c0_i32_0 : i32, i32
  }
  func.func @transform_6(%arg0: i32) -> (i32, i32) {
    %c0_i32 = arith.constant 0 : i32
    %c0_i32_0 = arith.constant 0 : i32
    %c0_i32_1 = arith.constant 0 : i32
    return %c0_i32, %c0_i32_0 : i32, i32
  }
  func.func @transform_7(%arg0: i32) -> (i32, i32) {
    %c0_i32 = arith.constant 0 : i32
    %c0_i32_0 = arith.constant 0 : i32
    %c0_i32_1 = arith.constant 0 : i32
    return %c0_i32, %c0_i32_0 : i32, i32
  }
  func.func @transform_8(%arg0: i32) -> (i32, i32) {
    %c0_i32 = arith.constant 0 : i32
    %c0_i32_0 = arith.constant 0 : i32
    return %arg0, %c0_i32 : i32, i32
  }
}

</mosaic_0001>

<sc_bundles>
// kernel: kernel.6.cloned.1.call-start
scs
__scs_entry_jumppad:
0x0: {  	(pc) =	sbr.rel $0x88, $3  }
0x1: {  	(tag) =	ssettag $0x0;
	lr =	simm.s32 $0x1  }
0x2: {  	[smem:$0x3F99] =	sst lr;
	_ =	strace $0xD0000000  }
0x3: {  	_ = 	snop  }
0x4: {  	_ = 	snop  }
0x5: {  	_ = 	snop  }
0x6: {  	_ = 	snop  }
0x7: {  	_ = 	snop  }
__scs_overlays_trampoline_lowered:
0x8: {  	[smem:$0x3FA8] =	sst s0  }
0x9: {  	[smem:$0x3FA9] =	sst s1  }
0xa: {  	[smem:$0x3FAA] =	sst s2  }
0xb: {  	[smem:$0x3FAB] =	sst s3  }
0xc: {  	[smem:$0x3FAC] =	sst s4  }
0xd: {  	[smem:$0x3FAD] =	sst s5  }
0xe: {  	[smem:$0x3FAE] =	sst s6  }
0xf: {  	[smem:$0x3FAF] =	sst s7  }
0x10: {  	[smem:$0x3FB0] =	sst s8  }
0x11: {  	[smem:$0x3FB1] =	sst s9;
	s0 =	simm.s32 @!p0 $0x0  }
0x12: {  	s1 =	sld [smem:$0x3F97];
	s0 =	simm.s32 @p0 $0x1  }
0x13: {  	[smem:$0x3FB2] =	sst s0;
	s0 =	simm.s32 @!p1 $0x0  }
0x14: {  	s2 =	sld [smem:$0x3F96];
	s0 =	simm.s32 @p1 $0x1  }
0x15: {  	[smem:$0x3FB3] =	sst s0;
	s0 =	simm.s32 @!p2 $0x0  }
0x16: {  	s3 =	sld [smem:$0x3FDB];
	s0 =	simm.s32 @p2 $0x1  }
0x17: {  	s4 =	simm.s32 $0x1BF5;
	[smem:$0x3FB5] =	sst s0  }
0x18: {  	s0 =	sld [smem:$0x3F98];
	_ =	swait.ge [sflag:s4], $0x0  }
0x19: {  	s7 =	sld [smem:$0x3F99]  }
0x1a: {  	s8 =	sadd.s32 $0xFFFFE003, lr  }
0x1b: {  	s9 =	sadd.s32 $0xFFFFFEF7, lr;
	s5 =	simm.s32 $0xFFFFFFFF;
	p2 =	slt.u32 s8, $0xFFFFF086  }
0x1c: {  	p1 =	slt.u32 s9, $0xF7A;
	s5 =	simm.s32 @!p2 $0x0  }
0x1d: {  	s5 =	simm.s32 @p1 $0x1;
	p0 =	seq.s32 s7, s2  }
0x1e: {  	s7 =	smul.u32 @!p0 $0xF7A, s2;
	p2 =	seq.s32 @!p0 s5, $0x0  }
0x1f: {  	s9 =	smul.u32 $0xF7A, s1;
	s8 =	simm.s32 @!p0 $0x1BF5;
	p2 =	por !p2, p0  }
0x20: {  	[sflag:s8] =	ssyncset.s32 @!p0 $0xFFFFF086;
	s6 =	sadd.s32 @!p0 s3, s7;
	s7 =	simm.s32 @!p0 $0x108  }
0x21: {  	s3 =	sadd.s32 s3, s9;
	s6 =	sadd.s32 @!p0 $0x88, s6;
	s7 =	simm.s32 @p2 $0x1082  }
0x22: {  	[simem:s7], [sflag:s8] =	dma.local @!p0 [hbm:s6], $0xF7A  }
0x23: {  	s9 =	sor.u32 $0xD0000000, s2;
	s6 =	simm.s32 $0x108;
	_ =	swait.ge @!p0 [sflag:s8], $0x0  }
0x24: {  	s3 =	sadd.s32 $0x88, s3;
	s6 =	simm.s32 @!p1 $0x1082;
	[sflag:s4] =	ssyncset.s32 $0xFFFFF086  }
0x25: {  	[simem:s6], [sflag:s4] =	dma.local [hbm:s3], $0xF7A  }
0x26: {  	[smem:$0x3F99] =	sst s1;
	(tag) =	ssettag s2;
	_ =	strace s9  }
0x27: {  	s1 =	sld [smem:$0x3FA9]  }
0x28: {  	s2 =	sld [smem:$0x3FAA]  }
0x29: {  	s4 =	sld [smem:$0x3FAC]  }
0x2a: {  	p0 =	seq.s32 s5, $0x0;
	s5 =	sld [smem:$0x3FAD]  }
0x2b: {  	s6 =	sld [smem:$0x3FAE]  }
0x2c: {  	s7 =	sld [smem:$0x3FAF]  }
0x2d: {  	s3 =	simm.s32 $0x108;
	s8 =	sld [smem:$0x3FB0]  }
0x2e: {  	s3 =	simm.s32 @!p0 $0x1082;
	s9 =	sld [smem:$0x3FB1]  }
0x2f: {  	lr =	sadd.s32 s0, s3;
	s0 =	sld [smem:$0x3FA8]  }
0x30: {  	s3 =	sld [smem:$0x3FAB]  }
0x31: {  	[smem:$0x3FB4] =	sst s10  }
0x32: {  	s10 =	sld [smem:$0x3FB2];
	_ =	sdelay $0x3  }
0x33: {  	p0 =	seq.s32 s10, $0x1;
	s10 =	sld [smem:$0x3FB4];
	_ =	sdelay $0x3  }
0x34: {  	[smem:$0x3FB4] =	sst s10  }
0x35: {  	s10 =	sld [smem:$0x3FB3];
	_ =	sdelay $0x3  }
0x36: {  	p1 =	seq.s32 s10, $0x1;
	s10 =	sld [smem:$0x3FB4];
	_ =	sdelay $0x3  }
0x37: {  	[smem:$0x3FB4] =	sst s10  }
0x38: {  	s10 =	sld [smem:$0x3FB5]  }
0x39: {  	_ = 	snop;
	(pc) =	sbr.ind lr, $3  }
0x3a: {  	_ = 	snop  }
0x3b: {  	_ = 	snop  }
0x3c: {  	p2 =	seq.s32 s10, $0x1;
	s10 =	sld [smem:$0x3FB4]  }
0x3d: {  	_ =	shalt  }
0x3e: {  	_ =	shalt  }
0x3f: {  	_ =	shalt  }
0x40: {  	_ =	shalt  }
0x41: {  	_ =	shalt  }
0x42: {  	_ =	shalt  }
0x43: {  	_ =	shalt  }
0x44: {  	_ =	shalt  }
0x45: {  	_ =	shalt  }
0x46: {  	_ =	shalt  }
0x47: {  	_ =	shalt  }
0x48: {  	_ =	shalt  }
0x49: {  	_ =	shalt  }
0x4a: {  	_ =	shalt  }
0x4b: {  	_ =	shalt  }
0x4c: {  	_ =	shalt  }
0x4d: {  	_ =	shalt  }
0x4e: {  	_ =	shalt  }
0x4f: {  	_ =	shalt  }
0x50: {  	_ =	shalt  }
0x51: {  	_ =	shalt  }
0x52: {  	_ =	shalt  }
0x53: {  	_ =	shalt  }
0x54: {  	_ =	shalt  }
0x55: {  	_ =	shalt  }
0x56: {  	_ =	shalt  }
0x57: {  	_ =	shalt  }
0x58: {  	_ =	shalt  }
0x59: {  	_ =	shalt  }
0x5a: {  	_ =	shalt  }
0x5b: {  	_ =	shalt  }
0x5c: {  	_ =	shalt  }
0x5d: {  	_ =	shalt  }
0x5e: {  	_ =	shalt  }
0x5f: {  	_ =	shalt  }
0x60: {  	_ =	shalt  }
0x61: {  	_ =	shalt  }
0x62: {  	_ =	shalt  }
0x63: {  	_ =	shalt  }
0x64: {  	_ =	shalt  }
0x65: {  	_ =	shalt  }
0x66: {  	_ =	shalt  }
0x67: {  	_ =	shalt  }
0x68: {  	_ =	shalt  }
0x69: {  	_ =	shalt  }
0x6a: {  	_ =	shalt  }
0x6b: {  	_ =	shalt  }
0x6c: {  	_ =	shalt  }
0x6d: {  	_ =	shalt  }
0x6e: {  	_ =	shalt  }
0x6f: {  	_ =	shalt  }
0x70: {  	_ =	shalt  }
0x71: {  	_ =	shalt  }
0x72: {  	_ =	shalt  }
0x73: {  	_ =	shalt  }
0x74: {  	_ =	shalt  }
0x75: {  	_ =	shalt  }
0x76: {  	_ =	shalt  }
0x77: {  	_ =	shalt  }
0x78: {  	_ =	shalt  }
0x79: {  	_ =	shalt  }
0x7a: {  	_ =	shalt  }
0x7b: {  	_ =	shalt  }
0x7c: {  	_ =	shalt  }
0x7d: {  	_ =	shalt  }
0x7e: {  	_ =	shalt  }
0x7f: {  	_ =	shalt  }
0x80: {  	_ =	shalt  }
0x81: {  	_ =	shalt  }
0x82: {  	_ =	shalt  }
0x83: {  	_ =	shalt  }
0x84: {  	_ =	shalt  }
0x85: {  	_ =	shalt  }
0x86: {  	_ =	shalt  }
0x87: {  	_ =	shalt  }
.Lfunc_end0:
.L_simem_size_0:
called_computation_lowered:
.L_overlay_start_0:
0x88: {  	s2 =	sld [smem:$0x3FD9]  }
0x89: {  	s3 =	sld [smem:$0x3FFE];
	_ =	sdelay $0x1  }
0x8a: {  	s1 =	srdreg.scid  }
0x8b: {  	s0 =	sand.u32 $0x1, s1  }
0x8c: {  	s17 =	sshll.u32 s0, $0xA;
	s2 =	sadd.s32 s3, s2  }
0x8d: {  	s2 =	sadd.s32 s2, s17  }
0x8e: {  	[smem:$0x3FC0] =	sst s2  }
0x8f: {  	_ = 	snop  }
0x90: {  	s2 =	sld [smem:$0x3FD0];
	(tm) =	ssettm $0x1  }
0x91: {  	s18 =	sld [smem:$0x3FFB];
	_ =	sdelay $0x3  }
0x92: {  	_ =	strace s18  }
0x93: {  	s3 =	sld [smem:$0x3FFC];
	_ =	sdelay $0x3  }
0x94: {  	_ =	strace s3  }
0x95: {  	s3 =	sld [smem:$0x3FFD];
	_ =	sdelay $0x3  }
0x96: {  	_ =	strace s3  }
0x97: {  	_ =	strace $0x8FFFFFFF  }
0x98: {  	s19 =	sld [smem:$0x3FDB];
	_ =	sdelay $0x1  }
0x99: {  	s4 =	simm.s32 $_scs_section_size  }
0x9a: {  	s5 =	simm.s32 $_size__tile_overlayer_lowered;
	s6 =	simm.s32 $_tile_overlayer_lowered  }
0x9b: {  	s22 =	simm.s32 $0x1BFF;
	s21 =	sshll.u32 s6, $0x1;
	s3 =	sadd.s32 s4, s19  }
0x9c: {  	s7 =	simm.s32 $0x0;
	s20 =	sshll.u32 s5, $0x1;
	s5 =	sadd.s32 s21, s3  }
0x9d: {  	[timem:s7], [sflag:s22] =	dma.local [hbm:s5], s20  }
0x9e: {  	_ =	swait.ge [sflag:s22], s20  }
0x9f: {  	s4 =	ssub.s32 $0x0, s20;
	[sflag:s22] =	ssyncset.done $0x0  }
0xa0: {  	[sflag:s22] =	ssyncadd.s32 s4;
	_ =	sdelay $0x1  }
0xa1: {  	s23 =	simm.s32 $0x1B8B  }
0xa2: {  	_ =	swait.ge [sflag:s23], $0x1  }
0xa3: {  	[sflag:s23] =	ssyncset.done $0x0  }
0xa4: {  	s25 =	simm.s32 $0x1B8E;
	s24 =	sld [smem:$0x3FFE];
	[sflag:s23] =	ssyncadd.s32 $0xFFFFFFFF  }
0xa5: {  	s26 =	simm.s32 $execute0_lowered;
	[smem:$0x3FD2] =	sst s25  }
0xa6: {  	s5 =	sshll.u32 s26, $0x1;
	_ =	strace $0x80000046;
	[dreg:$0x1] =	wrdreg $0xFFFFFFFF  }
0xa7: {  	s28 =	simm.s32 $_size_execute0_lowered;
	s3 =	sadd.s32 s3, s5;
	[dreg:$0x0] =	wrdreg $0x0  }
0xa8: {  	s5 =	sshll.u32 s28, $0x1;
	[dreg:$0x2] =	wrdreg s3  }
0xa9: {  	[dreg:$0x3] =	wrdreg s5  }
0xaa: {  	[dreg:$0x4] =	wrdreg $0xC0  }
0xab: {  	_ =	task [dreg:s7], $0x5FFFF  }
0xac: {  	[dreg:$0x1] =	wrdreg $0xFFFFFFFF  }
0xad: {  	[dreg:$0x0] =	wrdreg $0x60  }
0xae: {  	[dreg:$0x2] =	wrdreg s24  }
0xaf: {  	[dreg:$0x3] =	wrdreg s2  }
0xb0: {  	[dreg:$0x4] =	wrdreg $0x0  }
0xb1: {  	[dreg:$0x5] =	wrdreg $0x9  }
0xb2: {  	_ =	task.clear_ibuf [dreg:s7], $0x6FFFF;
	_ =	strace $0x90000046  }
0xb3: {  	s29 =	simm.s32 $0x9;
	_ =	strace $0x80000048  }
0xb4: {  	_ =	swait.ge [sflag:s29], $0x1  }
0xb5: {  	[sflag:s29] =	ssyncadd.s32 $0xFFFFFFFF  }
0xb6: {  	_ =	strace $0x90000048  }
0xb7: {  	_ =	sfence  }
0xb8: {  	s30 =	sld [smem:$0x0];
	_ =	sdelay $0x2  }
0xb9: {  	s31 =	sshll.u32 s1, $0xD;
	s1 =	sshrl.u32 s1, $0x2  }
0xba: {  	s3 =	sand.u32 $0x4000, s31;
	s1 =	sadd.s32 s1, s30  }
0xbb: {  	s0 =	sor.u32 s3, s0;
	s1 =	sshll.u32 s1, $0x11  }
0xbc: {  	s0 =	sor.u32 s1, s0  }
0xbd: {  	s0 =	sadd.s32 $0x8F2B, s0  }
0xbe: {  	[sflag:s0] =	ssyncadd.remote.s32 $0x1  }
0xbf: {  	_ =	sfence.sel $0xFFFF  }
0xc0: {  	[dreg:$0x0] =	wrdreg $0xFFFFFFFF;
	(pc) =	sbr.abs _section_cstart, $3  }
0xc1: {  	[dreg:$0x1] =	wrdreg $0xFFFFFFFF  }
0xc2: {  	_ =	task.clear_ibuf [dreg:s7], $0x2FFFF;
	_ =	strace $0x9FFFFFFF  }
0xc3: {  	(tm) =	ssettm $0x7FFFFFFF  }
tec
execute0_lowered:
.L_overlay_start_1:
0x0: {  	(tag) =	ssettag $0x1  }
0x1: {  	s0 =	rddreg [dreg:$0x0]  }
0x2: {  	s2 =	rddreg [dreg:$0x1]  }
0x3: {  	s1 =	rddreg [dreg:$0x2];
	s3 =	simm.s32 $0x0;
	s20 =	stileid.u32  }
0x4: {  	s5 =	srdreg.scid;
	s28 =	simm.s32 $0x16800;
	s29 =	simm.s32 $0x80  }
0x5: {  	s30 =	simm.s32 $0x16900;
	s31 =	simm.s32 $0x1B200;
	[smem:$0x7FF] =	sst s3  }
0x6: {  	s4 =	sadd.s32 $0x39C00, s0;
	s6 =	sshll.u32 s20, $0x5;
	s12 =	sand.u32 $0x1, s5  }
0x7: {  	s13 =	smul.u32 $0x16800, s20;
	s5 =	sadd.s32 $0xDC00, s0;
	p1 =	slt.u32 s20, $0x2  }
0x8: {  	p2 =	sgt.u32 s20, $0x1;
	_ =	strace $0x80000047;
	s14 =	sadd.s32 s6, s0  }
0x9: {  	s23 =	ssub.s32 $0x2, s12;
	s0 =	sadd.s32 $0x65C00, s0;
	p0 =	sne.s32 s12, $0x0  }
0xa: {  	s12 =	simm.s32 $0x2;
	s7 =	sshrl.u32 s23, $0x1;
	s15 =	sadd.s32 $0x4800, s13  }
0xb: {  	s6 =	sadd.s32 s13, s1;
	s17 =	sadd.s32 $0x9000, s13;
	s18 =	sadd.s32 $0xD800, s13  }
0xc: {  	s19 =	sadd.s32 $0x12000, s13;
	s11 =	sadd.s32 $0x3E00, s14;
	s13 =	sshrl.u32 s13, $0x3  }
0xd: {  	s16 =	ssub.s32 s23, s7;
	s7 =	sadd.s32 s15, s1;
	s8 =	sadd.s32 s17, s1  }
0xe: {  	s9 =	sadd.s32 s18, s1;
	s10 =	sadd.s32 s19, s1;
	s21 =	sadd.s32 s0, s13  }
0xf: {  	s15 =	sshrl.u32 s15, $0x3;
	s22 =	sadd.s32 s2, s13;
	[dreg:$0x4] =	wrdreg s21  }
0x10: {  	s17 =	sshrl.u32 s17, $0x3;
	s24 =	sadd.s32 s0, s15;
	[dreg:$0x9] =	wrdreg s22  }
0x11: {  	s18 =	sshrl.u32 s18, $0x3;
	s25 =	sadd.s32 s0, s17;
	[dreg:$0x5] =	wrdreg s24  }
0x12: {  	s19 =	sshrl.u32 s19, $0x3;
	s26 =	sadd.s32 s0, s18;
	[dreg:$0x6] =	wrdreg s25  }
0x13: {  	s13 =	simm.s32 $0x16980;
	s0 =	sadd.s32 s0, s19;
	[dreg:$0x7] =	wrdreg s26  }
0x14: {  	s23 =	sadd.s32 s2, s15;
	s21 =	sadd.s32 s2, s19;
	[dreg:$0x8] =	wrdreg s0  }
.Ltmp0:
0x15: {  	[dreg:$0xa] =	wrdreg s23;
	s24 =	sadd.s32 s2, s17;
	(pc) =	sbr.rel .LBB2_1-.Ltmp0, $4  }
0x16: {  	s25 =	sadd.s32 s2, s18;
	s26 =	sadd.s32 $0xDA00, s14;
	[dreg:$0xb] =	wrdreg s24  }
0x17: {  	s23 =	smax.u32 s16, $0x1;
	s0 =	simm.s32 $0x1;
	[dreg:$0xd] =	wrdreg s25  }
0x18: {  	s2 =	simm.s32 $0x16880;
	[dreg:$0xc] =	wrdreg s26;
	s24 =	sadd.s32 $0xD800, s14  }
0x19: {  	v0 =	vimm.f32 $0.0e+00;
	s25 =	simm.s32 $0x16A00;
	s26 =	simm.s32 $0x3;
	s14 =	simm.s32 $0x0  }
.LBB2_10:
0x1a: {  	s15 =	rddreg [dreg:$0xc]  }
0x1b: {  	[tilespmem:s28], [sflag:$0x3] =	stream.linear.gather [hbm4b:s15+s3], $0x100, $0x38;
	[tilespmem:$0x1FA00] =	vst v63  }
0x1c: {  	_ =	swait.ge [sflag:s26], $0x100  }
0x1d: {  	[sflag:s26] =	ssyncset.done $0x0  }
0x1e: {  	[sflag:s26] =	ssyncadd.s32 $0xFFFFFF00  }
0x1f: {  	[tilespmem:s25], [sflag:$0x1] =	stream.indirect.gather [hbm4b:s17+s29], $0x90, s28, s29, $0xb8;
	[tilespmem:$0x1FA00] =	vst v63  }
0x20: {  	_ =	swait.ge [sflag:s0], $0x4800  }
0x21: {  	[sflag:s0] =	ssyncset.done $0x0  }
0x22: {  	[sflag:s0] =	ssyncadd.s32 $0xFFFFB800  }
0x23: {  	[spmem:s1] =	stream.indirect.scatter.add.f32 [tilespmem:s25], [sflag:$0x3], $0x90, s2, s29, $0xb8;
	[tilespmem:$0x1FA00] =	vst v63  }
0x24: {  	_ =	swait.ge [sflag:s26], $0x4800  }
0x25: {  	[sflag:s26] =	ssyncset.done $0x0  }
0x26: {  	[sflag:s26] =	ssyncadd.s32 $0xFFFFB800  }
.LBB2_11:
0x27: {  	[bflag:$0x0] =	sbarrier.arrive $0xFFFF  }
0x28: {  	[tilespmem:s25], [sflag:$0x3] =	stream.linear.gather [spmem:s6], $0x4800, $0x38;
	[tilespmem:$0x1FA00] =	vst v63  }
0x29: {  	_ =	swait.ge [sflag:s26], $0x4800  }
0x2a: {  	[sflag:s26] =	ssyncset.done $0x0  }
0x2b: {  	[sflag:s26] =	ssyncadd.s32 $0xFFFFB800  }
0x2c: {  	[hbm4b:s22+s3] =	stream.linear.scatter [tilespmem:s25], [sflag:$0x3], $0x4800, $0x38;
	[tilespmem:$0x1FA00] =	vst v63  }
0x2d: {  	_ =	swait.ge [sflag:s26], $0x4800  }
0x2e: {  	[sflag:s26] =	ssyncset.done $0x0  }
0x2f: {  	[sflag:s26] =	ssyncadd.s32 $0xFFFFB800  }
0x30: {  	[tilespmem:s25], [sflag:$0x3] =	stream.linear.gather [spmem:s7], $0x4800, $0x38;
	[tilespmem:$0x1FA00] =	vst v63  }
0x31: {  	_ =	swait.ge [sflag:s26], $0x4800  }
0x32: {  	[sflag:s26] =	ssyncset.done $0x0  }
0x33: {  	[sflag:s26] =	ssyncadd.s32 $0xFFFFB800  }
0x34: {  	[hbm4b:s18+s3] =	stream.linear.scatter [tilespmem:s25], [sflag:$0x3], $0x4800, $0x38;
	[tilespmem:$0x1FA00] =	vst v63  }
0x35: {  	_ =	swait.ge [sflag:s26], $0x4800  }
0x36: {  	[sflag:s26] =	ssyncset.done $0x0  }
0x37: {  	[sflag:s26] =	ssyncadd.s32 $0xFFFFB800  }
0x38: {  	[tilespmem:s25], [sflag:$0x3] =	stream.linear.gather [spmem:s8], $0x4800, $0x38;
	[tilespmem:$0x1FA00] =	vst v63  }
0x39: {  	_ =	swait.ge [sflag:s26], $0x4800  }
0x3a: {  	[sflag:s26] =	ssyncset.done $0x0  }
0x3b: {  	[sflag:s26] =	ssyncadd.s32 $0xFFFFB800  }
0x3c: {  	[hbm4b:s19+s3] =	stream.linear.scatter [tilespmem:s25], [sflag:$0x3], $0x4800, $0x38;
	[tilespmem:$0x1FA00] =	vst v63  }
0x3d: {  	_ =	swait.ge [sflag:s26], $0x4800  }
0x3e: {  	[sflag:s26] =	ssyncset.done $0x0  }
0x3f: {  	[sflag:s26] =	ssyncadd.s32 $0xFFFFB800  }
0x40: {  	[tilespmem:s25], [sflag:$0x3] =	stream.linear.gather [spmem:s9], $0x4800, $0x38;
	[tilespmem:$0x1FA00] =	vst v63  }
0x41: {  	_ =	swait.ge [sflag:s26], $0x4800  }
0x42: {  	[sflag:s26] =	ssyncset.done $0x0  }
0x43: {  	[sflag:s26] =	ssyncadd.s32 $0xFFFFB800  }
0x44: {  	[hbm4b:s20+s3] =	stream.linear.scatter [tilespmem:s25], [sflag:$0x3], $0x4800, $0x38;
	[tilespmem:$0x1FA00] =	vst v63  }
0x45: {  	_ =	swait.ge [sflag:s26], $0x4800  }
0x46: {  	[sflag:s26] =	ssyncset.done $0x0  }
0x47: {  	[sflag:s26] =	ssyncadd.s32 $0xFFFFB800  }
0x48: {  	[tilespmem:s25], [sflag:$0x3] =	stream.linear.gather [spmem:s10], $0x4800, $0x38;
	[tilespmem:$0x1FA00] =	vst v63  }
0x49: {  	s14 =	sadd.s32 $0x1, s14;
	_ =	swait.ge [sflag:s26], $0x4800  }
0x4a: {  	p3 =	sne.s32 s14, s23;
	[sflag:s26] =	ssyncset.done $0x0  }
.Ltmp1:
0x4b: {  	[sflag:s26] =	ssyncadd.s32 $0xFFFFB800;
	(pc) =	sbr.rel @!p3 .LBB2_12-.Ltmp1, $4  }
0x4c: {  	[hbm4b:s16+s3] =	stream.linear.scatter [tilespmem:s25], [sflag:$0x3], $0x4800, $0x38;
	[tilespmem:$0x1FA00] =	vst v63  }
0x4d: {  	_ =	swait.ge [sflag:s26], $0x4800  }
0x4e: {  	[sflag:s26] =	ssyncset.done $0x0  }
0x4f: {  	[sflag:s26] =	ssyncadd.s32 $0xFFFFB800  }
.LBB2_1:
0x50: {  	s16 =	simm.s32 $0x0;
	s18 =	simm.s32 $0x240  }
.LBB2_2:
0x51: {  	p3 =	sne.s32 s18, $0x11DC0;
	[tilespmem:s16+$0x16A80] =	vst v0  }
0x52: {  	[tilespmem:s16+$0x16A00] =	vst v0  }
0x53: {  	[tilespmem:s16+$0x16A10] =	vst v0  }
0x54: {  	[tilespmem:s16+$0x16A20] =	vst v0  }
.Ltmp2:
0x55: {  	[tilespmem:s16+$0x16A30] =	vst v0;
	(pc) =	sbr.rel @p3 .LBB2_2-.Ltmp2, $4  }
0x56: {  	[tilespmem:s16+$0x16A40] =	vst v0  }
0x57: {  	[tilespmem:s16+$0x16A50] =	vst v0  }
0x58: {  	[tilespmem:s16+$0x16A60] =	vst v0  }
0x59: {  	[tilespmem:s16+$0x16A70] =	vst v0;
	s16 =	sshra.s32 s18, $0x2;
	s18 =	sadd.s32 $0x240, s18  }
0x5a: {  	[tilespmem:s16+$0x16A80] =	vst v0  }
0x5b: {  	[tilespmem:s16+$0x16A00] =	vst v0  }
0x5c: {  	[tilespmem:s16+$0x16A10] =	vst v0  }
0x5d: {  	[tilespmem:s16+$0x16A20] =	vst v0  }
0x5e: {  	[tilespmem:s16+$0x16A30] =	vst v0  }
0x5f: {  	[tilespmem:s16+$0x16A40] =	vst v0  }
0x60: {  	[tilespmem:s16+$0x16A50] =	vst v0  }
0x61: {  	[tilespmem:s16+$0x16A60] =	vst v0  }
0x62: {  	[tilespmem:s16+$0x16A70] =	vst v0  }
0x63: {  	[spmem:s6] =	stream.linear.scatter [tilespmem:s25], [sflag:$0x3], $0x4800, $0x38;
	[tilespmem:$0x1FA00] =	vst v63  }
0x64: {  	_ =	swait.ge [sflag:s26], $0x4800  }
0x65: {  	[sflag:s26] =	ssyncset.done $0x0  }
0x66: {  	[sflag:s26] =	ssyncadd.s32 $0xFFFFB800  }
0x67: {  	[spmem:s7] =	stream.linear.scatter [tilespmem:s25], [sflag:$0x3], $0x4800, $0x38;
	[tilespmem:$0x1FA00] =	vst v63  }
0x68: {  	_ =	swait.ge [sflag:s26], $0x4800  }
0x69: {  	[sflag:s26] =	ssyncset.done $0x0  }
0x6a: {  	[sflag:s26] =	ssyncadd.s32 $0xFFFFB800  }
0x6b: {  	[spmem:s8] =	stream.linear.scatter [tilespmem:s25], [sflag:$0x3], $0x4800, $0x38;
	[tilespmem:$0x1FA00] =	vst v63  }
0x6c: {  	_ =	swait.ge [sflag:s26], $0x4800  }
0x6d: {  	[sflag:s26] =	ssyncset.done $0x0  }
0x6e: {  	[sflag:s26] =	ssyncadd.s32 $0xFFFFB800  }
0x6f: {  	[spmem:s9] =	stream.linear.scatter [tilespmem:s25], [sflag:$0x3], $0x4800, $0x38;
	[tilespmem:$0x1FA00] =	vst v63  }
0x70: {  	_ =	swait.ge [sflag:s26], $0x4800  }
0x71: {  	[sflag:s26] =	ssyncset.done $0x0  }
0x72: {  	[sflag:s26] =	ssyncadd.s32 $0xFFFFB800  }
0x73: {  	[spmem:s10] =	stream.linear.scatter [tilespmem:s25], [sflag:$0x3], $0x4800, $0x38;
	[tilespmem:$0x1FA00] =	vst v63  }
0x74: {  	_ =	swait.ge [sflag:s26], $0x4800  }
0x75: {  	[sflag:s26] =	ssyncset.done $0x0  }
0x76: {  	[sflag:s26] =	ssyncadd.s32 $0xFFFFB800  }
.Ltmp3:
0x77: {  	[bflag:$0x0] =	sbarrier.arrive $0xFFFF;
	(pc) =	sbr.rel @p0 .LBB2_7-.Ltmp3, $4  }
0x78: {  	[tilespmem:s28], [sflag:$0x3] =	stream.linear.gather [hbm4b:s11+s3], $0x100, $0x38;
	[tilespmem:$0x1FA00] =	vst v63  }
0x79: {  	_ =	swait.ge [sflag:s26], $0x100  }
0x7a: {  	[sflag:s26] =	ssyncset.done $0x0  }
0x7b: {  	[sflag:s26] =	ssyncadd.s32 $0xFFFFFF00  }
0x7c: {  	[tilespmem:s25], [sflag:$0x1] =	stream.indirect.gather [hbm4b:s4+s29], $0x90, s28, s29, $0xb8;
	[tilespmem:$0x1FA00] =	vst v63  }
0x7d: {  	s16 =	sadd.s32 $0xFFFF6800, s11  }
0x7e: {  	s17 =	sadd.s32 $0x9A00, s16  }
0x7f: {  	[tilespmem:s30], [sflag:$0x3] =	stream.linear.gather [hbm4b:s17+s3], $0x100, $0x38;
	[tilespmem:$0x1FA00] =	vst v63  }
0x80: {  	_ =	swait.ge [sflag:s26], $0x100  }
0x81: {  	[sflag:s26] =	ssyncset.done $0x0  }
0x82: {  	[sflag:s26] =	ssyncadd.s32 $0xFFFFFF00  }
0x83: {  	[tilespmem:s31], [sflag:$0x2] =	stream.indirect.gather [hbm4b:s4+s29], $0x90, s30, s29, $0xb8;
	[tilespmem:$0x1FA00] =	vst v63  }
0x84: {  	_ =	swait.ge [sflag:s0], $0x4800  }
0x85: {  	[sflag:s0] =	ssyncset.done $0x0  }
0x86: {  	[sflag:s0] =	ssyncadd.s32 $0xFFFFB800  }
0x87: {  	[spmem:s1] =	stream.indirect.scatter.add.f32 [tilespmem:s25], [sflag:$0x3], $0x90, s2, s29, $0xb8;
	[tilespmem:$0x1FA00] =	vst v63  }
0x88: {  	_ =	swait.ge [sflag:s26], $0x4800  }
0x89: {  	[sflag:s26] =	ssyncset.done $0x0  }
0x8a: {  	s16 =	sadd.s32 $0x9C00, s16;
	[sflag:s26] =	ssyncadd.s32 $0xFFFFB800  }
0x8b: {  	[tilespmem:s28], [sflag:$0x3] =	stream.linear.gather [hbm4b:s16+s3], $0x100, $0x38;
	[tilespmem:$0x1FA00] =	vst v63  }
0x8c: {  	_ =	swait.ge [sflag:s26], $0x100  }
0x8d: {  	[sflag:s26] =	ssyncset.done $0x0  }
0x8e: {  	[sflag:s26] =	ssyncadd.s32 $0xFFFFFF00  }
0x8f: {  	[tilespmem:s25], [sflag:$0x1] =	stream.indirect.gather [hbm4b:s4+s29], $0x90, s28, s29, $0xb8;
	[tilespmem:$0x1FA00] =	vst v63  }
0x90: {  	_ =	swait.ge [sflag:s12], $0x4800  }
0x91: {  	[sflag:s12] =	ssyncset.done $0x0  }
0x92: {  	[sflag:s12] =	ssyncadd.s32 $0xFFFFB800  }
0x93: {  	[spmem:s1] =	stream.indirect.scatter.add.f32 [tilespmem:s31], [sflag:$0x3], $0x90, s13, s29, $0xb8;
	[tilespmem:$0x1FA00] =	vst v63  }
0x94: {  	_ =	swait.ge [sflag:s26], $0x4800  }
0x95: {  	s17 =	simm.s32 $0xFFFF7000;
	s16 =	sadd.s32 $0xFFFF6C00, s11;
	[sflag:s26] =	ssyncset.done $0x0  }
.LBB2_5:
0x96: {  	s18 =	sadd.s32 $0x9A00, s16  }
0x97: {  	[sflag:s26] =	ssyncadd.s32 $0xFFFFB800;
	s19 =	smov.u32 s17;
	s20 =	sadd.s32 $0x400, s17  }
0x98: {  	[tilespmem:s30], [sflag:$0x3] =	stream.linear.gather [hbm4b:s18+s3], $0x100, $0x38;
	[tilespmem:$0x1FA00] =	vst v63  }
0x99: {  	p3 =	sne.s32 s17, $0xFFFFFC00;
	_ =	swait.ge [sflag:s26], $0x100  }
0x9a: {  	[sflag:s26] =	ssyncset.done $0x0  }
0x9b: {  	[sflag:s26] =	ssyncadd.s32 $0xFFFFFF00  }
0x9c: {  	[tilespmem:s31], [sflag:$0x2] =	stream.indirect.gather [hbm4b:s4+s29], $0x90, s30, s29, $0xb8;
	[tilespmem:$0x1FA00] =	vst v63  }
0x9d: {  	_ =	swait.ge [sflag:s0], $0x4800  }
0x9e: {  	[sflag:s0] =	ssyncset.done $0x0  }
0x9f: {  	[sflag:s0] =	ssyncadd.s32 $0xFFFFB800  }
0xa0: {  	[spmem:s1] =	stream.indirect.scatter.add.f32 [tilespmem:s25], [sflag:$0x3], $0x90, s2, s29, $0xb8;
	[tilespmem:$0x1FA00] =	vst v63  }
0xa1: {  	_ =	swait.ge [sflag:s26], $0x4800  }
0xa2: {  	[sflag:s26] =	ssyncset.done $0x0  }
0xa3: {  	s16 =	sadd.s32 $0x9C00, s16;
	[sflag:s26] =	ssyncadd.s32 $0xFFFFB800  }
0xa4: {  	[tilespmem:s28], [sflag:$0x3] =	stream.linear.gather [hbm4b:s16+s3], $0x100, $0x38;
	[tilespmem:$0x1FA00] =	vst v63  }
0xa5: {  	_ =	swait.ge [sflag:s26], $0x100  }
0xa6: {  	[sflag:s26] =	ssyncset.done $0x0  }
0xa7: {  	[sflag:s26] =	ssyncadd.s32 $0xFFFFFF00  }
0xa8: {  	[tilespmem:s25], [sflag:$0x1] =	stream.indirect.gather [hbm4b:s4+s29], $0x90, s28, s29, $0xb8;
	[tilespmem:$0x1FA00] =	vst v63  }
0xa9: {  	_ =	swait.ge [sflag:s12], $0x4800  }
.Ltmp4:
0xaa: {  	[sflag:s12] =	ssyncset.done $0x0;
	(pc) =	sbr.rel @p3 .LBB2_5-.Ltmp4, $4  }
0xab: {  	[sflag:s12] =	ssyncadd.s32 $0xFFFFB800  }
0xac: {  	[spmem:s1] =	stream.indirect.scatter.add.f32 [tilespmem:s31], [sflag:$0x3], $0x90, s13, s29, $0xb8;
	[tilespmem:$0x1FA00] =	vst v63  }
0xad: {  	_ =	swait.ge [sflag:s26], $0x4800  }
0xae: {  	s17 =	smov.u32 s20;
	s16 =	sadd.s32 s19, s11;
	[sflag:s26] =	ssyncset.done $0x0  }
0xaf: {  	s17 =	sadd.s32 $0x9A00, s16;
	[sflag:s26] =	ssyncadd.s32 $0xFFFFB800  }
0xb0: {  	[tilespmem:s30], [sflag:$0x3] =	stream.linear.gather [hbm4b:s17+s3], $0x100, $0x38;
	[tilespmem:$0x1FA00] =	vst v63  }
0xb1: {  	_ =	swait.ge [sflag:s26], $0x100  }
0xb2: {  	[sflag:s26] =	ssyncset.done $0x0  }
0xb3: {  	[sflag:s26] =	ssyncadd.s32 $0xFFFFFF00  }
0xb4: {  	[tilespmem:s31], [sflag:$0x2] =	stream.indirect.gather [hbm4b:s4+s29], $0x90, s30, s29, $0xb8;
	[tilespmem:$0x1FA00] =	vst v63  }
0xb5: {  	_ =	swait.ge [sflag:s0], $0x4800  }
0xb6: {  	[sflag:s0] =	ssyncset.done $0x0  }
0xb7: {  	[sflag:s0] =	ssyncadd.s32 $0xFFFFB800  }
0xb8: {  	[spmem:s1] =	stream.indirect.scatter.add.f32 [tilespmem:s25], [sflag:$0x3], $0x90, s2, s29, $0xb8;
	[tilespmem:$0x1FA00] =	vst v63  }
0xb9: {  	_ =	swait.ge [sflag:s26], $0x4800  }
0xba: {  	[sflag:s26] =	ssyncset.done $0x0  }
0xbb: {  	s22 =	sadd.s32 $0x9C00, s16;
	[sflag:s26] =	ssyncadd.s32 $0xFFFFB800  }
0xbc: {  	[tilespmem:s28], [sflag:$0x3] =	stream.linear.gather [hbm4b:s22+s3], $0x100, $0x38;
	[tilespmem:$0x1FA00] =	vst v63  }
0xbd: {  	_ =	swait.ge [sflag:s26], $0x100  }
0xbe: {  	[sflag:s26] =	ssyncset.done $0x0  }
0xbf: {  	[sflag:s26] =	ssyncadd.s32 $0xFFFFFF00  }
0xc0: {  	[tilespmem:s25], [sflag:$0x1] =	stream.indirect.gather [hbm4b:s4+s29], $0x90, s28, s29, $0xb8;
	[tilespmem:$0x1FA00] =	vst v63  }
0xc1: {  	_ =	swait.ge [sflag:s12], $0x4800  }
0xc2: {  	[sflag:s12] =	ssyncset.done $0x0  }
0xc3: {  	[sflag:s12] =	ssyncadd.s32 $0xFFFFB800  }
0xc4: {  	[spmem:s1] =	stream.indirect.scatter.add.f32 [tilespmem:s31], [sflag:$0x3], $0x90, s13, s29, $0xb8;
	[tilespmem:$0x1FA00] =	vst v63  }
0xc5: {  	_ =	swait.ge [sflag:s26], $0x4800  }
0xc6: {  	[sflag:s26] =	ssyncset.done $0x0  }
0xc7: {  	[sflag:s26] =	ssyncadd.s32 $0xFFFFB800  }
0xc8: {  	[tilespmem:s30], [sflag:$0x3] =	stream.linear.gather [hbm4b:s24+s3], $0x100, $0x38;
	[tilespmem:$0x1FA00] =	vst v63  }
0xc9: {  	_ =	swait.ge [sflag:s26], $0x100  }
0xca: {  	[sflag:s26] =	ssyncset.done $0x0  }
0xcb: {  	[sflag:s26] =	ssyncadd.s32 $0xFFFFFF00  }
0xcc: {  	[tilespmem:s31], [sflag:$0x2] =	stream.indirect.gather [hbm4b:s4+s29], $0x90, s30, s29, $0xb8;
	[tilespmem:$0x1FA00] =	vst v63  }
0xcd: {  	_ =	swait.ge [sflag:s0], $0x4800  }
0xce: {  	[sflag:s0] =	ssyncset.done $0x0  }
0xcf: {  	[sflag:s0] =	ssyncadd.s32 $0xFFFFB800  }
0xd0: {  	[spmem:s1] =	stream.indirect.scatter.add.f32 [tilespmem:s25], [sflag:$0x3], $0x90, s2, s29, $0xb8;
	[tilespmem:$0x1FA00] =	vst v63  }
0xd1: {  	_ =	swait.ge [sflag:s26], $0x4800  }
0xd2: {  	[sflag:s26] =	ssyncset.done $0x0  }
0xd3: {  	[sflag:s26] =	ssyncadd.s32 $0xFFFFB800  }
0xd4: {  	_ =	swait.ge [sflag:s12], $0x4800  }
0xd5: {  	[sflag:s12] =	ssyncset.done $0x0  }
0xd6: {  	[sflag:s12] =	ssyncadd.s32 $0xFFFFB800  }
0xd7: {  	[spmem:s1] =	stream.indirect.scatter.add.f32 [tilespmem:s31], [sflag:$0x3], $0x90, s13, s29, $0xb8;
	[tilespmem:$0x1FA00] =	vst v63  }
.Ltmp5:
0xd8: {  	_ =	swait.ge [sflag:s26], $0x4800;
	(pc) =	sbr.rel @p1 .LBB2_10-.Ltmp5, $4  }
.Ltmp6:
0xd9: {  	s22 =	rddreg [dreg:$0x9];
	(pc) =	sbr.rel @!p1 .LBB2_11-.Ltmp6, $4  }
0xda: {  	s18 =	rddreg [dreg:$0xa]  }
0xdb: {  	s16 =	smov.u32 s21;
	[sflag:s26] =	ssyncset.done $0x0;
	s19 =	rddreg [dreg:$0xb]  }
0xdc: {  	s17 =	smov.u32 s4;
	s20 =	rddreg [dreg:$0xd];
	[sflag:s26] =	ssyncadd.s32 $0xFFFFB800  }
0xdd: {  	_ = 	snop  }
.LBB2_7:
0xde: {  	[tilespmem:s25], [sflag:$0x1] =	stream.indirect.gather [hbm4b:s5+s29], $0x90, s28, s29, $0xb8;
	[tilespmem:$0x1FA00] =	vst v63  }
0xdf: {  	s16 =	sadd.s32 $0xFFFF6800, s11  }
0xe0: {  	s17 =	sadd.s32 $0x9A00, s16  }
0xe1: {  	[tilespmem:s30], [sflag:$0x3] =	stream.linear.gather [hbm4b:s17+s3], $0x100, $0x38;
	[tilespmem:$0x1FA00] =	vst v63  }
0xe2: {  	_ =	swait.ge [sflag:s26], $0x100  }
0xe3: {  	[sflag:s26] =	ssyncset.done $0x0  }
0xe4: {  	[sflag:s26] =	ssyncadd.s32 $0xFFFFFF00  }
0xe5: {  	[tilespmem:s31], [sflag:$0x2] =	stream.indirect.gather [hbm4b:s5+s29], $0x90, s30, s29, $0xb8;
	[tilespmem:$0x1FA00] =	vst v63  }
0xe6: {  	_ =	swait.ge [sflag:s0], $0x4800  }
0xe7: {  	[sflag:s0] =	ssyncset.done $0x0  }
0xe8: {  	[sflag:s0] =	ssyncadd.s32 $0xFFFFB800  }
0xe9: {  	[spmem:s1] =	stream.indirect.scatter.add.f32 [tilespmem:s25], [sflag:$0x3], $0x90, s2, s29, $0xb8;
	[tilespmem:$0x1FA00] =	vst v63  }
0xea: {  	_ =	swait.ge [sflag:s26], $0x4800  }
0xeb: {  	[sflag:s26] =	ssyncset.done $0x0  }
0xec: {  	s16 =	sadd.s32 $0x9C00, s16;
	[sflag:s26] =	ssyncadd.s32 $0xFFFFB800  }
0xed: {  	[tilespmem:s28], [sflag:$0x3] =	stream.linear.gather [hbm4b:s16+s3], $0x100, $0x38;
	[tilespmem:$0x1FA00] =	vst v63  }
0xee: {  	_ =	swait.ge [sflag:s26], $0x100  }
0xef: {  	[sflag:s26] =	ssyncset.done $0x0  }
0xf0: {  	[sflag:s26] =	ssyncadd.s32 $0xFFFFFF00  }
0xf1: {  	[tilespmem:s25], [sflag:$0x1] =	stream.indirect.gather [hbm4b:s5+s29], $0x90, s28, s29, $0xb8;
	[tilespmem:$0x1FA00] =	vst v63  }
0xf2: {  	_ =	swait.ge [sflag:s12], $0x4800  }
0xf3: {  	[sflag:s12] =	ssyncset.done $0x0  }
0xf4: {  	[sflag:s12] =	ssyncadd.s32 $0xFFFFB800  }
0xf5: {  	[spmem:s1] =	stream.indirect.scatter.add.f32 [tilespmem:s31], [sflag:$0x3], $0x90, s13, s29, $0xb8;
	[tilespmem:$0x1FA00] =	vst v63  }
0xf6: {  	_ =	swait.ge [sflag:s26], $0x4800  }
0xf7: {  	s17 =	simm.s32 $0xFFFF7000;
	s16 =	sadd.s32 $0xFFFF6C00, s11;
	[sflag:s26] =	ssyncset.done $0x0  }
.LBB2_8:
0xf8: {  	s18 =	sadd.s32 $0x9A00, s16  }
0xf9: {  	[sflag:s26] =	ssyncadd.s32 $0xFFFFB800;
	s19 =	smov.u32 s17;
	s20 =	sadd.s32 $0x400, s17  }
0xfa: {  	[tilespmem:s30], [sflag:$0x3] =	stream.linear.gather [hbm4b:s18+s3], $0x100, $0x38;
	[tilespmem:$0x1FA00] =	vst v63  }
0xfb: {  	p3 =	sne.s32 s17, $0xFFFFFC00;
	_ =	swait.ge [sflag:s26], $0x100  }
0xfc: {  	[sflag:s26] =	ssyncset.done $0x0  }
0xfd: {  	[sflag:s26] =	ssyncadd.s32 $0xFFFFFF00  }
0xfe: {  	[tilespmem:s31], [sflag:$0x2] =	stream.indirect.gather [hbm4b:s5+s29], $0x90, s30, s29, $0xb8;
	[tilespmem:$0x1FA00] =	vst v63  }
0xff: {  	_ =	swait.ge [sflag:s0], $0x4800  }
0x100: {  	[sflag:s0] =	ssyncset.done $0x0  }
0x101: {  	[sflag:s0] =	ssyncadd.s32 $0xFFFFB800  }
0x102: {  	[spmem:s1] =	stream.indirect.scatter.add.f32 [tilespmem:s25], [sflag:$0x3], $0x90, s2, s29, $0xb8;
	[tilespmem:$0x1FA00] =	vst v63  }
0x103: {  	_ =	swait.ge [sflag:s26], $0x4800  }
0x104: {  	[sflag:s26] =	ssyncset.done $0x0  }
0x105: {  	s16 =	sadd.s32 $0x9C00, s16;
	[sflag:s26] =	ssyncadd.s32 $0xFFFFB800  }
0x106: {  	[tilespmem:s28], [sflag:$0x3] =	stream.linear.gather [hbm4b:s16+s3], $0x100, $0x38;
	[tilespmem:$0x1FA00] =	vst v63  }
0x107: {  	_ =	swait.ge [sflag:s26], $0x100  }
0x108: {  	[sflag:s26] =	ssyncset.done $0x0  }
0x109: {  	[sflag:s26] =	ssyncadd.s32 $0xFFFFFF00  }
0x10a: {  	[tilespmem:s25], [sflag:$0x1] =	stream.indirect.gather [hbm4b:s5+s29], $0x90, s28, s29, $0xb8;
	[tilespmem:$0x1FA00] =	vst v63  }
0x10b: {  	_ =	swait.ge [sflag:s12], $0x4800  }
.Ltmp7:
0x10c: {  	[sflag:s12] =	ssyncset.done $0x0;
	(pc) =	sbr.rel @p3 .LBB2_8-.Ltmp7, $4  }
0x10d: {  	[sflag:s12] =	ssyncadd.s32 $0xFFFFB800  }
0x10e: {  	[spmem:s1] =	stream.indirect.scatter.add.f32 [tilespmem:s31], [sflag:$0x3], $0x90, s13, s29, $0xb8;
	[tilespmem:$0x1FA00] =	vst v63  }
0x10f: {  	_ =	swait.ge [sflag:s26], $0x4800  }
0x110: {  	s17 =	smov.u32 s20;
	s16 =	sadd.s32 s19, s11;
	[sflag:s26] =	ssyncset.done $0x0  }
0x111: {  	s17 =	sadd.s32 $0x9A00, s16;
	[sflag:s26] =	ssyncadd.s32 $0xFFFFB800  }
0x112: {  	[tilespmem:s30], [sflag:$0x3] =	stream.linear.gather [hbm4b:s17+s3], $0x100, $0x38;
	[tilespmem:$0x1FA00] =	vst v63  }
0x113: {  	_ =	swait.ge [sflag:s26], $0x100  }
0x114: {  	[sflag:s26] =	ssyncset.done $0x0  }
0x115: {  	[sflag:s26] =	ssyncadd.s32 $0xFFFFFF00  }
0x116: {  	[tilespmem:s31], [sflag:$0x2] =	stream.indirect.gather [hbm4b:s5+s29], $0x90, s30, s29, $0xb8;
	[tilespmem:$0x1FA00] =	vst v63  }
0x117: {  	_ =	swait.ge [sflag:s0], $0x4800  }
0x118: {  	[sflag:s0] =	ssyncset.done $0x0  }
0x119: {  	[sflag:s0] =	ssyncadd.s32 $0xFFFFB800  }
0x11a: {  	[spmem:s1] =	stream.indirect.scatter.add.f32 [tilespmem:s25], [sflag:$0x3], $0x90, s2, s29, $0xb8;
	[tilespmem:$0x1FA00] =	vst v63  }
0x11b: {  	_ =	swait.ge [sflag:s26], $0x4800  }
0x11c: {  	[sflag:s26] =	ssyncset.done $0x0  }
0x11d: {  	s22 =	sadd.s32 $0x9C00, s16;
	[sflag:s26] =	ssyncadd.s32 $0xFFFFB800  }
0x11e: {  	[tilespmem:s28], [sflag:$0x3] =	stream.linear.gather [hbm4b:s22+s3], $0x100, $0x38;
	[tilespmem:$0x1FA00] =	vst v63  }
0x11f: {  	_ =	swait.ge [sflag:s26], $0x100  }
0x120: {  	[sflag:s26] =	ssyncset.done $0x0  }
0x121: {  	[sflag:s26] =	ssyncadd.s32 $0xFFFFFF00  }
0x122: {  	[tilespmem:s25], [sflag:$0x1] =	stream.indirect.gather [hbm4b:s5+s29], $0x90, s28, s29, $0xb8;
	[tilespmem:$0x1FA00] =	vst v63  }
0x123: {  	_ =	swait.ge [sflag:s12], $0x4800  }
0x124: {  	[sflag:s12] =	ssyncset.done $0x0  }
0x125: {  	[sflag:s12] =	ssyncadd.s32 $0xFFFFB800  }
0x126: {  	[spmem:s1] =	stream.indirect.scatter.add.f32 [tilespmem:s31], [sflag:$0x3], $0x90, s13, s29, $0xb8;
	[tilespmem:$0x1FA00] =	vst v63  }
0x127: {  	_ =	swait.ge [sflag:s26], $0x4800  }
0x128: {  	[sflag:s26] =	ssyncset.done $0x0  }
0x129: {  	[sflag:s26] =	ssyncadd.s32 $0xFFFFB800  }
0x12a: {  	[tilespmem:s30], [sflag:$0x3] =	stream.linear.gather [hbm4b:s24+s3], $0x100, $0x38;
	[tilespmem:$0x1FA00] =	vst v63  }
0x12b: {  	_ =	swait.ge [sflag:s26], $0x100  }
0x12c: {  	[sflag:s26] =	ssyncset.done $0x0  }
0x12d: {  	[sflag:s26] =	ssyncadd.s32 $0xFFFFFF00  }
0x12e: {  	[tilespmem:s31], [sflag:$0x2] =	stream.indirect.gather [hbm4b:s5+s29], $0x90, s30, s29, $0xb8;
	[tilespmem:$0x1FA00] =	vst v63  }
0x12f: {  	_ =	swait.ge [sflag:s0], $0x4800  }
0x130: {  	[sflag:s0] =	ssyncset.done $0x0  }
0x131: {  	[sflag:s0] =	ssyncadd.s32 $0xFFFFB800  }
0x132: {  	[spmem:s1] =	stream.indirect.scatter.add.f32 [tilespmem:s25], [sflag:$0x3], $0x90, s2, s29, $0xb8;
	[tilespmem:$0x1FA00] =	vst v63  }
0x133: {  	_ =	swait.ge [sflag:s26], $0x4800  }
0x134: {  	[sflag:s26] =	ssyncset.done $0x0  }
0x135: {  	[sflag:s26] =	ssyncadd.s32 $0xFFFFB800  }
0x136: {  	_ =	swait.ge [sflag:s12], $0x4800  }
0x137: {  	[sflag:s12] =	ssyncset.done $0x0  }
0x138: {  	[sflag:s12] =	ssyncadd.s32 $0xFFFFB800  }
0x139: {  	[spmem:s1] =	stream.indirect.scatter.add.f32 [tilespmem:s31], [sflag:$0x3], $0x90, s13, s29, $0xb8;
	[tilespmem:$0x1FA00] =	vst v63  }
0x13a: {  	_ =	swait.ge [sflag:s26], $0x4800  }
.Ltmp8:
0x13b: {  	s22 =	rddreg [dreg:$0x4];
	(pc) =	sbr.rel @p2 .LBB2_11-.Ltmp8, $4  }
.Ltmp9:
0x13c: {  	s18 =	rddreg [dreg:$0x5];
	(pc) =	sbr.rel @!p2 .LBB2_10-.Ltmp9, $4  }
0x13d: {  	s19 =	rddreg [dreg:$0x6]  }
0x13e: {  	[sflag:s26] =	ssyncset.done $0x0;
	s20 =	rddreg [dreg:$0x7]  }
0x13f: {  	s17 =	smov.u32 s5;
	s16 =	rddreg [dreg:$0x8];
	[sflag:s26] =	ssyncadd.s32 $0xFFFFB800  }
0x140: {  	_ = 	snop  }
.LBB2_12:
0x141: {  	_ =	sfence.sel $0x180000  }
0x142: {  	[bflag:$0x0] =	sbarrier.arrive $0xFFFF  }
0x143: {  	_ =	strace $0x90000047  }
0x144: {  	s0 =	stileid.u32;
	[bflag:$0x2] =	sbarrier.arrive $0xFFFF  }
0x145: {  	p0 =	sne.s32 s0, $0x0;
	s0 =	rddreg [dreg:$0x3]  }
0x146: {  	s0 =	sadd.s32 @!p0 $0x100000, s0  }
0x147: {  	[sflag:s0] =	ssyncadd.tile.s32 @!p0 $0x1;
	_ =	shalt  }
.Lfunc_end2:
_tile_overlayer_lowered:
.L_overlay_start_2:
0x148: {  	(tag) =	ssettag $0x2  }
0x149: {  	s0 =	rddreg [dreg:$0x0];
	s2 =	stileid.u32  }
0x14a: {  	s1 =	rddreg [dreg:$0x1];
	p0 =	sne.s32 s2, $0x0  }
0x14b: {  	s3 =	rddreg [dreg:$0x2];
	[bflag:$0x3] =	sbarrier.arrive $0xFFFF;
	s2 =	simm.s32 @!p0 $0x1C03  }
0x14c: {  	[timem:s3], [sflag:s2] =	dma.local @!p0 [hbm:s0], s1  }
0x14d: {  	s0 =	simm.s32 @!p0 $0x3  }
0x14e: {  	_ =	swait.ge @!p0 [sflag:s0], s1  }
0x14f: {  	s1 =	ssub.s32 @!p0 $0x0, s1;
	[sflag:s0] =	ssyncset.done @!p0 $0x0  }
0x150: {  	[sflag:s0] =	ssyncadd.s32 @!p0 s1  }
0x151: {  	[bflag:$0x3] =	sbarrier.arrive $0xFFFF  }
0x152: {  	_ =	shalt  }

// kernel: kernel.9.cloned.1.call-start
scs
__scs_entry_jumppad:
0x0: {  	(pc) =	sbr.rel $0x88, $3  }
0x1: {  	(tag) =	ssettag $0x0;
	lr =	simm.s32 $0x1  }
0x2: {  	[smem:$0x3F99] =	sst lr;
	_ =	strace $0xD0000000  }
0x3: {  	_ = 	snop  }
0x4: {  	_ = 	snop  }
0x5: {  	_ = 	snop  }
0x6: {  	_ = 	snop  }
0x7: {  	_ = 	snop  }
__scs_overlays_trampoline_lowered:
0x8: {  	[smem:$0x3FA8] =	sst s0  }
0x9: {  	[smem:$0x3FA9] =	sst s1  }
0xa: {  	[smem:$0x3FAA] =	sst s2  }
0xb: {  	[smem:$0x3FAB] =	sst s3  }
0xc: {  	[smem:$0x3FAC] =	sst s4  }
0xd: {  	[smem:$0x3FAD] =	sst s5  }
0xe: {  	[smem:$0x3FAE] =	sst s6  }
0xf: {  	[smem:$0x3FAF] =	sst s7  }
0x10: {  	[smem:$0x3FB0] =	sst s8  }
0x11: {  	[smem:$0x3FB1] =	sst s9;
	s0 =	simm.s32 @!p0 $0x0  }
0x12: {  	s1 =	sld [smem:$0x3F97];
	s0 =	simm.s32 @p0 $0x1  }
0x13: {  	[smem:$0x3FB2] =	sst s0;
	s0 =	simm.s32 @!p1 $0x0  }
0x14: {  	s2 =	sld [smem:$0x3F96];
	s0 =	simm.s32 @p1 $0x1  }
0x15: {  	[smem:$0x3FB3] =	sst s0;
	s0 =	simm.s32 @!p2 $0x0  }
0x16: {  	s3 =	sld [smem:$0x3FDB];
	s0 =	simm.s32 @p2 $0x1  }
0x17: {  	s4 =	simm.s32 $0x1BF5;
	[smem:$0x3FB5] =	sst s0  }
0x18: {  	s0 =	sld [smem:$0x3F98];
	_ =	swait.ge [sflag:s4], $0x0  }
0x19: {  	s7 =	sld [smem:$0x3F99]  }
0x1a: {  	s8 =	sadd.s32 $0xFFFFE003, lr  }
0x1b: {  	s9 =	sadd.s32 $0xFFFFFEF7, lr;
	s5 =	simm.s32 $0xFFFFFFFF;
	p2 =	slt.u32 s8, $0xFFFFF086  }
0x1c: {  	p1 =	slt.u32 s9, $0xF7A;
	s5 =	simm.s32 @!p2 $0x0  }
0x1d: {  	s5 =	simm.s32 @p1 $0x1;
	p0 =	seq.s32 s7, s2  }
0x1e: {  	s7 =	smul.u32 @!p0 $0xF7A, s2;
	p2 =	seq.s32 @!p0 s5, $0x0  }
0x1f: {  	s9 =	smul.u32 $0xF7A, s1;
	s8 =	simm.s32 @!p0 $0x1BF5;
	p2 =	por !p2, p0  }
0x20: {  	[sflag:s8] =	ssyncset.s32 @!p0 $0xFFFFF086;
	s6 =	sadd.s32 @!p0 s3, s7;
	s7 =	simm.s32 @!p0 $0x108  }
0x21: {  	s3 =	sadd.s32 s3, s9;
	s6 =	sadd.s32 @!p0 $0x88, s6;
	s7 =	simm.s32 @p2 $0x1082  }
0x22: {  	[simem:s7], [sflag:s8] =	dma.local @!p0 [hbm:s6], $0xF7A  }
0x23: {  	s9 =	sor.u32 $0xD0000000, s2;
	s6 =	simm.s32 $0x108;
	_ =	swait.ge @!p0 [sflag:s8], $0x0  }
0x24: {  	s3 =	sadd.s32 $0x88, s3;
	s6 =	simm.s32 @!p1 $0x1082;
	[sflag:s4] =	ssyncset.s32 $0xFFFFF086  }
0x25: {  	[simem:s6], [sflag:s4] =	dma.local [hbm:s3], $0xF7A  }
0x26: {  	[smem:$0x3F99] =	sst s1;
	(tag) =	ssettag s2;
	_ =	strace s9  }
0x27: {  	s1 =	sld [smem:$0x3FA9]  }
0x28: {  	s2 =	sld [smem:$0x3FAA]  }
0x29: {  	s4 =	sld [smem:$0x3FAC]  }
0x2a: {  	p0 =	seq.s32 s5, $0x0;
	s5 =	sld [smem:$0x3FAD]  }
0x2b: {  	s6 =	sld [smem:$0x3FAE]  }
0x2c: {  	s7 =	sld [smem:$0x3FAF]  }
0x2d: {  	s3 =	simm.s32 $0x108;
	s8 =	sld [smem:$0x3FB0]  }
0x2e: {  	s3 =	simm.s32 @!p0 $0x1082;
	s9 =	sld [smem:$0x3FB1]  }
0x2f: {  	lr =	sadd.s32 s0, s3;
	s0 =	sld [smem:$0x3FA8]  }
0x30: {  	s3 =	sld [smem:$0x3FAB]  }
0x31: {  	[smem:$0x3FB4] =	sst s10  }
0x32: {  	s10 =	sld [smem:$0x3FB2];
	_ =	sdelay $0x3  }
0x33: {  	p0 =	seq.s32 s10, $0x1;
	s10 =	sld [smem:$0x3FB4];
	_ =	sdelay $0x3  }
0x34: {  	[smem:$0x3FB4] =	sst s10  }
0x35: {  	s10 =	sld [smem:$0x3FB3];
	_ =	sdelay $0x3  }
0x36: {  	p1 =	seq.s32 s10, $0x1;
	s10 =	sld [smem:$0x3FB4];
	_ =	sdelay $0x3  }
0x37: {  	[smem:$0x3FB4] =	sst s10  }
0x38: {  	s10 =	sld [smem:$0x3FB5]  }
0x39: {  	_ = 	snop;
	(pc) =	sbr.ind lr, $3  }
0x3a: {  	_ = 	snop  }
0x3b: {  	_ = 	snop  }
0x3c: {  	p2 =	seq.s32 s10, $0x1;
	s10 =	sld [smem:$0x3FB4]  }
0x3d: {  	_ =	shalt  }
0x3e: {  	_ =	shalt  }
0x3f: {  	_ =	shalt  }
0x40: {  	_ =	shalt  }
0x41: {  	_ =	shalt  }
0x42: {  	_ =	shalt  }
0x43: {  	_ =	shalt  }
0x44: {  	_ =	shalt  }
0x45: {  	_ =	shalt  }
0x46: {  	_ =	shalt  }
0x47: {  	_ =	shalt  }
0x48: {  	_ =	shalt  }
0x49: {  	_ =	shalt  }
0x4a: {  	_ =	shalt  }
0x4b: {  	_ =	shalt  }
0x4c: {  	_ =	shalt  }
0x4d: {  	_ =	shalt  }
0x4e: {  	_ =	shalt  }
0x4f: {  	_ =	shalt  }
0x50: {  	_ =	shalt  }
0x51: {  	_ =	shalt  }
0x52: {  	_ =	shalt  }
0x53: {  	_ =	shalt  }
0x54: {  	_ =	shalt  }
0x55: {  	_ =	shalt  }
0x56: {  	_ =	shalt  }
0x57: {  	_ =	shalt  }
0x58: {  	_ =	shalt  }
0x59: {  	_ =	shalt  }
0x5a: {  	_ =	shalt  }
0x5b: {  	_ =	shalt  }
0x5c: {  	_ =	shalt  }
0x5d: {  	_ =	shalt  }
0x5e: {  	_ =	shalt  }
0x5f: {  	_ =	shalt  }
0x60: {  	_ =	shalt  }
0x61: {  	_ =	shalt  }
0x62: {  	_ =	shalt  }
0x63: {  	_ =	shalt  }
0x64: {  	_ =	shalt  }
0x65: {  	_ =	shalt  }
0x66: {  	_ =	shalt  }
0x67: {  	_ =	shalt  }
0x68: {  	_ =	shalt  }
0x69: {  	_ =	shalt  }
0x6a: {  	_ =	shalt  }
0x6b: {  	_ =	shalt  }
0x6c: {  	_ =	shalt  }
0x6d: {  	_ =	shalt  }
0x6e: {  	_ =	shalt  }
0x6f: {  	_ =	shalt  }
0x70: {  	_ =	shalt  }
0x71: {  	_ =	shalt  }
0x72: {  	_ =	shalt  }
0x73: {  	_ =	shalt  }
0x74: {  	_ =	shalt  }
0x75: {  	_ =	shalt  }
0x76: {  	_ =	shalt  }
0x77: {  	_ =	shalt  }
0x78: {  	_ =	shalt  }
0x79: {  	_ =	shalt  }
0x7a: {  	_ =	shalt  }
0x7b: {  	_ =	shalt  }
0x7c: {  	_ =	shalt  }
0x7d: {  	_ =	shalt  }
0x7e: {  	_ =	shalt  }
0x7f: {  	_ =	shalt  }
0x80: {  	_ =	shalt  }
0x81: {  	_ =	shalt  }
0x82: {  	_ =	shalt  }
0x83: {  	_ =	shalt  }
0x84: {  	_ =	shalt  }
0x85: {  	_ =	shalt  }
0x86: {  	_ =	shalt  }
0x87: {  	_ =	shalt  }
.Lfunc_end0:
.L_simem_size_0:
called_computation.1_lowered:
.L_overlay_start_0:
0x88: {  	s2 =	sld [smem:$0x3FD9]  }
0x89: {  	s3 =	sld [smem:$0x3FFE];
	_ =	sdelay $0x1  }
0x8a: {  	s1 =	srdreg.scid  }
0x8b: {  	s0 =	sand.u32 $0x1, s1  }
0x8c: {  	s17 =	sshll.u32 s0, $0xA;
	s2 =	sadd.s32 s3, s2  }
0x8d: {  	s2 =	sadd.s32 s2, s17  }
0x8e: {  	[smem:$0x3FC0] =	sst s2  }
0x8f: {  	_ = 	snop  }
0x90: {  	s2 =	sld [smem:$0x3FD0];
	(tm) =	ssettm $0x1  }
0x91: {  	s18 =	sld [smem:$0x3FFB];
	_ =	sdelay $0x3  }
0x92: {  	_ =	strace s18  }
0x93: {  	s3 =	sld [smem:$0x3FFC];
	_ =	sdelay $0x3  }
0x94: {  	_ =	strace s3  }
0x95: {  	s3 =	sld [smem:$0x3FFD];
	_ =	sdelay $0x3  }
0x96: {  	_ =	strace s3  }
0x97: {  	_ =	strace $0x8FFFFFFF  }
0x98: {  	s19 =	sld [smem:$0x3FDB];
	_ =	sdelay $0x1  }
0x99: {  	s4 =	simm.s32 $_scs_section_size  }
0x9a: {  	s5 =	simm.s32 $_size__tile_overlayer_lowered;
	s6 =	simm.s32 $_tile_overlayer_lowered  }
0x9b: {  	s22 =	simm.s32 $0x1BFF;
	s21 =	sshll.u32 s6, $0x1;
	s3 =	sadd.s32 s4, s19  }
0x9c: {  	s7 =	simm.s32 $0x0;
	s20 =	sshll.u32 s5, $0x1;
	s5 =	sadd.s32 s21, s3  }
0x9d: {  	[timem:s7], [sflag:s22] =	dma.local [hbm:s5], s20  }
0x9e: {  	_ =	swait.ge [sflag:s22], s20  }
0x9f: {  	s4 =	ssub.s32 $0x0, s20;
	[sflag:s22] =	ssyncset.done $0x0  }
0xa0: {  	[sflag:s22] =	ssyncadd.s32 s4;
	_ =	sdelay $0x1  }
0xa1: {  	s23 =	simm.s32 $0x1B8B  }
0xa2: {  	_ =	swait.ge [sflag:s23], $0x1  }
0xa3: {  	[sflag:s23] =	ssyncset.done $0x0  }
0xa4: {  	s25 =	simm.s32 $0x1B8E;
	s24 =	sld [smem:$0x3FFE];
	[sflag:s23] =	ssyncadd.s32 $0xFFFFFFFF  }
0xa5: {  	s26 =	simm.s32 $execute0_lowered;
	[smem:$0x3FD2] =	sst s25  }
0xa6: {  	s5 =	sshll.u32 s26, $0x1;
	_ =	strace $0x80000049;
	[dreg:$0x1] =	wrdreg $0xFFFFFFFF  }
0xa7: {  	s28 =	simm.s32 $_size_execute0_lowered;
	s3 =	sadd.s32 s3, s5;
	[dreg:$0x0] =	wrdreg $0x0  }
0xa8: {  	s5 =	sshll.u32 s28, $0x1;
	[dreg:$0x2] =	wrdreg s3  }
0xa9: {  	[dreg:$0x3] =	wrdreg s5  }
0xaa: {  	[dreg:$0x4] =	wrdreg $0xC0  }
0xab: {  	_ =	task [dreg:s7], $0x5FFFF  }
0xac: {  	[dreg:$0x1] =	wrdreg $0xFFFFFFFF  }
0xad: {  	[dreg:$0x0] =	wrdreg $0x60  }
0xae: {  	[dreg:$0x2] =	wrdreg s24  }
0xaf: {  	[dreg:$0x3] =	wrdreg s2  }
0xb0: {  	[dreg:$0x4] =	wrdreg $0x0  }
0xb1: {  	[dreg:$0x5] =	wrdreg $0x9  }
0xb2: {  	_ =	task.clear_ibuf [dreg:s7], $0x6FFFF;
	_ =	strace $0x90000049  }
0xb3: {  	s29 =	simm.s32 $0x9;
	_ =	strace $0x8000004B  }
0xb4: {  	_ =	swait.ge [sflag:s29], $0x1  }
0xb5: {  	[sflag:s29] =	ssyncadd.s32 $0xFFFFFFFF  }
0xb6: {  	_ =	strace $0x9000004B  }
0xb7: {  	_ =	sfence  }
0xb8: {  	s30 =	sld [smem:$0x0];
	_ =	sdelay $0x2  }
0xb9: {  	s31 =	sshll.u32 s1, $0xD;
	s1 =	sshrl.u32 s1, $0x2  }
0xba: {  	s3 =	sand.u32 $0x4000, s31;
	s1 =	sadd.s32 s1, s30  }
0xbb: {  	s0 =	sor.u32 s3, s0;
	s1 =	sshll.u32 s1, $0x11  }
0xbc: {  	s0 =	sor.u32 s1, s0  }
0xbd: {  	s0 =	sadd.s32 $0x8F2B, s0  }
0xbe: {  	[sflag:s0] =	ssyncadd.remote.s32 $0x1  }
0xbf: {  	_ =	sfence.sel $0xFFFF  }
0xc0: {  	[dreg:$0x0] =	wrdreg $0xFFFFFFFF;
	(pc) =	sbr.abs _section_cstart, $3  }
0xc1: {  	[dreg:$0x1] =	wrdreg $0xFFFFFFFF  }
0xc2: {  	_ =	task.clear_ibuf [dreg:s7], $0x2FFFF;
	_ =	strace $0x9FFFFFFF  }
0xc3: {  	(tm) =	ssettm $0x7FFFFFFF  }
tec
execute0_lowered:
.L_overlay_start_1:
0x0: {  	(tag) =	ssettag $0x1  }
0x1: {  	s0 =	rddreg [dreg:$0x0]  }
0x2: {  	s2 =	rddreg [dreg:$0x1]  }
0x3: {  	s1 =	rddreg [dreg:$0x2];
	s3 =	simm.s32 $0x0;
	s20 =	stileid.u32  }
0x4: {  	s5 =	srdreg.scid;
	s28 =	simm.s32 $0x14000;
	s29 =	simm.s32 $0x80  }
0x5: {  	s30 =	simm.s32 $0x14100;
	s31 =	simm.s32 $0x18200;
	[smem:$0x7FF] =	sst s3  }
0x6: {  	s4 =	sadd.s32 $0x5DC00, s0;
	s6 =	sshll.u32 s20, $0x5;
	s12 =	sand.u32 $0x1, s5  }
0x7: {  	s13 =	smul.u32 $0x14000, s20;
	s5 =	sadd.s32 $0x84E00, s0;
	p1 =	slt.u32 s20, $0x2  }
0x8: {  	p2 =	sgt.u32 s20, $0x1;
	_ =	strace $0x8000004A;
	s14 =	sadd.s32 s6, s0  }
0x9: {  	s23 =	ssub.s32 $0x2, s12;
	s0 =	sadd.s32 $0xAC000, s0;
	p0 =	sne.s32 s12, $0x0  }
0xa: {  	s12 =	simm.s32 $0x2;
	s7 =	sshrl.u32 s23, $0x1;
	s15 =	sadd.s32 $0x4000, s13  }
0xb: {  	s6 =	sadd.s32 s13, s1;
	s17 =	sadd.s32 $0x8000, s13;
	s18 =	sadd.s32 $0xC000, s13  }
0xc: {  	s19 =	sadd.s32 $0x10000, s13;
	s11 =	sadd.s32 $0x3E00, s14;
	s13 =	sshrl.u32 s13, $0x3  }
0xd: {  	s16 =	ssub.s32 s23, s7;
	s7 =	sadd.s32 s15, s1;
	s8 =	sadd.s32 s17, s1  }
0xe: {  	s9 =	sadd.s32 s18, s1;
	s10 =	sadd.s32 s19, s1;
	s21 =	sadd.s32 s0, s13  }
0xf: {  	s15 =	sshrl.u32 s15, $0x3;
	s22 =	sadd.s32 s2, s13;
	[dreg:$0x4] =	wrdreg s21  }
0x10: {  	s17 =	sshrl.u32 s17, $0x3;
	s24 =	sadd.s32 s0, s15;
	[dreg:$0x9] =	wrdreg s22  }
0x11: {  	s18 =	sshrl.u32 s18, $0x3;
	s25 =	sadd.s32 s0, s17;
	[dreg:$0x5] =	wrdreg s24  }
0x12: {  	s19 =	sshrl.u32 s19, $0x3;
	s26 =	sadd.s32 s0, s18;
	[dreg:$0x6] =	wrdreg s25  }
0x13: {  	s13 =	simm.s32 $0x14180;
	s0 =	sadd.s32 s0, s19;
	[dreg:$0x7] =	wrdreg s26  }
0x14: {  	s23 =	sadd.s32 s2, s15;
	s21 =	sadd.s32 s2, s19;
	[dreg:$0x8] =	wrdreg s0  }
.Ltmp0:
0x15: {  	[dreg:$0xa] =	wrdreg s23;
	s24 =	sadd.s32 s2, s17;
	(pc) =	sbr.rel .LBB2_1-.Ltmp0, $4  }
0x16: {  	s25 =	sadd.s32 s2, s18;
	s26 =	sadd.s32 $0xDA00, s14;
	[dreg:$0xb] =	wrdreg s24  }
0x17: {  	s23 =	smax.u32 s16, $0x1;
	s0 =	simm.s32 $0x1;
	[dreg:$0xd] =	wrdreg s25  }
0x18: {  	s2 =	simm.s32 $0x14080;
	[dreg:$0xc] =	wrdreg s26;
	s24 =	sadd.s32 $0xD800, s14  }
0x19: {  	v0 =	vimm.f32 $0.0e+00;
	s25 =	simm.s32 $0x14200;
	s26 =	simm.s32 $0x3;
	s14 =	simm.s32 $0x0  }
.LBB2_10:
0x1a: {  	s15 =	rddreg [dreg:$0xc]  }
0x1b: {  	[tilespmem:s28], [sflag:$0x3] =	stream.linear.gather [hbm4b:s15+s3], $0x100, $0x38;
	[tilespmem:$0x1C200] =	vst v63  }
0x1c: {  	_ =	swait.ge [sflag:s26], $0x100  }
0x1d: {  	[sflag:s26] =	ssyncset.done $0x0  }
0x1e: {  	[sflag:s26] =	ssyncadd.s32 $0xFFFFFF00  }
0x1f: {  	[tilespmem:s25], [sflag:$0x1] =	stream.indirect.gather [hbm4b:s17+s29], $0x80, s28, s29, $0xb8;
	[tilespmem:$0x1C200] =	vst v63  }
0x20: {  	_ =	swait.ge [sflag:s0], $0x4000  }
0x21: {  	[sflag:s0] =	ssyncset.done $0x0  }
0x22: {  	[sflag:s0] =	ssyncadd.s32 $0xFFFFC000  }
0x23: {  	[spmem:s1] =	stream.indirect.scatter.add.f32 [tilespmem:s25], [sflag:$0x3], $0x80, s2, s29, $0xb8;
	[tilespmem:$0x1C200] =	vst v63  }
0x24: {  	_ =	swait.ge [sflag:s26], $0x4000  }
0x25: {  	[sflag:s26] =	ssyncset.done $0x0  }
0x26: {  	[sflag:s26] =	ssyncadd.s32 $0xFFFFC000  }
.LBB2_11:
0x27: {  	[bflag:$0x0] =	sbarrier.arrive $0xFFFF  }
0x28: {  	[tilespmem:s25], [sflag:$0x3] =	stream.linear.gather [spmem:s6], $0x4000, $0x38;
	[tilespmem:$0x1C200] =	vst v63  }
0x29: {  	_ =	swait.ge [sflag:s26], $0x4000  }
0x2a: {  	[sflag:s26] =	ssyncset.done $0x0  }
0x2b: {  	[sflag:s26] =	ssyncadd.s32 $0xFFFFC000  }
0x2c: {  	[hbm4b:s22+s3] =	stream.linear.scatter [tilespmem:s25], [sflag:$0x3], $0x4000, $0x38;
	[tilespmem:$0x1C200] =	vst v63  }
0x2d: {  	_ =	swait.ge [sflag:s26], $0x4000  }
0x2e: {  	[sflag:s26] =	ssyncset.done $0x0  }
0x2f: {  	[sflag:s26] =	ssyncadd.s32 $0xFFFFC000  }
0x30: {  	[tilespmem:s25], [sflag:$0x3] =	stream.linear.gather [spmem:s7], $0x4000, $0x38;
	[tilespmem:$0x1C200] =	vst v63  }
0x31: {  	_ =	swait.ge [sflag:s26], $0x4000  }
0x32: {  	[sflag:s26] =	ssyncset.done $0x0  }
0x33: {  	[sflag:s26] =	ssyncadd.s32 $0xFFFFC000  }
0x34: {  	[hbm4b:s18+s3] =	stream.linear.scatter [tilespmem:s25], [sflag:$0x3], $0x4000, $0x38;
	[tilespmem:$0x1C200] =	vst v63  }
0x35: {  	_ =	swait.ge [sflag:s26], $0x4000  }
0x36: {  	[sflag:s26] =	ssyncset.done $0x0  }
0x37: {  	[sflag:s26] =	ssyncadd.s32 $0xFFFFC000  }
0x38: {  	[tilespmem:s25], [sflag:$0x3] =	stream.linear.gather [spmem:s8], $0x4000, $0x38;
	[tilespmem:$0x1C200] =	vst v63  }
0x39: {  	_ =	swait.ge [sflag:s26], $0x4000  }
0x3a: {  	[sflag:s26] =	ssyncset.done $0x0  }
0x3b: {  	[sflag:s26] =	ssyncadd.s32 $0xFFFFC000  }
0x3c: {  	[hbm4b:s19+s3] =	stream.linear.scatter [tilespmem:s25], [sflag:$0x3], $0x4000, $0x38;
	[tilespmem:$0x1C200] =	vst v63  }
0x3d: {  	_ =	swait.ge [sflag:s26], $0x4000  }
0x3e: {  	[sflag:s26] =	ssyncset.done $0x0  }
0x3f: {  	[sflag:s26] =	ssyncadd.s32 $0xFFFFC000  }
0x40: {  	[tilespmem:s25], [sflag:$0x3] =	stream.linear.gather [spmem:s9], $0x4000, $0x38;
	[tilespmem:$0x1C200] =	vst v63  }
0x41: {  	_ =	swait.ge [sflag:s26], $0x4000  }
0x42: {  	[sflag:s26] =	ssyncset.done $0x0  }
0x43: {  	[sflag:s26] =	ssyncadd.s32 $0xFFFFC000  }
0x44: {  	[hbm4b:s20+s3] =	stream.linear.scatter [tilespmem:s25], [sflag:$0x3], $0x4000, $0x38;
	[tilespmem:$0x1C200] =	vst v63  }
0x45: {  	_ =	swait.ge [sflag:s26], $0x4000  }
0x46: {  	[sflag:s26] =	ssyncset.done $0x0  }
0x47: {  	[sflag:s26] =	ssyncadd.s32 $0xFFFFC000  }
0x48: {  	[tilespmem:s25], [sflag:$0x3] =	stream.linear.gather [spmem:s10], $0x4000, $0x38;
	[tilespmem:$0x1C200] =	vst v63  }
0x49: {  	s14 =	sadd.s32 $0x1, s14;
	_ =	swait.ge [sflag:s26], $0x4000  }
0x4a: {  	p3 =	sne.s32 s14, s23;
	[sflag:s26] =	ssyncset.done $0x0  }
.Ltmp1:
0x4b: {  	[sflag:s26] =	ssyncadd.s32 $0xFFFFC000;
	(pc) =	sbr.rel @!p3 .LBB2_12-.Ltmp1, $4  }
0x4c: {  	[hbm4b:s16+s3] =	stream.linear.scatter [tilespmem:s25], [sflag:$0x3], $0x4000, $0x38;
	[tilespmem:$0x1C200] =	vst v63  }
0x4d: {  	_ =	swait.ge [sflag:s26], $0x4000  }
0x4e: {  	[sflag:s26] =	ssyncset.done $0x0  }
0x4f: {  	[sflag:s26] =	ssyncadd.s32 $0xFFFFC000  }
.LBB2_1:
0x50: {  	s16 =	simm.s32 $0x0;
	s18 =	simm.s32 $0x200  }
.LBB2_2:
0x51: {  	p3 =	sne.s32 s18, $0xFE00;
	[tilespmem:s16+$0x14270] =	vst v0  }
0x52: {  	[tilespmem:s16+$0x14200] =	vst v0  }
0x53: {  	[tilespmem:s16+$0x14210] =	vst v0  }
.Ltmp2:
0x54: {  	[tilespmem:s16+$0x14220] =	vst v0;
	(pc) =	sbr.rel @p3 .LBB2_2-.Ltmp2, $4  }
0x55: {  	[tilespmem:s16+$0x14230] =	vst v0  }
0x56: {  	[tilespmem:s16+$0x14240] =	vst v0  }
0x57: {  	[tilespmem:s16+$0x14250] =	vst v0  }
0x58: {  	[tilespmem:s16+$0x14260] =	vst v0;
	s16 =	sshra.s32 s18, $0x2;
	s18 =	sadd.s32 $0x200, s18  }
0x59: {  	[tilespmem:s16+$0x14270] =	vst v0  }
0x5a: {  	[tilespmem:s16+$0x14200] =	vst v0  }
0x5b: {  	[tilespmem:s16+$0x14210] =	vst v0  }
0x5c: {  	[tilespmem:s16+$0x14220] =	vst v0  }
0x5d: {  	[tilespmem:s16+$0x14230] =	vst v0  }
0x5e: {  	[tilespmem:s16+$0x14240] =	vst v0  }
0x5f: {  	[tilespmem:s16+$0x14250] =	vst v0  }
0x60: {  	[tilespmem:s16+$0x14260] =	vst v0  }
0x61: {  	[spmem:s6] =	stream.linear.scatter [tilespmem:s25], [sflag:$0x3], $0x4000, $0x38;
	[tilespmem:$0x1C200] =	vst v63  }
0x62: {  	_ =	swait.ge [sflag:s26], $0x4000  }
0x63: {  	[sflag:s26] =	ssyncset.done $0x0  }
0x64: {  	[sflag:s26] =	ssyncadd.s32 $0xFFFFC000  }
0x65: {  	[spmem:s7] =	stream.linear.scatter [tilespmem:s25], [sflag:$0x3], $0x4000, $0x38;
	[tilespmem:$0x1C200] =	vst v63  }
0x66: {  	_ =	swait.ge [sflag:s26], $0x4000  }
0x67: {  	[sflag:s26] =	ssyncset.done $0x0  }
0x68: {  	[sflag:s26] =	ssyncadd.s32 $0xFFFFC000  }
0x69: {  	[spmem:s8] =	stream.linear.scatter [tilespmem:s25], [sflag:$0x3], $0x4000, $0x38;
	[tilespmem:$0x1C200] =	vst v63  }
0x6a: {  	_ =	swait.ge [sflag:s26], $0x4000  }
0x6b: {  	[sflag:s26] =	ssyncset.done $0x0  }
0x6c: {  	[sflag:s26] =	ssyncadd.s32 $0xFFFFC000  }
0x6d: {  	[spmem:s9] =	stream.linear.scatter [tilespmem:s25], [sflag:$0x3], $0x4000, $0x38;
	[tilespmem:$0x1C200] =	vst v63  }
0x6e: {  	_ =	swait.ge [sflag:s26], $0x4000  }
0x6f: {  	[sflag:s26] =	ssyncset.done $0x0  }
0x70: {  	[sflag:s26] =	ssyncadd.s32 $0xFFFFC000  }
0x71: {  	[spmem:s10] =	stream.linear.scatter [tilespmem:s25], [sflag:$0x3], $0x4000, $0x38;
	[tilespmem:$0x1C200] =	vst v63  }
0x72: {  	_ =	swait.ge [sflag:s26], $0x4000  }
0x73: {  	[sflag:s26] =	ssyncset.done $0x0  }
0x74: {  	[sflag:s26] =	ssyncadd.s32 $0xFFFFC000  }
.Ltmp3:
0x75: {  	[bflag:$0x0] =	sbarrier.arrive $0xFFFF;
	(pc) =	sbr.rel @p0 .LBB2_7-.Ltmp3, $4  }
0x76: {  	[tilespmem:s28], [sflag:$0x3] =	stream.linear.gather [hbm4b:s11+s3], $0x100, $0x38;
	[tilespmem:$0x1C200] =	vst v63  }
0x77: {  	_ =	swait.ge [sflag:s26], $0x100  }
0x78: {  	[sflag:s26] =	ssyncset.done $0x0  }
0x79: {  	[sflag:s26] =	ssyncadd.s32 $0xFFFFFF00  }
0x7a: {  	[tilespmem:s25], [sflag:$0x1] =	stream.indirect.gather [hbm4b:s4+s29], $0x80, s28, s29, $0xb8;
	[tilespmem:$0x1C200] =	vst v63  }
0x7b: {  	s16 =	sadd.s32 $0xFFFF6800, s11  }
0x7c: {  	s17 =	sadd.s32 $0x9A00, s16  }
0x7d: {  	[tilespmem:s30], [sflag:$0x3] =	stream.linear.gather [hbm4b:s17+s3], $0x100, $0x38;
	[tilespmem:$0x1C200] =	vst v63  }
0x7e: {  	_ =	swait.ge [sflag:s26], $0x100  }
0x7f: {  	[sflag:s26] =	ssyncset.done $0x0  }
0x80: {  	[sflag:s26] =	ssyncadd.s32 $0xFFFFFF00  }
0x81: {  	[tilespmem:s31], [sflag:$0x2] =	stream.indirect.gather [hbm4b:s4+s29], $0x80, s30, s29, $0xb8;
	[tilespmem:$0x1C200] =	vst v63  }
0x82: {  	_ =	swait.ge [sflag:s0], $0x4000  }
0x83: {  	[sflag:s0] =	ssyncset.done $0x0  }
0x84: {  	[sflag:s0] =	ssyncadd.s32 $0xFFFFC000  }
0x85: {  	[spmem:s1] =	stream.indirect.scatter.add.f32 [tilespmem:s25], [sflag:$0x3], $0x80, s2, s29, $0xb8;
	[tilespmem:$0x1C200] =	vst v63  }
0x86: {  	_ =	swait.ge [sflag:s26], $0x4000  }
0x87: {  	[sflag:s26] =	ssyncset.done $0x0  }
0x88: {  	s16 =	sadd.s32 $0x9C00, s16;
	[sflag:s26] =	ssyncadd.s32 $0xFFFFC000  }
0x89: {  	[tilespmem:s28], [sflag:$0x3] =	stream.linear.gather [hbm4b:s16+s3], $0x100, $0x38;
	[tilespmem:$0x1C200] =	vst v63  }
0x8a: {  	_ =	swait.ge [sflag:s26], $0x100  }
0x8b: {  	[sflag:s26] =	ssyncset.done $0x0  }
0x8c: {  	[sflag:s26] =	ssyncadd.s32 $0xFFFFFF00  }
0x8d: {  	[tilespmem:s25], [sflag:$0x1] =	stream.indirect.gather [hbm4b:s4+s29], $0x80, s28, s29, $0xb8;
	[tilespmem:$0x1C200] =	vst v63  }
0x8e: {  	_ =	swait.ge [sflag:s12], $0x4000  }
0x8f: {  	[sflag:s12] =	ssyncset.done $0x0  }
0x90: {  	[sflag:s12] =	ssyncadd.s32 $0xFFFFC000  }
0x91: {  	[spmem:s1] =	stream.indirect.scatter.add.f32 [tilespmem:s31], [sflag:$0x3], $0x80, s13, s29, $0xb8;
	[tilespmem:$0x1C200] =	vst v63  }
0x92: {  	_ =	swait.ge [sflag:s26], $0x4000  }
0x93: {  	s17 =	simm.s32 $0xFFFF7000;
	s16 =	sadd.s32 $0xFFFF6C00, s11;
	[sflag:s26] =	ssyncset.done $0x0  }
.LBB2_5:
0x94: {  	s18 =	sadd.s32 $0x9A00, s16  }
0x95: {  	[sflag:s26] =	ssyncadd.s32 $0xFFFFC000;
	s19 =	smov.u32 s17;
	s20 =	sadd.s32 $0x400, s17  }
0x96: {  	[tilespmem:s30], [sflag:$0x3] =	stream.linear.gather [hbm4b:s18+s3], $0x100, $0x38;
	[tilespmem:$0x1C200] =	vst v63  }
0x97: {  	p3 =	sne.s32 s17, $0xFFFFFC00;
	_ =	swait.ge [sflag:s26], $0x100  }
0x98: {  	[sflag:s26] =	ssyncset.done $0x0  }
0x99: {  	[sflag:s26] =	ssyncadd.s32 $0xFFFFFF00  }
0x9a: {  	[tilespmem:s31], [sflag:$0x2] =	stream.indirect.gather [hbm4b:s4+s29], $0x80, s30, s29, $0xb8;
	[tilespmem:$0x1C200] =	vst v63  }
0x9b: {  	_ =	swait.ge [sflag:s0], $0x4000  }
0x9c: {  	[sflag:s0] =	ssyncset.done $0x0  }
0x9d: {  	[sflag:s0] =	ssyncadd.s32 $0xFFFFC000  }
0x9e: {  	[spmem:s1] =	stream.indirect.scatter.add.f32 [tilespmem:s25], [sflag:$0x3], $0x80, s2, s29, $0xb8;
	[tilespmem:$0x1C200] =	vst v63  }
0x9f: {  	_ =	swait.ge [sflag:s26], $0x4000  }
0xa0: {  	[sflag:s26] =	ssyncset.done $0x0  }
0xa1: {  	s16 =	sadd.s32 $0x9C00, s16;
	[sflag:s26] =	ssyncadd.s32 $0xFFFFC000  }
0xa2: {  	[tilespmem:s28], [sflag:$0x3] =	stream.linear.gather [hbm4b:s16+s3], $0x100, $0x38;
	[tilespmem:$0x1C200] =	vst v63  }
0xa3: {  	_ =	swait.ge [sflag:s26], $0x100  }
0xa4: {  	[sflag:s26] =	ssyncset.done $0x0  }
0xa5: {  	[sflag:s26] =	ssyncadd.s32 $0xFFFFFF00  }
0xa6: {  	[tilespmem:s25], [sflag:$0x1] =	stream.indirect.gather [hbm4b:s4+s29], $0x80, s28, s29, $0xb8;
	[tilespmem:$0x1C200] =	vst v63  }
0xa7: {  	_ =	swait.ge [sflag:s12], $0x4000  }
.Ltmp4:
0xa8: {  	[sflag:s12] =	ssyncset.done $0x0;
	(pc) =	sbr.rel @p3 .LBB2_5-.Ltmp4, $4  }
0xa9: {  	[sflag:s12] =	ssyncadd.s32 $0xFFFFC000  }
0xaa: {  	[spmem:s1] =	stream.indirect.scatter.add.f32 [tilespmem:s31], [sflag:$0x3], $0x80, s13, s29, $0xb8;
	[tilespmem:$0x1C200] =	vst v63  }
0xab: {  	_ =	swait.ge [sflag:s26], $0x4000  }
0xac: {  	s17 =	smov.u32 s20;
	s16 =	sadd.s32 s19, s11;
	[sflag:s26] =	ssyncset.done $0x0  }
0xad: {  	s17 =	sadd.s32 $0x9A00, s16;
	[sflag:s26] =	ssyncadd.s32 $0xFFFFC000  }
0xae: {  	[tilespmem:s30], [sflag:$0x3] =	stream.linear.gather [hbm4b:s17+s3], $0x100, $0x38;
	[tilespmem:$0x1C200] =	vst v63  }
0xaf: {  	_ =	swait.ge [sflag:s26], $0x100  }
0xb0: {  	[sflag:s26] =	ssyncset.done $0x0  }
0xb1: {  	[sflag:s26] =	ssyncadd.s32 $0xFFFFFF00  }
0xb2: {  	[tilespmem:s31], [sflag:$0x2] =	stream.indirect.gather [hbm4b:s4+s29], $0x80, s30, s29, $0xb8;
	[tilespmem:$0x1C200] =	vst v63  }
0xb3: {  	_ =	swait.ge [sflag:s0], $0x4000  }
0xb4: {  	[sflag:s0] =	ssyncset.done $0x0  }
0xb5: {  	[sflag:s0] =	ssyncadd.s32 $0xFFFFC000  }
0xb6: {  	[spmem:s1] =	stream.indirect.scatter.add.f32 [tilespmem:s25], [sflag:$0x3], $0x80, s2, s29, $0xb8;
	[tilespmem:$0x1C200] =	vst v63  }
0xb7: {  	_ =	swait.ge [sflag:s26], $0x4000  }
0xb8: {  	[sflag:s26] =	ssyncset.done $0x0  }
0xb9: {  	s22 =	sadd.s32 $0x9C00, s16;
	[sflag:s26] =	ssyncadd.s32 $0xFFFFC000  }
0xba: {  	[tilespmem:s28], [sflag:$0x3] =	stream.linear.gather [hbm4b:s22+s3], $0x100, $0x38;
	[tilespmem:$0x1C200] =	vst v63  }
0xbb: {  	_ =	swait.ge [sflag:s26], $0x100  }
0xbc: {  	[sflag:s26] =	ssyncset.done $0x0  }
0xbd: {  	[sflag:s26] =	ssyncadd.s32 $0xFFFFFF00  }
0xbe: {  	[tilespmem:s25], [sflag:$0x1] =	stream.indirect.gather [hbm4b:s4+s29], $0x80, s28, s29, $0xb8;
	[tilespmem:$0x1C200] =	vst v63  }
0xbf: {  	_ =	swait.ge [sflag:s12], $0x4000  }
0xc0: {  	[sflag:s12] =	ssyncset.done $0x0  }
0xc1: {  	[sflag:s12] =	ssyncadd.s32 $0xFFFFC000  }
0xc2: {  	[spmem:s1] =	stream.indirect.scatter.add.f32 [tilespmem:s31], [sflag:$0x3], $0x80, s13, s29, $0xb8;
	[tilespmem:$0x1C200] =	vst v63  }
0xc3: {  	_ =	swait.ge [sflag:s26], $0x4000  }
0xc4: {  	[sflag:s26] =	ssyncset.done $0x0  }
0xc5: {  	[sflag:s26] =	ssyncadd.s32 $0xFFFFC000  }
0xc6: {  	[tilespmem:s30], [sflag:$0x3] =	stream.linear.gather [hbm4b:s24+s3], $0x100, $0x38;
	[tilespmem:$0x1C200] =	vst v63  }
0xc7: {  	_ =	swait.ge [sflag:s26], $0x100  }
0xc8: {  	[sflag:s26] =	ssyncset.done $0x0  }
0xc9: {  	[sflag:s26] =	ssyncadd.s32 $0xFFFFFF00  }
0xca: {  	[tilespmem:s31], [sflag:$0x2] =	stream.indirect.gather [hbm4b:s4+s29], $0x80, s30, s29, $0xb8;
	[tilespmem:$0x1C200] =	vst v63  }
0xcb: {  	_ =	swait.ge [sflag:s0], $0x4000  }
0xcc: {  	[sflag:s0] =	ssyncset.done $0x0  }
0xcd: {  	[sflag:s0] =	ssyncadd.s32 $0xFFFFC000  }
0xce: {  	[spmem:s1] =	stream.indirect.scatter.add.f32 [tilespmem:s25], [sflag:$0x3], $0x80, s2, s29, $0xb8;
	[tilespmem:$0x1C200] =	vst v63  }
0xcf: {  	_ =	swait.ge [sflag:s26], $0x4000  }
0xd0: {  	[sflag:s26] =	ssyncset.done $0x0  }
0xd1: {  	[sflag:s26] =	ssyncadd.s32 $0xFFFFC000  }
0xd2: {  	_ =	swait.ge [sflag:s12], $0x4000  }
0xd3: {  	[sflag:s12] =	ssyncset.done $0x0  }
0xd4: {  	[sflag:s12] =	ssyncadd.s32 $0xFFFFC000  }
0xd5: {  	[spmem:s1] =	stream.indirect.scatter.add.f32 [tilespmem:s31], [sflag:$0x3], $0x80, s13, s29, $0xb8;
	[tilespmem:$0x1C200] =	vst v63  }
.Ltmp5:
0xd6: {  	_ =	swait.ge [sflag:s26], $0x4000;
	(pc) =	sbr.rel @p1 .LBB2_10-.Ltmp5, $4  }
.Ltmp6:
0xd7: {  	s22 =	rddreg [dreg:$0x9];
	(pc) =	sbr.rel @!p1 .LBB2_11-.Ltmp6, $4  }
0xd8: {  	s18 =	rddreg [dreg:$0xa]  }
0xd9: {  	s16 =	smov.u32 s21;
	[sflag:s26] =	ssyncset.done $0x0;
	s19 =	rddreg [dreg:$0xb]  }
0xda: {  	s17 =	smov.u32 s4;
	s20 =	rddreg [dreg:$0xd];
	[sflag:s26] =	ssyncadd.s32 $0xFFFFC000  }
0xdb: {  	_ = 	snop  }
.LBB2_7:
0xdc: {  	[tilespmem:s25], [sflag:$0x1] =	stream.indirect.gather [hbm4b:s5+s29], $0x80, s28, s29, $0xb8;
	[tilespmem:$0x1C200] =	vst v63  }
0xdd: {  	s16 =	sadd.s32 $0xFFFF6800, s11  }
0xde: {  	s17 =	sadd.s32 $0x9A00, s16  }
0xdf: {  	[tilespmem:s30], [sflag:$0x3] =	stream.linear.gather [hbm4b:s17+s3], $0x100, $0x38;
	[tilespmem:$0x1C200] =	vst v63  }
0xe0: {  	_ =	swait.ge [sflag:s26], $0x100  }
0xe1: {  	[sflag:s26] =	ssyncset.done $0x0  }
0xe2: {  	[sflag:s26] =	ssyncadd.s32 $0xFFFFFF00  }
0xe3: {  	[tilespmem:s31], [sflag:$0x2] =	stream.indirect.gather [hbm4b:s5+s29], $0x80, s30, s29, $0xb8;
	[tilespmem:$0x1C200] =	vst v63  }
0xe4: {  	_ =	swait.ge [sflag:s0], $0x4000  }
0xe5: {  	[sflag:s0] =	ssyncset.done $0x0  }
0xe6: {  	[sflag:s0] =	ssyncadd.s32 $0xFFFFC000  }
0xe7: {  	[spmem:s1] =	stream.indirect.scatter.add.f32 [tilespmem:s25], [sflag:$0x3], $0x80, s2, s29, $0xb8;
	[tilespmem:$0x1C200] =	vst v63  }
0xe8: {  	_ =	swait.ge [sflag:s26], $0x4000  }
0xe9: {  	[sflag:s26] =	ssyncset.done $0x0  }
0xea: {  	s16 =	sadd.s32 $0x9C00, s16;
	[sflag:s26] =	ssyncadd.s32 $0xFFFFC000  }
0xeb: {  	[tilespmem:s28], [sflag:$0x3] =	stream.linear.gather [hbm4b:s16+s3], $0x100, $0x38;
	[tilespmem:$0x1C200] =	vst v63  }
0xec: {  	_ =	swait.ge [sflag:s26], $0x100  }
0xed: {  	[sflag:s26] =	ssyncset.done $0x0  }
0xee: {  	[sflag:s26] =	ssyncadd.s32 $0xFFFFFF00  }
0xef: {  	[tilespmem:s25], [sflag:$0x1] =	stream.indirect.gather [hbm4b:s5+s29], $0x80, s28, s29, $0xb8;
	[tilespmem:$0x1C200] =	vst v63  }
0xf0: {  	_ =	swait.ge [sflag:s12], $0x4000  }
0xf1: {  	[sflag:s12] =	ssyncset.done $0x0  }
0xf2: {  	[sflag:s12] =	ssyncadd.s32 $0xFFFFC000  }
0xf3: {  	[spmem:s1] =	stream.indirect.scatter.add.f32 [tilespmem:s31], [sflag:$0x3], $0x80, s13, s29, $0xb8;
	[tilespmem:$0x1C200] =	vst v63  }
0xf4: {  	_ =	swait.ge [sflag:s26], $0x4000  }
0xf5: {  	s17 =	simm.s32 $0xFFFF7000;
	s16 =	sadd.s32 $0xFFFF6C00, s11;
	[sflag:s26] =	ssyncset.done $0x0  }
.LBB2_8:
0xf6: {  	s18 =	sadd.s32 $0x9A00, s16  }
0xf7: {  	[sflag:s26] =	ssyncadd.s32 $0xFFFFC000;
	s19 =	smov.u32 s17;
	s20 =	sadd.s32 $0x400, s17  }
0xf8: {  	[tilespmem:s30], [sflag:$0x3] =	stream.linear.gather [hbm4b:s18+s3], $0x100, $0x38;
	[tilespmem:$0x1C200] =	vst v63  }
0xf9: {  	p3 =	sne.s32 s17, $0xFFFFFC00;
	_ =	swait.ge [sflag:s26], $0x100  }
0xfa: {  	[sflag:s26] =	ssyncset.done $0x0  }
0xfb: {  	[sflag:s26] =	ssyncadd.s32 $0xFFFFFF00  }
0xfc: {  	[tilespmem:s31], [sflag:$0x2] =	stream.indirect.gather [hbm4b:s5+s29], $0x80, s30, s29, $0xb8;
	[tilespmem:$0x1C200] =	vst v63  }
0xfd: {  	_ =	swait.ge [sflag:s0], $0x4000  }
0xfe: {  	[sflag:s0] =	ssyncset.done $0x0  }
0xff: {  	[sflag:s0] =	ssyncadd.s32 $0xFFFFC000  }
0x100: {  	[spmem:s1] =	stream.indirect.scatter.add.f32 [tilespmem:s25], [sflag:$0x3], $0x80, s2, s29, $0xb8;
	[tilespmem:$0x1C200] =	vst v63  }
0x101: {  	_ =	swait.ge [sflag:s26], $0x4000  }
0x102: {  	[sflag:s26] =	ssyncset.done $0x0  }
0x103: {  	s16 =	sadd.s32 $0x9C00, s16;
	[sflag:s26] =	ssyncadd.s32 $0xFFFFC000  }
0x104: {  	[tilespmem:s28], [sflag:$0x3] =	stream.linear.gather [hbm4b:s16+s3], $0x100, $0x38;
	[tilespmem:$0x1C200] =	vst v63  }
0x105: {  	_ =	swait.ge [sflag:s26], $0x100  }
0x106: {  	[sflag:s26] =	ssyncset.done $0x0  }
0x107: {  	[sflag:s26] =	ssyncadd.s32 $0xFFFFFF00  }
0x108: {  	[tilespmem:s25], [sflag:$0x1] =	stream.indirect.gather [hbm4b:s5+s29], $0x80, s28, s29, $0xb8;
	[tilespmem:$0x1C200] =	vst v63  }
0x109: {  	_ =	swait.ge [sflag:s12], $0x4000  }
.Ltmp7:
0x10a: {  	[sflag:s12] =	ssyncset.done $0x0;
	(pc) =	sbr.rel @p3 .LBB2_8-.Ltmp7, $4  }
0x10b: {  	[sflag:s12] =	ssyncadd.s32 $0xFFFFC000  }
0x10c: {  	[spmem:s1] =	stream.indirect.scatter.add.f32 [tilespmem:s31], [sflag:$0x3], $0x80, s13, s29, $0xb8;
	[tilespmem:$0x1C200] =	vst v63  }
0x10d: {  	_ =	swait.ge [sflag:s26], $0x4000  }
0x10e: {  	s17 =	smov.u32 s20;
	s16 =	sadd.s32 s19, s11;
	[sflag:s26] =	ssyncset.done $0x0  }
0x10f: {  	s17 =	sadd.s32 $0x9A00, s16;
	[sflag:s26] =	ssyncadd.s32 $0xFFFFC000  }
0x110: {  	[tilespmem:s30], [sflag:$0x3] =	stream.linear.gather [hbm4b:s17+s3], $0x100, $0x38;
	[tilespmem:$0x1C200] =	vst v63  }
0x111: {  	_ =	swait.ge [sflag:s26], $0x100  }
0x112: {  	[sflag:s26] =	ssyncset.done $0x0  }
0x113: {  	[sflag:s26] =	ssyncadd.s32 $0xFFFFFF00  }
0x114: {  	[tilespmem:s31], [sflag:$0x2] =	stream.indirect.gather [hbm4b:s5+s29], $0x80, s30, s29, $0xb8;
	[tilespmem:$0x1C200] =	vst v63  }
0x115: {  	_ =	swait.ge [sflag:s0], $0x4000  }
0x116: {  	[sflag:s0] =	ssyncset.done $0x0  }
0x117: {  	[sflag:s0] =	ssyncadd.s32 $0xFFFFC000  }
0x118: {  	[spmem:s1] =	stream.indirect.scatter.add.f32 [tilespmem:s25], [sflag:$0x3], $0x80, s2, s29, $0xb8;
	[tilespmem:$0x1C200] =	vst v63  }
0x119: {  	_ =	swait.ge [sflag:s26], $0x4000  }
0x11a: {  	[sflag:s26] =	ssyncset.done $0x0  }
0x11b: {  	s22 =	sadd.s32 $0x9C00, s16;
	[sflag:s26] =	ssyncadd.s32 $0xFFFFC000  }
0x11c: {  	[tilespmem:s28], [sflag:$0x3] =	stream.linear.gather [hbm4b:s22+s3], $0x100, $0x38;
	[tilespmem:$0x1C200] =	vst v63  }
0x11d: {  	_ =	swait.ge [sflag:s26], $0x100  }
0x11e: {  	[sflag:s26] =	ssyncset.done $0x0  }
0x11f: {  	[sflag:s26] =	ssyncadd.s32 $0xFFFFFF00  }
0x120: {  	[tilespmem:s25], [sflag:$0x1] =	stream.indirect.gather [hbm4b:s5+s29], $0x80, s28, s29, $0xb8;
	[tilespmem:$0x1C200] =	vst v63  }
0x121: {  	_ =	swait.ge [sflag:s12], $0x4000  }
0x122: {  	[sflag:s12] =	ssyncset.done $0x0  }
0x123: {  	[sflag:s12] =	ssyncadd.s32 $0xFFFFC000  }
0x124: {  	[spmem:s1] =	stream.indirect.scatter.add.f32 [tilespmem:s31], [sflag:$0x3], $0x80, s13, s29, $0xb8;
	[tilespmem:$0x1C200] =	vst v63  }
0x125: {  	_ =	swait.ge [sflag:s26], $0x4000  }
0x126: {  	[sflag:s26] =	ssyncset.done $0x0  }
0x127: {  	[sflag:s26] =	ssyncadd.s32 $0xFFFFC000  }
0x128: {  	[tilespmem:s30], [sflag:$0x3] =	stream.linear.gather [hbm4b:s24+s3], $0x100, $0x38;
	[tilespmem:$0x1C200] =	vst v63  }
0x129: {  	_ =	swait.ge [sflag:s26], $0x100  }
0x12a: {  	[sflag:s26] =	ssyncset.done $0x0  }
0x12b: {  	[sflag:s26] =	ssyncadd.s32 $0xFFFFFF00  }
0x12c: {  	[tilespmem:s31], [sflag:$0x2] =	stream.indirect.gather [hbm4b:s5+s29], $0x80, s30, s29, $0xb8;
	[tilespmem:$0x1C200] =	vst v63  }
0x12d: {  	_ =	swait.ge [sflag:s0], $0x4000  }
0x12e: {  	[sflag:s0] =	ssyncset.done $0x0  }
0x12f: {  	[sflag:s0] =	ssyncadd.s32 $0xFFFFC000  }
0x130: {  	[spmem:s1] =	stream.indirect.scatter.add.f32 [tilespmem:s25], [sflag:$0x3], $0x80, s2, s29, $0xb8;
	[tilespmem:$0x1C200] =	vst v63  }
0x131: {  	_ =	swait.ge [sflag:s26], $0x4000  }
0x132: {  	[sflag:s26] =	ssyncset.done $0x0  }
0x133: {  	[sflag:s26] =	ssyncadd.s32 $0xFFFFC000  }
0x134: {  	_ =	swait.ge [sflag:s12], $0x4000  }
0x135: {  	[sflag:s12] =	ssyncset.done $0x0  }
0x136: {  	[sflag:s12] =	ssyncadd.s32 $0xFFFFC000  }
0x137: {  	[spmem:s1] =	stream.indirect.scatter.add.f32 [tilespmem:s31], [sflag:$0x3], $0x80, s13, s29, $0xb8;
	[tilespmem:$0x1C200] =	vst v63  }
0x138: {  	_ =	swait.ge [sflag:s26], $0x4000  }
.Ltmp8:
0x139: {  	s22 =	rddreg [dreg:$0x4];
	(pc) =	sbr.rel @p2 .LBB2_11-.Ltmp8, $4  }
.Ltmp9:
0x13a: {  	s18 =	rddreg [dreg:$0x5];
	(pc) =	sbr.rel @!p2 .LBB2_10-.Ltmp9, $4  }
0x13b: {  	s19 =	rddreg [dreg:$0x6]  }
0x13c: {  	[sflag:s26] =	ssyncset.done $0x0;
	s20 =	rddreg [dreg:$0x7]  }
0x13d: {  	s17 =	smov.u32 s5;
	s16 =	rddreg [dreg:$0x8];
	[sflag:s26] =	ssyncadd.s32 $0xFFFFC000  }
0x13e: {  	_ = 	snop  }
.LBB2_12:
0x13f: {  	_ =	sfence.sel $0x180000  }
0x140: {  	[bflag:$0x0] =	sbarrier.arrive $0xFFFF  }
0x141: {  	_ =	strace $0x9000004A  }
0x142: {  	s0 =	stileid.u32;
	[bflag:$0x2] =	sbarrier.arrive $0xFFFF  }
0x143: {  	p0 =	sne.s32 s0, $0x0;
	s0 =	rddreg [dreg:$0x3]  }
0x144: {  	s0 =	sadd.s32 @!p0 $0x100000, s0  }
0x145: {  	[sflag:s0] =	ssyncadd.tile.s32 @!p0 $0x1;
	_ =	shalt  }
.Lfunc_end2:
_tile_overlayer_lowered:
.L_overlay_start_2:
0x146: {  	(tag) =	ssettag $0x2  }
0x147: {  	s0 =	rddreg [dreg:$0x0];
	s2 =	stileid.u32  }
0x148: {  	s1 =	rddreg [dreg:$0x1];
	p0 =	sne.s32 s2, $0x0  }
0x149: {  	s3 =	rddreg [dreg:$0x2];
	[bflag:$0x3] =	sbarrier.arrive $0xFFFF;
	s2 =	simm.s32 @!p0 $0x1C03  }
0x14a: {  	[timem:s3], [sflag:s2] =	dma.local @!p0 [hbm:s0], s1  }
0x14b: {  	s0 =	simm.s32 @!p0 $0x3  }
0x14c: {  	_ =	swait.ge @!p0 [sflag:s0], s1  }
0x14d: {  	s1 =	ssub.s32 @!p0 $0x0, s1;
	[sflag:s0] =	ssyncset.done @!p0 $0x0  }
0x14e: {  	[sflag:s0] =	ssyncadd.s32 @!p0 s1  }
0x14f: {  	[bflag:$0x3] =	sbarrier.arrive $0xFFFF  }
0x150: {  	_ =	shalt  }

</sc_bundles>
